<compile_context>
chip_gen: v7x
topology: tpu7x:2x2x1
jax: 0.10.2.dev20260603
libtpu: 0.0.44.dev20260713+nightly
codegen_flags: <defaults>
</compile_context>

<pallas_src>
import functools

import jax
import jax.numpy as jnp
from jax import lax
from jax.experimental import pallas as pl
from jax.experimental.pallas import tpu as pltpu
from jax.experimental.pallas import tpu_sc as plsc

N = 10000
E = 320000
NC = 2
NS = 16
NW = NC * NS
K = 512
E_PAD = 327680
NCH_T = E_PAD // NS // K
NCH_W = E_PAD // NW // K
EPT = E_PAD // NS
EPW = E_PAD // NW
D = 4
OFF = D // 2
N_PAD = 10240
RPT = N_PAD // NS
RBLK = 2000
GRID = N // RBLK

_mesh = plsc.VectorSubcoreMesh(core_axis_name="c", subcore_axis_name="s")
_params = pltpu.CompilerParams(use_tc_tiling_on_sc=False)


def _ds(j):
    return pl.ds(pl.multiple_of(j * K, K), K)


def _make_agg(CH, NCH, col_split, dtype=jnp.float32):
    EPB = NCH * K

    @functools.partial(
        pl.kernel,
        out_type=jax.ShapeDtypeStruct((NC, N_PAD, CH), dtype),
        mesh=_mesh,
        compiler_params=_params,
        scratch_types=[
            pltpu.VMEM((EPB,), jnp.int32),
            pltpu.VMEM((EPB,), jnp.int32),
            [pltpu.VMEM((K, CH), dtype)] * D,
            pltpu.VMEM_SHARED((N_PAD, CH), dtype),
            [pltpu.SemaphoreType.DMA] * D,
            [pltpu.SemaphoreType.DMA] * D,
        ],
    )
    def agg(src_hbm, dst_hbm, table_hbm, zeros_hbm, out_hbm,
            src_v, dst_v, bufs, acc, gsems, ssems):
        cc = lax.axis_index("c")
        ss = lax.axis_index("s")
        wid = ss if col_split else ss * NC + cc

        pltpu.sync_copy(zeros_hbm, acc.at[pl.ds(ss * RPT, RPT)])
        plsc.subcore_barrier()

        pltpu.sync_copy(src_hbm.at[pl.ds(wid * EPB, EPB)], src_v)
        pltpu.sync_copy(dst_hbm.at[pl.ds(wid * EPB, EPB)], dst_v)

        tab = table_hbm.at[cc] if col_split else table_hbm

        def wait_gather(b):
            pltpu.make_async_copy(tab.at[src_v.at[_ds(0)]], bufs[b],
                                  gsems[b]).wait()

        def wait_scatter(b):
            pltpu.make_async_copy(bufs[b], acc.at[dst_v.at[_ds(0)]],
                                  ssems[b]).wait()

        for b in range(OFF):
            pltpu.async_copy(tab.at[src_v.at[_ds(b)]], bufs[b], gsems[b])

        def block(i, carry):
            jb = i * D
            for b in range(D):
                j = jb + b
                b2 = (b + OFF) % D
                wait_gather(b)
                pltpu.async_copy(bufs[b], acc.at[dst_v.at[_ds(j)]], ssems[b],
                                 add=True)
                if b >= D - OFF:
                    wait_scatter(b2)
                else:
                    @pl.when(i > 0)
                    def _():
                        wait_scatter(b2)
                jn = lax.min(j + OFF, NCH - 1)
                pltpu.async_copy(tab.at[src_v.at[_ds(jn)]], bufs[b2],
                                 gsems[b2])
            return carry

        lax.fori_loop(0, NCH // D, block, 0)
        for b in range(OFF, D):
            wait_scatter(b)
        for b in range(OFF):
            wait_gather(b)

        plsc.subcore_barrier()
        pltpu.sync_copy(acc.at[pl.ds(ss * RPT, RPT)],
                        out_hbm.at[cc, pl.ds(ss * RPT, RPT)])

    return agg


_agg1 = _make_agg(64, NCH_T, col_split=True, dtype=jnp.bfloat16)
_agg2 = _make_agg(64, NCH_W, col_split=False, dtype=jnp.bfloat16)

_DEGC = 8
_DG = 4


_REAL_LAST = E - (NW - 1) * EPW
_PADN = E_PAD - E


@functools.partial(
    pl.kernel,
    out_type=(
        jax.ShapeDtypeStruct((NC, N_PAD, _DEGC), jnp.float32),
        jax.ShapeDtypeStruct((E_PAD,), jnp.int32),
        jax.ShapeDtypeStruct((E_PAD,), jnp.int32),
    ),
    mesh=_mesh,
    compiler_params=_params,
    scratch_types=[
        pltpu.VMEM((EPW,), jnp.int32),
        pltpu.VMEM((EPW,), jnp.int32),
        pltpu.VMEM((K, _DEGC), jnp.float32),
        pltpu.VMEM_SHARED((N_PAD, _DEGC), jnp.float32),
        pltpu.SemaphoreType.DMA,
    ],
)
def _deg(edge_hbm, pads_hbm, ones_hbm, zeros_hbm,
         out_hbm, src_lin, dst_lin, src_v, dst_v, ones_v, acc, sem):
    cc = lax.axis_index("c")
    ss = lax.axis_index("s")
    wid = ss * NC + cc

    pltpu.sync_copy(zeros_hbm, acc.at[pl.ds(ss * RPT, RPT)])
    plsc.subcore_barrier()

    @pl.when(wid < NW - 1)
    def _():
        pltpu.sync_copy(edge_hbm.at[0, pl.ds(wid * EPW, EPW)], src_v)
        pltpu.sync_copy(edge_hbm.at[1, pl.ds(wid * EPW, EPW)], dst_v)

    @pl.when(wid == NW - 1)
    def _():
        base = (NW - 1) * EPW
        pltpu.sync_copy(edge_hbm.at[0, pl.ds(base, _REAL_LAST)],
                        src_v.at[pl.ds(0, _REAL_LAST)])
        pltpu.sync_copy(edge_hbm.at[1, pl.ds(base, _REAL_LAST)],
                        dst_v.at[pl.ds(0, _REAL_LAST)])
        pltpu.sync_copy(pads_hbm.at[0], src_v.at[pl.ds(_REAL_LAST, _PADN)])
        pltpu.sync_copy(pads_hbm.at[1], dst_v.at[pl.ds(_REAL_LAST, _PADN)])

    pltpu.sync_copy(src_v, src_lin.at[pl.ds(wid * EPW, EPW)])
    pltpu.sync_copy(dst_v, dst_lin.at[pl.ds(wid * EPW, EPW)])

    pltpu.sync_copy(ones_hbm, ones_v)

    def step(i, carry):
        for b in range(_DG):
            pltpu.async_copy(ones_v, acc.at[dst_v.at[_ds(i * _DG + b)]], sem,
                             add=True)
        for b in range(_DG):
            pltpu.make_async_copy(ones_v, acc.at[dst_v.at[_ds(0)]],
                                  sem).wait()
        return carry

    lax.fori_loop(0, NCH_W // _DG, step, 0)

    plsc.subcore_barrier()
    pltpu.sync_copy(acc.at[pl.ds(ss * RPT, RPT)],
                    out_hbm.at[cc, pl.ds(ss * RPT, RPT)])



def _prep_body(degp_ref, x_ref, xp2_ref, dinv_ref):
    deg = degp_ref[0, :, 0:1] + degp_ref[1, :, 0:1] + 1.0
    dinv = lax.rsqrt(deg)
    xp = (x_ref[...] * dinv).astype(jnp.bfloat16)
    xp2_ref[0] = xp[:, :64]
    xp2_ref[1] = xp[:, 64:]
    dinv_ref[...] = dinv


def _prep(degp, x):
    return pl.pallas_call(
        _prep_body,
        grid=(GRID,),
        in_specs=[
            pl.BlockSpec((NC, RBLK, _DEGC), lambda i: (0, i, 0)),
            pl.BlockSpec((RBLK, 128), lambda i: (i, 0)),
        ],
        out_specs=[
            pl.BlockSpec((NC, RBLK, 64), lambda i: (0, i, 0)),
            pl.BlockSpec((RBLK, 1), lambda i: (i, 0)),
        ],
        out_shape=[
            jax.ShapeDtypeStruct((NC, N, 64), jnp.bfloat16),
            jax.ShapeDtypeStruct((N, 1), jnp.float32),
        ],
    )(degp, x)


def _dense_body(p_ref, xp2_ref, dinv_ref, W1_ref, b1_ref, W2_ref, out_ref):
    p = jnp.concatenate([p_ref[0], p_ref[1]], axis=1).astype(jnp.float32)
    xp = jnp.concatenate([xp2_ref[0], xp2_ref[1]], axis=1).astype(jnp.float32)
    agg = p + xp
    t = (agg * dinv_ref[...]).astype(jnp.bfloat16)
    h1 = jnp.dot(t, W1_ref[...],
                 preferred_element_type=jnp.float32) + b1_ref[...]
    h1 = jnp.maximum(h1, 0.0).astype(jnp.bfloat16)
    h2 = jnp.dot(h1, W2_ref[...],
                 preferred_element_type=jnp.float32)
    out_ref[...] = (h2 * dinv_ref[...]).astype(jnp.bfloat16)


def _dense(p, xp2, dinv, W1, b1, W2):
    return pl.pallas_call(
        _dense_body,
        grid=(GRID,),
        in_specs=[
            pl.BlockSpec((NC, RBLK, 64), lambda i: (0, i, 0)),
            pl.BlockSpec((NC, RBLK, 64), lambda i: (0, i, 0)),
            pl.BlockSpec((RBLK, 1), lambda i: (i, 0)),
            pl.BlockSpec((128, 256), lambda i: (0, 0)),
            pl.BlockSpec((1, 256), lambda i: (0, 0)),
            pl.BlockSpec((256, 64), lambda i: (0, 0)),
        ],
        out_specs=pl.BlockSpec((RBLK, 64), lambda i: (i, 0)),
        out_shape=jax.ShapeDtypeStruct((N, 64), jnp.bfloat16),
    )(p, xp2, dinv, W1, b1, W2)


def _final_body(q_ref, hp_ref, dinv_ref, b2_ref, out_ref):
    q = q_ref[0].astype(jnp.float32) + q_ref[1].astype(jnp.float32)
    out_ref[...] = ((q + hp_ref[...].astype(jnp.float32)) * dinv_ref[...]
                    + b2_ref[...])


def _final(q, hp, dinv, b2):
    return pl.pallas_call(
        _final_body,
        grid=(GRID,),
        in_specs=[
            pl.BlockSpec((NC, RBLK, 64), lambda i: (0, i, 0)),
            pl.BlockSpec((RBLK, 64), lambda i: (i, 0)),
            pl.BlockSpec((RBLK, 1), lambda i: (i, 0)),
            pl.BlockSpec((1, 64), lambda i: (0, 0)),
        ],
        out_specs=pl.BlockSpec((RBLK, 64), lambda i: (i, 0)),
        out_shape=jax.ShapeDtypeStruct((N, 64), jnp.float32),
    )(q, hp, dinv, b2)


@jax.jit
def _run(x, edge_index, W1, b1, W2, b2):
    spread = jnp.arange(_PADN, dtype=jnp.int32) % (N_PAD - N)
    pads = jnp.stack([spread, N + spread])

    degp, src_p, dst_p = _deg(edge_index.astype(jnp.int32), pads,
                              jnp.ones((K, _DEGC), jnp.float32),
                              jnp.zeros((RPT, _DEGC), jnp.float32))
    xp2, dinv = _prep(degp, x)
    p = _agg1(src_p, dst_p, xp2, jnp.zeros((RPT, 64), jnp.bfloat16))
    hp = _dense(p, xp2, dinv, W1.astype(jnp.bfloat16), b1.reshape(1, -1),
                W2.astype(jnp.bfloat16))
    q = _agg2(src_p, dst_p, hp, jnp.zeros((RPT, 64), jnp.bfloat16))
    return _final(q, hp, dinv, b2.reshape(1, -1))


def kernel(x, edge_index, W1, b1, W2, b2):
    return _run(x, edge_index, W1, b1, W2, b2)

# --- scband reference (transcript-rebuilt; emitter-appended) ---
"""Pipeline reference for scband-gnnmodel-22832046145630 (READ-ONLY COPY).

The authoritative reference and input builder live on the scoring server;
editing this copy changes nothing except your own understanding.
"""

import jax, jax.numpy as jnp
import numpy as np

N_NODES = 10000
N_EDGES = 320000
C_IN = 128
C_HIDDEN = 256
C_OUT = 64


def setup_inputs(seed: int = 0) -> dict:
    key = jax.random.key(seed)
    k1, k2, k3, k4, k5, k6 = jax.random.split(key, 6)
    x = jax.random.normal(k1, (N_NODES, C_IN), dtype=jnp.float32)
    edge_index = jax.random.randint(k2, (2, N_EDGES), 0, N_NODES, dtype=jnp.int64)
    # GCNConv params (PyG-style glorot weight, zero bias)
    def glorot(k, fan_in, fan_out):
        limit = np.sqrt(6.0 / (fan_in + fan_out))
        return jax.random.uniform(k, (fan_in, fan_out), dtype=jnp.float32, minval=-limit, maxval=limit)
    W1 = glorot(k3, C_IN, C_HIDDEN)
    b1 = jnp.zeros((C_HIDDEN,), dtype=jnp.float32)
    W2 = glorot(k4, C_HIDDEN, C_OUT)
    b2 = jnp.zeros((C_OUT,), dtype=jnp.float32)
    return {"x": x, "edge_index": edge_index, "W1": W1, "b1": b1, "W2": W2, "b2": b2}


def _gcn_conv(x, src, dst, W, b, n_nodes):
    # PyG GCNConv with normalize=True, add_self_loops=True:
    # x' = D^{-1/2} (A + I) D^{-1/2} X W + b
    loop = jnp.arange(n_nodes, dtype=src.dtype)
    src_sl = jnp.concatenate([src, loop])
    dst_sl = jnp.concatenate([dst, loop])
    deg = jnp.zeros((n_nodes,), dtype=jnp.float32).at[dst_sl].add(1.0)
    dinv = jnp.where(deg > 0, deg ** -0.5, 0.0)
    norm = dinv[src_sl] * dinv[dst_sl]
    h = x @ W
    msg = h[src_sl] * norm[:, None]
    out = jnp.zeros((n_nodes, W.shape[1]), dtype=jnp.float32).at[dst_sl].add(msg)
    return out + b


def reference(x, edge_index, W1, b1, W2, b2):
    src = edge_index[0]
    dst = edge_index[1]
    # hidden layer: GCNConv -> ReLU -> Dropout(eval: identity)
    h = _gcn_conv(x, src, dst, W1, b1, N_NODES)
    h = jax.nn.relu(h)
    # output layer: GCNConv
    out = _gcn_conv(h, src, dst, W2, b2, N_NODES)
    return out

if __name__ == "__main__":
    import jax
    _d = setup_inputs()
    print(jax.jit(kernel)(*tuple(_d.values())))

</pallas_src>

<mosaic_0001>
#map = affine_map<(d0, d1) -> (0, 0)>
#map1 = affine_map<(d0, d1) -> (0, 0, 0)>
#map2 = affine_map<(d0, d1) -> (0)>
module attributes {stable_mosaic.version = 14 : i64} {
  func.func @_deg(%arg0: i32, %arg1: i32, %arg2: memref<2x320000xi32, #tpu.memory_space<hbm>>, %arg3: memref<2x7680xi32, #tpu.memory_space<hbm>>, %arg4: memref<512x8xf32, #tpu.memory_space<hbm>>, %arg5: memref<640x8xf32, #tpu.memory_space<hbm>>, %arg6: memref<2x10240x8xf32, #tpu.memory_space<hbm>>, %arg7: memref<327680xi32, #tpu.memory_space<hbm>>, %arg8: memref<327680xi32, #tpu.memory_space<hbm>>, %arg9: memref<10240xi32, #tpu.memory_space<vmem>>, %arg10: memref<10240xi32, #tpu.memory_space<vmem>>, %arg11: memref<512x8xf32, #tpu.memory_space<vmem>>, %arg12: memref<10240x8xf32, #tpu.memory_space<vmem_shared>>, %arg13: memref<!tpu.dma_semaphore, #tpu.memory_space<semaphore_mem>>) attributes {dimension_semantics = [#tpu.dimension_semantics<core_parallel>, #tpu.dimension_semantics<subcore_parallel>], iteration_bounds = array<i64: 2, 16>, scalar_prefetch = 0 : i64, scratch_operands = 5 : i64, tpu.core_type = #tpu.core_type<sc_vector_subcore>, window_params = [{transform_indices = #map}, {transform_indices = #map}, {transform_indices = #map}, {transform_indices = #map}, {transform_indices = #map1}, {transform_indices = #map2}, {transform_indices = #map2}]} {
    %mul3A = arith.constant 2 : i32
    %mul3A_0 = arith.muli %arg1, %mul3A : i32
    %add3A = arith.addi %mul3A_0, %arg0 : i32
    %mul3A_1 = arith.constant 640 : i32
    %mul3A_2 = arith.muli %arg1, %mul3A_1 : i32
    "tpu.region"() ({
      %run_scoped3A = tpu.sem_alloc : memref<!tpu.dma_semaphore, #tpu.memory_space<semaphore_mem>>
      %dma_start3A = arith.constant 0 : i32
      %dma_start3A_23 = tpu.memref_slice %arg12[%mul3A_2, %dma_start3A] : memref<10240x8xf32, #tpu.memory_space<vmem_shared>> -> memref<640x8xf32, #tpu.memory_space<vmem_shared>>
      tpu.enqueue_dma source(%arg5 : memref<640x8xf32, #tpu.memory_space<hbm>>) target(%dma_start3A_23 : memref<640x8xf32, #tpu.memory_space<vmem_shared>>) target_semaphore(%run_scoped3A : memref<!tpu.dma_semaphore, #tpu.memory_space<semaphore_mem>>)
      %dma_wait3A = arith.constant 0 : i32
      %dma_wait3A_24 = tpu.memref_slice %arg12[%mul3A_2, %dma_wait3A] : memref<10240x8xf32, #tpu.memory_space<vmem_shared>> -> memref<640x8xf32, #tpu.memory_space<vmem_shared>>
      tpu.wait_dma2 semaphore(%run_scoped3A : memref<!tpu.dma_semaphore, #tpu.memory_space<semaphore_mem>>) src(%arg5 : memref<640x8xf32, #tpu.memory_space<hbm>>) dst(%dma_wait3A_24 : memref<640x8xf32, #tpu.memory_space<vmem_shared>>)
      tpu.yield
    }) : () -> ()
    %barrier3A = arith.constant 0 : index
    tpu.barrier barrier_id(%barrier3A)
    %lt3A = arith.constant 31 : i32
    %lt3A_3 = arith.cmpi slt, %add3A, %lt3A : i32
    %convert_element_type3A = arith.extui %lt3A_3 : i1 to i32
    %cond3A = arith.constant 0 : i32
    %cond3A_4 = arith.cmpi ne, %convert_element_type3A, %cond3A : i32
    scf.if %cond3A_4 {
      %mul3A_23 = arith.constant 10240 : i32
      %mul3A_24 = arith.muli %add3A, %mul3A_23 : i32
      %run_scoped3A = arith.constant 0 : i32
      "tpu.region"() ({
        %run_scoped3A_28 = tpu.sem_alloc : memref<!tpu.dma_semaphore, #tpu.memory_space<semaphore_mem>>
        %dma_start3A = tpu.memref_slice %arg2[%run_scoped3A, %mul3A_24] : memref<2x320000xi32, #tpu.memory_space<hbm>> -> memref<1x10240xi32, #tpu.memory_space<hbm>>
        %dma_start3A_29 = tpu.memref_squeeze %dma_start3A : memref<1x10240xi32, #tpu.memory_space<hbm>> -> memref<10240xi32, #tpu.memory_space<hbm>>
        %dma_start3A_30 = tpu.memref_slice %arg2[%run_scoped3A, %mul3A_24] : memref<2x320000xi32, #tpu.memory_space<hbm>> -> memref<1x10240xi32, #tpu.memory_space<hbm>>
        %dma_start3A_31 = tpu.memref_squeeze %dma_start3A_30 : memref<1x10240xi32, #tpu.memory_space<hbm>> -> memref<10240xi32, #tpu.memory_space<hbm>>
        tpu.enqueue_dma source(%dma_start3A_31 : memref<10240xi32, #tpu.memory_space<hbm>>) target(%arg9 : memref<10240xi32, #tpu.memory_space<vmem>>) target_semaphore(%run_scoped3A_28 : memref<!tpu.dma_semaphore, #tpu.memory_space<semaphore_mem>>)
        %dma_wait3A = tpu.memref_slice %arg2[%run_scoped3A, %mul3A_24] : memref<2x320000xi32, #tpu.memory_space<hbm>> -> memref<1x10240xi32, #tpu.memory_space<hbm>>
        %dma_wait3A_32 = tpu.memref_squeeze %dma_wait3A : memref<1x10240xi32, #tpu.memory_space<hbm>> -> memref<10240xi32, #tpu.memory_space<hbm>>
        %dma_wait3A_33 = tpu.memref_slice %arg2[%run_scoped3A, %mul3A_24] : memref<2x320000xi32, #tpu.memory_space<hbm>> -> memref<1x10240xi32, #tpu.memory_space<hbm>>
        %dma_wait3A_34 = tpu.memref_squeeze %dma_wait3A_33 : memref<1x10240xi32, #tpu.memory_space<hbm>> -> memref<10240xi32, #tpu.memory_space<hbm>>
        tpu.wait_dma2 semaphore(%run_scoped3A_28 : memref<!tpu.dma_semaphore, #tpu.memory_space<semaphore_mem>>) src(%dma_wait3A_34 : memref<10240xi32, #tpu.memory_space<hbm>>) dst(%arg9 : memref<10240xi32, #tpu.memory_space<vmem>>)
        tpu.yield
      }) : () -> ()
      %mul3A_25 = arith.constant 10240 : i32
      %mul3A_26 = arith.muli %add3A, %mul3A_25 : i32
      %run_scoped3A_27 = arith.constant 1 : i32
      "tpu.region"() ({
        %run_scoped3A_28 = tpu.sem_alloc : memref<!tpu.dma_semaphore, #tpu.memory_space<semaphore_mem>>
        %dma_start3A = tpu.memref_slice %arg2[%run_scoped3A_27, %mul3A_26] : memref<2x320000xi32, #tpu.memory_space<hbm>> -> memref<1x10240xi32, #tpu.memory_space<hbm>>
        %dma_start3A_29 = tpu.memref_squeeze %dma_start3A : memref<1x10240xi32, #tpu.memory_space<hbm>> -> memref<10240xi32, #tpu.memory_space<hbm>>
        %dma_start3A_30 = tpu.memref_slice %arg2[%run_scoped3A_27, %mul3A_26] : memref<2x320000xi32, #tpu.memory_space<hbm>> -> memref<1x10240xi32, #tpu.memory_space<hbm>>
        %dma_start3A_31 = tpu.memref_squeeze %dma_start3A_30 : memref<1x10240xi32, #tpu.memory_space<hbm>> -> memref<10240xi32, #tpu.memory_space<hbm>>
        tpu.enqueue_dma source(%dma_start3A_31 : memref<10240xi32, #tpu.memory_space<hbm>>) target(%arg10 : memref<10240xi32, #tpu.memory_space<vmem>>) target_semaphore(%run_scoped3A_28 : memref<!tpu.dma_semaphore, #tpu.memory_space<semaphore_mem>>)
        %dma_wait3A = tpu.memref_slice %arg2[%run_scoped3A_27, %mul3A_26] : memref<2x320000xi32, #tpu.memory_space<hbm>> -> memref<1x10240xi32, #tpu.memory_space<hbm>>
        %dma_wait3A_32 = tpu.memref_squeeze %dma_wait3A : memref<1x10240xi32, #tpu.memory_space<hbm>> -> memref<10240xi32, #tpu.memory_space<hbm>>
        %dma_wait3A_33 = tpu.memref_slice %arg2[%run_scoped3A_27, %mul3A_26] : memref<2x320000xi32, #tpu.memory_space<hbm>> -> memref<1x10240xi32, #tpu.memory_space<hbm>>
        %dma_wait3A_34 = tpu.memref_squeeze %dma_wait3A_33 : memref<1x10240xi32, #tpu.memory_space<hbm>> -> memref<10240xi32, #tpu.memory_space<hbm>>
        tpu.wait_dma2 semaphore(%run_scoped3A_28 : memref<!tpu.dma_semaphore, #tpu.memory_space<semaphore_mem>>) src(%dma_wait3A_34 : memref<10240xi32, #tpu.memory_space<hbm>>) dst(%arg10 : memref<10240xi32, #tpu.memory_space<vmem>>)
        tpu.yield
      }) : () -> ()
    } else {
    }
    %eq3A = arith.constant 31 : i32
    %eq3A_5 = arith.cmpi eq, %add3A, %eq3A : i32
    %convert_element_type3A_6 = arith.extui %eq3A_5 : i1 to i32
    %cond3A_7 = arith.constant 0 : i32
    %cond3A_8 = arith.cmpi ne, %convert_element_type3A_6, %cond3A_7 : i32
    scf.if %cond3A_8 {
      %run_scoped3A = arith.constant 0 : i32
      "tpu.region"() ({
        %run_scoped3A_26 = tpu.sem_alloc : memref<!tpu.dma_semaphore, #tpu.memory_space<semaphore_mem>>
        %dma_start3A = arith.constant 0 : i32
        %dma_start3A_27 = tpu.memref_slice %arg9[%dma_start3A] : memref<10240xi32, #tpu.memory_space<vmem>> -> memref<2560xi32, #tpu.memory_space<vmem>>
        %dma_start3A_28 = arith.constant 317440 : i32
        %dma_start3A_29 = tpu.memref_slice %arg2[%run_scoped3A, %dma_start3A_28] : memref<2x320000xi32, #tpu.memory_space<hbm>> -> memref<1x2560xi32, #tpu.memory_space<hbm>>
        %dma_start3A_30 = tpu.memref_squeeze %dma_start3A_29 : memref<1x2560xi32, #tpu.memory_space<hbm>> -> memref<2560xi32, #tpu.memory_space<hbm>>
        %dma_start3A_31 = arith.constant 0 : i32
        %dma_start3A_32 = tpu.memref_slice %arg9[%dma_start3A_31] : memref<10240xi32, #tpu.memory_space<vmem>> -> memref<2560xi32, #tpu.memory_space<vmem>>
        %dma_start3A_33 = arith.constant 317440 : i32
        %dma_start3A_34 = tpu.memref_slice %arg2[%run_scoped3A, %dma_start3A_33] : memref<2x320000xi32, #tpu.memory_space<hbm>> -> memref<1x2560xi32, #tpu.memory_space<hbm>>
        %dma_start3A_35 = tpu.memref_squeeze %dma_start3A_34 : memref<1x2560xi32, #tpu.memory_space<hbm>> -> memref<2560xi32, #tpu.memory_space<hbm>>
        tpu.enqueue_dma source(%dma_start3A_35 : memref<2560xi32, #tpu.memory_space<hbm>>) target(%dma_start3A_32 : memref<2560xi32, #tpu.memory_space<vmem>>) target_semaphore(%run_scoped3A_26 : memref<!tpu.dma_semaphore, #tpu.memory_space<semaphore_mem>>)
        %dma_wait3A = arith.constant 0 : i32
        %dma_wait3A_36 = tpu.memref_slice %arg9[%dma_wait3A] : memref<10240xi32, #tpu.memory_space<vmem>> -> memref<2560xi32, #tpu.memory_space<vmem>>
        %dma_wait3A_37 = arith.constant 317440 : i32
        %dma_wait3A_38 = tpu.memref_slice %arg2[%run_scoped3A, %dma_wait3A_37] : memref<2x320000xi32, #tpu.memory_space<hbm>> -> memref<1x2560xi32, #tpu.memory_space<hbm>>
        %dma_wait3A_39 = tpu.memref_squeeze %dma_wait3A_38 : memref<1x2560xi32, #tpu.memory_space<hbm>> -> memref<2560xi32, #tpu.memory_space<hbm>>
        %dma_wait3A_40 = arith.constant 0 : i32
        %dma_wait3A_41 = tpu.memref_slice %arg9[%dma_wait3A_40] : memref<10240xi32, #tpu.memory_space<vmem>> -> memref<2560xi32, #tpu.memory_space<vmem>>
        %dma_wait3A_42 = arith.constant 317440 : i32
        %dma_wait3A_43 = tpu.memref_slice %arg2[%run_scoped3A, %dma_wait3A_42] : memref<2x320000xi32, #tpu.memory_space<hbm>> -> memref<1x2560xi32, #tpu.memory_space<hbm>>
        %dma_wait3A_44 = tpu.memref_squeeze %dma_wait3A_43 : memref<1x2560xi32, #tpu.memory_space<hbm>> -> memref<2560xi32, #tpu.memory_space<hbm>>
        tpu.wait_dma2 semaphore(%run_scoped3A_26 : memref<!tpu.dma_semaphore, #tpu.memory_space<semaphore_mem>>) src(%dma_wait3A_44 : memref<2560xi32, #tpu.memory_space<hbm>>) dst(%dma_wait3A_41 : memref<2560xi32, #tpu.memory_space<vmem>>)
        tpu.yield
      }) : () -> ()
      %run_scoped3A_23 = arith.constant 1 : i32
      "tpu.region"() ({
        %run_scoped3A_26 = tpu.sem_alloc : memref<!tpu.dma_semaphore, #tpu.memory_space<semaphore_mem>>
        %dma_start3A = arith.constant 0 : i32
        %dma_start3A_27 = tpu.memref_slice %arg10[%dma_start3A] : memref<10240xi32, #tpu.memory_space<vmem>> -> memref<2560xi32, #tpu.memory_space<vmem>>
        %dma_start3A_28 = arith.constant 317440 : i32
        %dma_start3A_29 = tpu.memref_slice %arg2[%run_scoped3A_23, %dma_start3A_28] : memref<2x320000xi32, #tpu.memory_space<hbm>> -> memref<1x2560xi32, #tpu.memory_space<hbm>>
        %dma_start3A_30 = tpu.memref_squeeze %dma_start3A_29 : memref<1x2560xi32, #tpu.memory_space<hbm>> -> memref<2560xi32, #tpu.memory_space<hbm>>
        %dma_start3A_31 = arith.constant 0 : i32
        %dma_start3A_32 = tpu.memref_slice %arg10[%dma_start3A_31] : memref<10240xi32, #tpu.memory_space<vmem>> -> memref<2560xi32, #tpu.memory_space<vmem>>
        %dma_start3A_33 = arith.constant 317440 : i32
        %dma_start3A_34 = tpu.memref_slice %arg2[%run_scoped3A_23, %dma_start3A_33] : memref<2x320000xi32, #tpu.memory_space<hbm>> -> memref<1x2560xi32, #tpu.memory_space<hbm>>
        %dma_start3A_35 = tpu.memref_squeeze %dma_start3A_34 : memref<1x2560xi32, #tpu.memory_space<hbm>> -> memref<2560xi32, #tpu.memory_space<hbm>>
        tpu.enqueue_dma source(%dma_start3A_35 : memref<2560xi32, #tpu.memory_space<hbm>>) target(%dma_start3A_32 : memref<2560xi32, #tpu.memory_space<vmem>>) target_semaphore(%run_scoped3A_26 : memref<!tpu.dma_semaphore, #tpu.memory_space<semaphore_mem>>)
        %dma_wait3A = arith.constant 0 : i32
        %dma_wait3A_36 = tpu.memref_slice %arg10[%dma_wait3A] : memref<10240xi32, #tpu.memory_space<vmem>> -> memref<2560xi32, #tpu.memory_space<vmem>>
        %dma_wait3A_37 = arith.constant 317440 : i32
        %dma_wait3A_38 = tpu.memref_slice %arg2[%run_scoped3A_23, %dma_wait3A_37] : memref<2x320000xi32, #tpu.memory_space<hbm>> -> memref<1x2560xi32, #tpu.memory_space<hbm>>
        %dma_wait3A_39 = tpu.memref_squeeze %dma_wait3A_38 : memref<1x2560xi32, #tpu.memory_space<hbm>> -> memref<2560xi32, #tpu.memory_space<hbm>>
        %dma_wait3A_40 = arith.constant 0 : i32
        %dma_wait3A_41 = tpu.memref_slice %arg10[%dma_wait3A_40] : memref<10240xi32, #tpu.memory_space<vmem>> -> memref<2560xi32, #tpu.memory_space<vmem>>
        %dma_wait3A_42 = arith.constant 317440 : i32
        %dma_wait3A_43 = tpu.memref_slice %arg2[%run_scoped3A_23, %dma_wait3A_42] : memref<2x320000xi32, #tpu.memory_space<hbm>> -> memref<1x2560xi32, #tpu.memory_space<hbm>>
        %dma_wait3A_44 = tpu.memref_squeeze %dma_wait3A_43 : memref<1x2560xi32, #tpu.memory_space<hbm>> -> memref<2560xi32, #tpu.memory_space<hbm>>
        tpu.wait_dma2 semaphore(%run_scoped3A_26 : memref<!tpu.dma_semaphore, #tpu.memory_space<semaphore_mem>>) src(%dma_wait3A_44 : memref<2560xi32, #tpu.memory_space<hbm>>) dst(%dma_wait3A_41 : memref<2560xi32, #tpu.memory_space<vmem>>)
        tpu.yield
      }) : () -> ()
      %run_scoped3A_24 = arith.constant 0 : i32
      "tpu.region"() ({
        %run_scoped3A_26 = tpu.sem_alloc : memref<!tpu.dma_semaphore, #tpu.memory_space<semaphore_mem>>
        %dma_start3A = arith.constant 2560 : i32
        %dma_start3A_27 = tpu.memref_slice %arg9[%dma_start3A] : memref<10240xi32, #tpu.memory_space<vmem>> -> memref<7680xi32, #tpu.memory_space<vmem>>
        %dma_start3A_28 = arith.constant 0 : i32
        %dma_start3A_29 = tpu.memref_slice %arg3[%run_scoped3A_24, %dma_start3A_28] : memref<2x7680xi32, #tpu.memory_space<hbm>> -> memref<1x7680xi32, #tpu.memory_space<hbm>>
        %dma_start3A_30 = tpu.memref_squeeze %dma_start3A_29 : memref<1x7680xi32, #tpu.memory_space<hbm>> -> memref<7680xi32, #tpu.memory_space<hbm>>
        %dma_start3A_31 = arith.constant 2560 : i32
        %dma_start3A_32 = tpu.memref_slice %arg9[%dma_start3A_31] : memref<10240xi32, #tpu.memory_space<vmem>> -> memref<7680xi32, #tpu.memory_space<vmem>>
        %dma_start3A_33 = arith.constant 0 : i32
        %dma_start3A_34 = tpu.memref_slice %arg3[%run_scoped3A_24, %dma_start3A_33] : memref<2x7680xi32, #tpu.memory_space<hbm>> -> memref<1x7680xi32, #tpu.memory_space<hbm>>
        %dma_start3A_35 = tpu.memref_squeeze %dma_start3A_34 : memref<1x7680xi32, #tpu.memory_space<hbm>> -> memref<7680xi32, #tpu.memory_space<hbm>>
        tpu.enqueue_dma source(%dma_start3A_35 : memref<7680xi32, #tpu.memory_space<hbm>>) target(%dma_start3A_32 : memref<7680xi32, #tpu.memory_space<vmem>>) target_semaphore(%run_scoped3A_26 : memref<!tpu.dma_semaphore, #tpu.memory_space<semaphore_mem>>)
        %dma_wait3A = arith.constant 2560 : i32
        %dma_wait3A_36 = tpu.memref_slice %arg9[%dma_wait3A] : memref<10240xi32, #tpu.memory_space<vmem>> -> memref<7680xi32, #tpu.memory_space<vmem>>
        %dma_wait3A_37 = arith.constant 0 : i32
        %dma_wait3A_38 = tpu.memref_slice %arg3[%run_scoped3A_24, %dma_wait3A_37] : memref<2x7680xi32, #tpu.memory_space<hbm>> -> memref<1x7680xi32, #tpu.memory_space<hbm>>
        %dma_wait3A_39 = tpu.memref_squeeze %dma_wait3A_38 : memref<1x7680xi32, #tpu.memory_space<hbm>> -> memref<7680xi32, #tpu.memory_space<hbm>>
        %dma_wait3A_40 = arith.constant 2560 : i32
        %dma_wait3A_41 = tpu.memref_slice %arg9[%dma_wait3A_40] : memref<10240xi32, #tpu.memory_space<vmem>> -> memref<7680xi32, #tpu.memory_space<vmem>>
        %dma_wait3A_42 = arith.constant 0 : i32
        %dma_wait3A_43 = tpu.memref_slice %arg3[%run_scoped3A_24, %dma_wait3A_42] : memref<2x7680xi32, #tpu.memory_space<hbm>> -> memref<1x7680xi32, #tpu.memory_space<hbm>>
        %dma_wait3A_44 = tpu.memref_squeeze %dma_wait3A_43 : memref<1x7680xi32, #tpu.memory_space<hbm>> -> memref<7680xi32, #tpu.memory_space<hbm>>
        tpu.wait_dma2 semaphore(%run_scoped3A_26 : memref<!tpu.dma_semaphore, #tpu.memory_space<semaphore_mem>>) src(%dma_wait3A_44 : memref<7680xi32, #tpu.memory_space<hbm>>) dst(%dma_wait3A_41 : memref<7680xi32, #tpu.memory_space<vmem>>)
        tpu.yield
      }) : () -> ()
      %run_scoped3A_25 = arith.constant 1 : i32
      "tpu.region"() ({
        %run_scoped3A_26 = tpu.sem_alloc : memref<!tpu.dma_semaphore, #tpu.memory_space<semaphore_mem>>
        %dma_start3A = arith.constant 2560 : i32
        %dma_start3A_27 = tpu.memref_slice %arg10[%dma_start3A] : memref<10240xi32, #tpu.memory_space<vmem>> -> memref<7680xi32, #tpu.memory_space<vmem>>
        %dma_start3A_28 = arith.constant 0 : i32
        %dma_start3A_29 = tpu.memref_slice %arg3[%run_scoped3A_25, %dma_start3A_28] : memref<2x7680xi32, #tpu.memory_space<hbm>> -> memref<1x7680xi32, #tpu.memory_space<hbm>>
        %dma_start3A_30 = tpu.memref_squeeze %dma_start3A_29 : memref<1x7680xi32, #tpu.memory_space<hbm>> -> memref<7680xi32, #tpu.memory_space<hbm>>
        %dma_start3A_31 = arith.constant 2560 : i32
        %dma_start3A_32 = tpu.memref_slice %arg10[%dma_start3A_31] : memref<10240xi32, #tpu.memory_space<vmem>> -> memref<7680xi32, #tpu.memory_space<vmem>>
        %dma_start3A_33 = arith.constant 0 : i32
        %dma_start3A_34 = tpu.memref_slice %arg3[%run_scoped3A_25, %dma_start3A_33] : memref<2x7680xi32, #tpu.memory_space<hbm>> -> memref<1x7680xi32, #tpu.memory_space<hbm>>
        %dma_start3A_35 = tpu.memref_squeeze %dma_start3A_34 : memref<1x7680xi32, #tpu.memory_space<hbm>> -> memref<7680xi32, #tpu.memory_space<hbm>>
        tpu.enqueue_dma source(%dma_start3A_35 : memref<7680xi32, #tpu.memory_space<hbm>>) target(%dma_start3A_32 : memref<7680xi32, #tpu.memory_space<vmem>>) target_semaphore(%run_scoped3A_26 : memref<!tpu.dma_semaphore, #tpu.memory_space<semaphore_mem>>)
        %dma_wait3A = arith.constant 2560 : i32
        %dma_wait3A_36 = tpu.memref_slice %arg10[%dma_wait3A] : memref<10240xi32, #tpu.memory_space<vmem>> -> memref<7680xi32, #tpu.memory_space<vmem>>
        %dma_wait3A_37 = arith.constant 0 : i32
        %dma_wait3A_38 = tpu.memref_slice %arg3[%run_scoped3A_25, %dma_wait3A_37] : memref<2x7680xi32, #tpu.memory_space<hbm>> -> memref<1x7680xi32, #tpu.memory_space<hbm>>
        %dma_wait3A_39 = tpu.memref_squeeze %dma_wait3A_38 : memref<1x7680xi32, #tpu.memory_space<hbm>> -> memref<7680xi32, #tpu.memory_space<hbm>>
        %dma_wait3A_40 = arith.constant 2560 : i32
        %dma_wait3A_41 = tpu.memref_slice %arg10[%dma_wait3A_40] : memref<10240xi32, #tpu.memory_space<vmem>> -> memref<7680xi32, #tpu.memory_space<vmem>>
        %dma_wait3A_42 = arith.constant 0 : i32
        %dma_wait3A_43 = tpu.memref_slice %arg3[%run_scoped3A_25, %dma_wait3A_42] : memref<2x7680xi32, #tpu.memory_space<hbm>> -> memref<1x7680xi32, #tpu.memory_space<hbm>>
        %dma_wait3A_44 = tpu.memref_squeeze %dma_wait3A_43 : memref<1x7680xi32, #tpu.memory_space<hbm>> -> memref<7680xi32, #tpu.memory_space<hbm>>
        tpu.wait_dma2 semaphore(%run_scoped3A_26 : memref<!tpu.dma_semaphore, #tpu.memory_space<semaphore_mem>>) src(%dma_wait3A_44 : memref<7680xi32, #tpu.memory_space<hbm>>) dst(%dma_wait3A_41 : memref<7680xi32, #tpu.memory_space<vmem>>)
        tpu.yield
      }) : () -> ()
    } else {
    }
    %mul3A_9 = arith.constant 10240 : i32
    %mul3A_10 = arith.muli %add3A, %mul3A_9 : i32
    "tpu.region"() ({
      %run_scoped3A = tpu.sem_alloc : memref<!tpu.dma_semaphore, #tpu.memory_space<semaphore_mem>>
      %dma_start3A = tpu.memref_slice %arg7[%mul3A_10] : memref<327680xi32, #tpu.memory_space<hbm>> -> memref<10240xi32, #tpu.memory_space<hbm>>
      %dma_start3A_23 = tpu.memref_slice %arg7[%mul3A_10] : memref<327680xi32, #tpu.memory_space<hbm>> -> memref<10240xi32, #tpu.memory_space<hbm>>
      tpu.enqueue_dma source(%arg9 : memref<10240xi32, #tpu.memory_space<vmem>>) target(%dma_start3A_23 : memref<10240xi32, #tpu.memory_space<hbm>>) target_semaphore(%run_scoped3A : memref<!tpu.dma_semaphore, #tpu.memory_space<semaphore_mem>>)
      %dma_wait3A = tpu.memref_slice %arg7[%mul3A_10] : memref<327680xi32, #tpu.memory_space<hbm>> -> memref<10240xi32, #tpu.memory_space<hbm>>
      %dma_wait3A_24 = tpu.memref_slice %arg7[%mul3A_10] : memref<327680xi32, #tpu.memory_space<hbm>> -> memref<10240xi32, #tpu.memory_space<hbm>>
      tpu.wait_dma2 semaphore(%run_scoped3A : memref<!tpu.dma_semaphore, #tpu.memory_space<semaphore_mem>>) src(%arg9 : memref<10240xi32, #tpu.memory_space<vmem>>) dst(%dma_wait3A_24 : memref<10240xi32, #tpu.memory_space<hbm>>)
      tpu.yield
    }) : () -> ()
    %mul3A_11 = arith.constant 10240 : i32
    %mul3A_12 = arith.muli %add3A, %mul3A_11 : i32
    "tpu.region"() ({
      %run_scoped3A = tpu.sem_alloc : memref<!tpu.dma_semaphore, #tpu.memory_space<semaphore_mem>>
      %dma_start3A = tpu.memref_slice %arg8[%mul3A_12] : memref<327680xi32, #tpu.memory_space<hbm>> -> memref<10240xi32, #tpu.memory_space<hbm>>
      %dma_start3A_23 = tpu.memref_slice %arg8[%mul3A_12] : memref<327680xi32, #tpu.memory_space<hbm>> -> memref<10240xi32, #tpu.memory_space<hbm>>
      tpu.enqueue_dma source(%arg10 : memref<10240xi32, #tpu.memory_space<vmem>>) target(%dma_start3A_23 : memref<10240xi32, #tpu.memory_space<hbm>>) target_semaphore(%run_scoped3A : memref<!tpu.dma_semaphore, #tpu.memory_space<semaphore_mem>>)
      %dma_wait3A = tpu.memref_slice %arg8[%mul3A_12] : memref<327680xi32, #tpu.memory_space<hbm>> -> memref<10240xi32, #tpu.memory_space<hbm>>
      %dma_wait3A_24 = tpu.memref_slice %arg8[%mul3A_12] : memref<327680xi32, #tpu.memory_space<hbm>> -> memref<10240xi32, #tpu.memory_space<hbm>>
      tpu.wait_dma2 semaphore(%run_scoped3A : memref<!tpu.dma_semaphore, #tpu.memory_space<semaphore_mem>>) src(%arg10 : memref<10240xi32, #tpu.memory_space<vmem>>) dst(%dma_wait3A_24 : memref<10240xi32, #tpu.memory_space<hbm>>)
      tpu.yield
    }) : () -> ()
    "tpu.region"() ({
      %run_scoped3A = tpu.sem_alloc : memref<!tpu.dma_semaphore, #tpu.memory_space<semaphore_mem>>
      tpu.enqueue_dma source(%arg4 : memref<512x8xf32, #tpu.memory_space<hbm>>) target(%arg11 : memref<512x8xf32, #tpu.memory_space<vmem>>) target_semaphore(%run_scoped3A : memref<!tpu.dma_semaphore, #tpu.memory_space<semaphore_mem>>)
      tpu.wait_dma2 semaphore(%run_scoped3A : memref<!tpu.dma_semaphore, #tpu.memory_space<semaphore_mem>>) src(%arg4 : memref<512x8xf32, #tpu.memory_space<hbm>>) dst(%arg11 : memref<512x8xf32, #tpu.memory_space<vmem>>)
      tpu.yield
    }) : () -> ()
    %scan3A = arith.constant 0 : i32
    %scan3A_13 = arith.constant 0 : i32
    %scan3A_14 = arith.constant 5 : i32
    %scan3A_15 = arith.addi %scan3A_13, %scan3A_14 : i32
    %scan3A_16 = arith.constant 1 : i32
    scf.for %scan3A_23 = %scan3A_13 to %scan3A_15 step %scan3A_16  : i32 {
      %mul3A_24 = arith.constant 4 : i32
      %mul3A_25 = arith.muli %scan3A_23, %mul3A_24 : i32
      %add3A_26 = arith.constant 0 : i32
      %add3A_27 = arith.addi %mul3A_25, %add3A_26 : i32
      %mul3A_28 = arith.constant 512 : i32
      %mul3A_29 = arith.muli %add3A_27, %mul3A_28 : i32
      %multiple_of3A = tpu.assume_multiple %mul3A_29, 512 : i32
      %dma_start3A = tpu.memref_slice %arg10[%multiple_of3A] : memref<10240xi32, #tpu.memory_space<vmem>> -> memref<512xi32, #tpu.memory_space<vmem>>
      %dma_start3A_30 = arith.constant 0 : i32
      %dma_start3A_31 = arith.constant 0 : i32
      %dma_start3A_32 = tpu.memref_slice %arg12[%dma_start3A_30, %dma_start3A_31] : memref<10240x8xf32, #tpu.memory_space<vmem_shared>> -> memref<10240x8xf32, #tpu.memory_space<vmem_shared>>
      tpu.enqueue_indirect_dma source(%arg11 : memref<512x8xf32, #tpu.memory_space<vmem>>) target(%dma_start3A_32 : memref<10240x8xf32, #tpu.memory_space<vmem_shared>>) offsets(%dma_start3A : memref<512xi32, #tpu.memory_space<vmem>>) semaphore(%arg13 : memref<!tpu.dma_semaphore, #tpu.memory_space<semaphore_mem>>) {add = true}
      %mul3A_33 = arith.constant 4 : i32
      %mul3A_34 = arith.muli %scan3A_23, %mul3A_33 : i32
      %add3A_35 = arith.constant 1 : i32
      %add3A_36 = arith.addi %mul3A_34, %add3A_35 : i32
      %mul3A_37 = arith.constant 512 : i32
      %mul3A_38 = arith.muli %add3A_36, %mul3A_37 : i32
      %multiple_of3A_39 = tpu.assume_multiple %mul3A_38, 512 : i32
      %dma_start3A_40 = tpu.memref_slice %arg10[%multiple_of3A_39] : memref<10240xi32, #tpu.memory_space<vmem>> -> memref<512xi32, #tpu.memory_space<vmem>>
      %dma_start3A_41 = arith.constant 0 : i32
      %dma_start3A_42 = arith.constant 0 : i32
      %dma_start3A_43 = tpu.memref_slice %arg12[%dma_start3A_41, %dma_start3A_42] : memref<10240x8xf32, #tpu.memory_space<vmem_shared>> -> memref<10240x8xf32, #tpu.memory_space<vmem_shared>>
      tpu.enqueue_indirect_dma source(%arg11 : memref<512x8xf32, #tpu.memory_space<vmem>>) target(%dma_start3A_43 : memref<10240x8xf32, #tpu.memory_space<vmem_shared>>) offsets(%dma_start3A_40 : memref<512xi32, #tpu.memory_space<vmem>>) semaphore(%arg13 : memref<!tpu.dma_semaphore, #tpu.memory_space<semaphore_mem>>) {add = true}
      %mul3A_44 = arith.constant 4 : i32
      %mul3A_45 = arith.muli %scan3A_23, %mul3A_44 : i32
      %add3A_46 = arith.constant 2 : i32
      %add3A_47 = arith.addi %mul3A_45, %add3A_46 : i32
      %mul3A_48 = arith.constant 512 : i32
      %mul3A_49 = arith.muli %add3A_47, %mul3A_48 : i32
      %multiple_of3A_50 = tpu.assume_multiple %mul3A_49, 512 : i32
      %dma_start3A_51 = tpu.memref_slice %arg10[%multiple_of3A_50] : memref<10240xi32, #tpu.memory_space<vmem>> -> memref<512xi32, #tpu.memory_space<vmem>>
      %dma_start3A_52 = arith.constant 0 : i32
      %dma_start3A_53 = arith.constant 0 : i32
      %dma_start3A_54 = tpu.memref_slice %arg12[%dma_start3A_52, %dma_start3A_53] : memref<10240x8xf32, #tpu.memory_space<vmem_shared>> -> memref<10240x8xf32, #tpu.memory_space<vmem_shared>>
      tpu.enqueue_indirect_dma source(%arg11 : memref<512x8xf32, #tpu.memory_space<vmem>>) target(%dma_start3A_54 : memref<10240x8xf32, #tpu.memory_space<vmem_shared>>) offsets(%dma_start3A_51 : memref<512xi32, #tpu.memory_space<vmem>>) semaphore(%arg13 : memref<!tpu.dma_semaphore, #tpu.memory_space<semaphore_mem>>) {add = true}
      %mul3A_55 = arith.constant 4 : i32
      %mul3A_56 = arith.muli %scan3A_23, %mul3A_55 : i32
      %add3A_57 = arith.constant 3 : i32
      %add3A_58 = arith.addi %mul3A_56, %add3A_57 : i32
      %mul3A_59 = arith.constant 512 : i32
      %mul3A_60 = arith.muli %add3A_58, %mul3A_59 : i32
      %multiple_of3A_61 = tpu.assume_multiple %mul3A_60, 512 : i32
      %dma_start3A_62 = tpu.memref_slice %arg10[%multiple_of3A_61] : memref<10240xi32, #tpu.memory_space<vmem>> -> memref<512xi32, #tpu.memory_space<vmem>>
      %dma_start3A_63 = arith.constant 0 : i32
      %dma_start3A_64 = arith.constant 0 : i32
      %dma_start3A_65 = tpu.memref_slice %arg12[%dma_start3A_63, %dma_start3A_64] : memref<10240x8xf32, #tpu.memory_space<vmem_shared>> -> memref<10240x8xf32, #tpu.memory_space<vmem_shared>>
      tpu.enqueue_indirect_dma source(%arg11 : memref<512x8xf32, #tpu.memory_space<vmem>>) target(%dma_start3A_65 : memref<10240x8xf32, #tpu.memory_space<vmem_shared>>) offsets(%dma_start3A_62 : memref<512xi32, #tpu.memory_space<vmem>>) semaphore(%arg13 : memref<!tpu.dma_semaphore, #tpu.memory_space<semaphore_mem>>) {add = true}
      %multiple_of3A_66 = arith.constant 0 : i32
      %multiple_of3A_67 = tpu.assume_multiple %multiple_of3A_66, 512 : i32
      %dma_wait3A = tpu.memref_slice %arg10[%multiple_of3A_67] : memref<10240xi32, #tpu.memory_space<vmem>> -> memref<512xi32, #tpu.memory_space<vmem>>
      %dma_wait3A_68 = arith.constant 0 : i32
      %dma_wait3A_69 = arith.constant 0 : i32
      %dma_wait3A_70 = tpu.memref_slice %arg12[%dma_wait3A_68, %dma_wait3A_69] : memref<10240x8xf32, #tpu.memory_space<vmem_shared>> -> memref<10240x8xf32, #tpu.memory_space<vmem_shared>>
      tpu.wait_indirect_dma semaphore(%arg13 : memref<!tpu.dma_semaphore, #tpu.memory_space<semaphore_mem>>) src(%arg11 : memref<512x8xf32, #tpu.memory_space<vmem>>) dst(%dma_wait3A_70 : memref<10240x8xf32, #tpu.memory_space<vmem_shared>>)
      %multiple_of3A_71 = arith.constant 0 : i32
      %multiple_of3A_72 = tpu.assume_multiple %multiple_of3A_71, 512 : i32
      %dma_wait3A_73 = tpu.memref_slice %arg10[%multiple_of3A_72] : memref<10240xi32, #tpu.memory_space<vmem>> -> memref<512xi32, #tpu.memory_space<vmem>>
      %dma_wait3A_74 = arith.constant 0 : i32
      %dma_wait3A_75 = arith.constant 0 : i32
      %dma_wait3A_76 = tpu.memref_slice %arg12[%dma_wait3A_74, %dma_wait3A_75] : memref<10240x8xf32, #tpu.memory_space<vmem_shared>> -> memref<10240x8xf32, #tpu.memory_space<vmem_shared>>
      tpu.wait_indirect_dma semaphore(%arg13 : memref<!tpu.dma_semaphore, #tpu.memory_space<semaphore_mem>>) src(%arg11 : memref<512x8xf32, #tpu.memory_space<vmem>>) dst(%dma_wait3A_76 : memref<10240x8xf32, #tpu.memory_space<vmem_shared>>)
      %multiple_of3A_77 = arith.constant 0 : i32
      %multiple_of3A_78 = tpu.assume_multiple %multiple_of3A_77, 512 : i32
      %dma_wait3A_79 = tpu.memref_slice %arg10[%multiple_of3A_78] : memref<10240xi32, #tpu.memory_space<vmem>> -> memref<512xi32, #tpu.memory_space<vmem>>
      %dma_wait3A_80 = arith.constant 0 : i32
      %dma_wait3A_81 = arith.constant 0 : i32
      %dma_wait3A_82 = tpu.memref_slice %arg12[%dma_wait3A_80, %dma_wait3A_81] : memref<10240x8xf32, #tpu.memory_space<vmem_shared>> -> memref<10240x8xf32, #tpu.memory_space<vmem_shared>>
      tpu.wait_indirect_dma semaphore(%arg13 : memref<!tpu.dma_semaphore, #tpu.memory_space<semaphore_mem>>) src(%arg11 : memref<512x8xf32, #tpu.memory_space<vmem>>) dst(%dma_wait3A_82 : memref<10240x8xf32, #tpu.memory_space<vmem_shared>>)
      %multiple_of3A_83 = arith.constant 0 : i32
      %multiple_of3A_84 = tpu.assume_multiple %multiple_of3A_83, 512 : i32
      %dma_wait3A_85 = tpu.memref_slice %arg10[%multiple_of3A_84] : memref<10240xi32, #tpu.memory_space<vmem>> -> memref<512xi32, #tpu.memory_space<vmem>>
      %dma_wait3A_86 = arith.constant 0 : i32
      %dma_wait3A_87 = arith.constant 0 : i32
      %dma_wait3A_88 = tpu.memref_slice %arg12[%dma_wait3A_86, %dma_wait3A_87] : memref<10240x8xf32, #tpu.memory_space<vmem_shared>> -> memref<10240x8xf32, #tpu.memory_space<vmem_shared>>
      tpu.wait_indirect_dma semaphore(%arg13 : memref<!tpu.dma_semaphore, #tpu.memory_space<semaphore_mem>>) src(%arg11 : memref<512x8xf32, #tpu.memory_space<vmem>>) dst(%dma_wait3A_88 : memref<10240x8xf32, #tpu.memory_space<vmem_shared>>)
    }
    %scan3A_17 = arith.constant 5 : i32
    %barrier3A_18 = arith.constant 0 : index
    tpu.barrier barrier_id(%barrier3A_18)
    %mul3A_19 = arith.constant 640 : i32
    %mul3A_20 = arith.muli %arg1, %mul3A_19 : i32
    %mul3A_21 = arith.constant 640 : i32
    %mul3A_22 = arith.muli %arg1, %mul3A_21 : i32
    "tpu.region"() ({
      %run_scoped3A = tpu.sem_alloc : memref<!tpu.dma_semaphore, #tpu.memory_space<semaphore_mem>>
      %dma_start3A = arith.constant 0 : i32
      %dma_start3A_23 = tpu.memref_slice %arg6[%arg0, %mul3A_22, %dma_start3A] : memref<2x10240x8xf32, #tpu.memory_space<hbm>> -> memref<1x640x8xf32, #tpu.memory_space<hbm>>
      %dma_start3A_24 = tpu.memref_squeeze %dma_start3A_23 : memref<1x640x8xf32, #tpu.memory_space<hbm>> -> memref<640x8xf32, #tpu.memory_space<hbm>>
      %dma_start3A_25 = arith.constant 0 : i32
      %dma_start3A_26 = tpu.memref_slice %arg12[%mul3A_20, %dma_start3A_25] : memref<10240x8xf32, #tpu.memory_space<vmem_shared>> -> memref<640x8xf32, #tpu.memory_space<vmem_shared>>
      tpu.enqueue_dma source(%dma_start3A_26 : memref<640x8xf32, #tpu.memory_space<vmem_shared>>) target(%dma_start3A_24 : memref<640x8xf32, #tpu.memory_space<hbm>>) target_semaphore(%run_scoped3A : memref<!tpu.dma_semaphore, #tpu.memory_space<semaphore_mem>>)
      %dma_wait3A = arith.constant 0 : i32
      %dma_wait3A_27 = tpu.memref_slice %arg6[%arg0, %mul3A_22, %dma_wait3A] : memref<2x10240x8xf32, #tpu.memory_space<hbm>> -> memref<1x640x8xf32, #tpu.memory_space<hbm>>
      %dma_wait3A_28 = tpu.memref_squeeze %dma_wait3A_27 : memref<1x640x8xf32, #tpu.memory_space<hbm>> -> memref<640x8xf32, #tpu.memory_space<hbm>>
      %dma_wait3A_29 = arith.constant 0 : i32
      %dma_wait3A_30 = tpu.memref_slice %arg12[%mul3A_20, %dma_wait3A_29] : memref<10240x8xf32, #tpu.memory_space<vmem_shared>> -> memref<640x8xf32, #tpu.memory_space<vmem_shared>>
      tpu.wait_dma2 semaphore(%run_scoped3A : memref<!tpu.dma_semaphore, #tpu.memory_space<semaphore_mem>>) src(%dma_wait3A_30 : memref<640x8xf32, #tpu.memory_space<vmem_shared>>) dst(%dma_wait3A_28 : memref<640x8xf32, #tpu.memory_space<hbm>>)
      tpu.yield
    }) : () -> ()
    return
  }
}

#map = affine_map<(d0, d1) -> (0)>
#map1 = affine_map<(d0, d1) -> (0, 0, 0)>
#map2 = affine_map<(d0, d1) -> (0, 0)>
module attributes {stable_mosaic.version = 14 : i64} {
  func.func @agg(%arg0: i32, %arg1: i32, %arg2: memref<327680xi32, #tpu.memory_space<hbm>>, %arg3: memref<327680xi32, #tpu.memory_space<hbm>>, %arg4: memref<2x10000x64xbf16, #tpu.memory_space<hbm>>, %arg5: memref<640x64xbf16, #tpu.memory_space<hbm>>, %arg6: memref<2x10240x64xbf16, #tpu.memory_space<hbm>>, %arg7: memref<20480xi32, #tpu.memory_space<vmem>>, %arg8: memref<20480xi32, #tpu.memory_space<vmem>>, %arg9: memref<512x64xbf16, #tpu.memory_space<vmem>>, %arg10: memref<512x64xbf16, #tpu.memory_space<vmem>>, %arg11: memref<512x64xbf16, #tpu.memory_space<vmem>>, %arg12: memref<512x64xbf16, #tpu.memory_space<vmem>>, %arg13: memref<10240x64xbf16, #tpu.memory_space<vmem_shared>>, %arg14: memref<!tpu.dma_semaphore, #tpu.memory_space<semaphore_mem>>, %arg15: memref<!tpu.dma_semaphore, #tpu.memory_space<semaphore_mem>>, %arg16: memref<!tpu.dma_semaphore, #tpu.memory_space<semaphore_mem>>, %arg17: memref<!tpu.dma_semaphore, #tpu.memory_space<semaphore_mem>>, %arg18: memref<!tpu.dma_semaphore, #tpu.memory_space<semaphore_mem>>, %arg19: memref<!tpu.dma_semaphore, #tpu.memory_space<semaphore_mem>>, %arg20: memref<!tpu.dma_semaphore, #tpu.memory_space<semaphore_mem>>, %arg21: memref<!tpu.dma_semaphore, #tpu.memory_space<semaphore_mem>>) attributes {dimension_semantics = [#tpu.dimension_semantics<core_parallel>, #tpu.dimension_semantics<subcore_parallel>], iteration_bounds = array<i64: 2, 16>, scalar_prefetch = 0 : i64, scratch_operands = 15 : i64, tpu.core_type = #tpu.core_type<sc_vector_subcore>, window_params = [{transform_indices = #map}, {transform_indices = #map}, {transform_indices = #map1}, {transform_indices = #map2}, {transform_indices = #map1}]} {
    %mul3A = arith.constant 640 : i32
    %mul3A_0 = arith.muli %arg1, %mul3A : i32
    "tpu.region"() ({
      %run_scoped3A = tpu.sem_alloc : memref<!tpu.dma_semaphore, #tpu.memory_space<semaphore_mem>>
      %dma_start3A_64 = arith.constant 0 : i32
      %dma_start3A_65 = tpu.memref_slice %arg13[%mul3A_0, %dma_start3A_64] : memref<10240x64xbf16, #tpu.memory_space<vmem_shared>> -> memref<640x64xbf16, #tpu.memory_space<vmem_shared>>
      tpu.enqueue_dma source(%arg5 : memref<640x64xbf16, #tpu.memory_space<hbm>>) target(%dma_start3A_65 : memref<640x64xbf16, #tpu.memory_space<vmem_shared>>) target_semaphore(%run_scoped3A : memref<!tpu.dma_semaphore, #tpu.memory_space<semaphore_mem>>)
      %dma_wait3A_66 = arith.constant 0 : i32
      %dma_wait3A_67 = tpu.memref_slice %arg13[%mul3A_0, %dma_wait3A_66] : memref<10240x64xbf16, #tpu.memory_space<vmem_shared>> -> memref<640x64xbf16, #tpu.memory_space<vmem_shared>>
      tpu.wait_dma2 semaphore(%run_scoped3A : memref<!tpu.dma_semaphore, #tpu.memory_space<semaphore_mem>>) src(%arg5 : memref<640x64xbf16, #tpu.memory_space<hbm>>) dst(%dma_wait3A_67 : memref<640x64xbf16, #tpu.memory_space<vmem_shared>>)
      tpu.yield
    }) : () -> ()
    %barrier3A = arith.constant 0 : index
    tpu.barrier barrier_id(%barrier3A)
    %mul3A_1 = arith.constant 20480 : i32
    %mul3A_2 = arith.muli %arg1, %mul3A_1 : i32
    "tpu.region"() ({
      %run_scoped3A = tpu.sem_alloc : memref<!tpu.dma_semaphore, #tpu.memory_space<semaphore_mem>>
      %dma_start3A_64 = tpu.memref_slice %arg2[%mul3A_2] : memref<327680xi32, #tpu.memory_space<hbm>> -> memref<20480xi32, #tpu.memory_space<hbm>>
      %dma_start3A_65 = tpu.memref_slice %arg2[%mul3A_2] : memref<327680xi32, #tpu.memory_space<hbm>> -> memref<20480xi32, #tpu.memory_space<hbm>>
      tpu.enqueue_dma source(%dma_start3A_65 : memref<20480xi32, #tpu.memory_space<hbm>>) target(%arg7 : memref<20480xi32, #tpu.memory_space<vmem>>) target_semaphore(%run_scoped3A : memref<!tpu.dma_semaphore, #tpu.memory_space<semaphore_mem>>)
      %dma_wait3A_66 = tpu.memref_slice %arg2[%mul3A_2] : memref<327680xi32, #tpu.memory_space<hbm>> -> memref<20480xi32, #tpu.memory_space<hbm>>
      %dma_wait3A_67 = tpu.memref_slice %arg2[%mul3A_2] : memref<327680xi32, #tpu.memory_space<hbm>> -> memref<20480xi32, #tpu.memory_space<hbm>>
      tpu.wait_dma2 semaphore(%run_scoped3A : memref<!tpu.dma_semaphore, #tpu.memory_space<semaphore_mem>>) src(%dma_wait3A_67 : memref<20480xi32, #tpu.memory_space<hbm>>) dst(%arg7 : memref<20480xi32, #tpu.memory_space<vmem>>)
      tpu.yield
    }) : () -> ()
    %mul3A_3 = arith.constant 20480 : i32
    %mul3A_4 = arith.muli %arg1, %mul3A_3 : i32
    "tpu.region"() ({
      %run_scoped3A = tpu.sem_alloc : memref<!tpu.dma_semaphore, #tpu.memory_space<semaphore_mem>>
      %dma_start3A_64 = tpu.memref_slice %arg3[%mul3A_4] : memref<327680xi32, #tpu.memory_space<hbm>> -> memref<20480xi32, #tpu.memory_space<hbm>>
      %dma_start3A_65 = tpu.memref_slice %arg3[%mul3A_4] : memref<327680xi32, #tpu.memory_space<hbm>> -> memref<20480xi32, #tpu.memory_space<hbm>>
      tpu.enqueue_dma source(%dma_start3A_65 : memref<20480xi32, #tpu.memory_space<hbm>>) target(%arg8 : memref<20480xi32, #tpu.memory_space<vmem>>) target_semaphore(%run_scoped3A : memref<!tpu.dma_semaphore, #tpu.memory_space<semaphore_mem>>)
      %dma_wait3A_66 = tpu.memref_slice %arg3[%mul3A_4] : memref<327680xi32, #tpu.memory_space<hbm>> -> memref<20480xi32, #tpu.memory_space<hbm>>
      %dma_wait3A_67 = tpu.memref_slice %arg3[%mul3A_4] : memref<327680xi32, #tpu.memory_space<hbm>> -> memref<20480xi32, #tpu.memory_space<hbm>>
      tpu.wait_dma2 semaphore(%run_scoped3A : memref<!tpu.dma_semaphore, #tpu.memory_space<semaphore_mem>>) src(%dma_wait3A_67 : memref<20480xi32, #tpu.memory_space<hbm>>) dst(%arg8 : memref<20480xi32, #tpu.memory_space<vmem>>)
      tpu.yield
    }) : () -> ()
    %multiple_of3A = arith.constant 0 : i32
    %multiple_of3A_5 = tpu.assume_multiple %multiple_of3A, 512 : i32
    %dma_start3A = tpu.memref_slice %arg7[%multiple_of3A_5] : memref<20480xi32, #tpu.memory_space<vmem>> -> memref<512xi32, #tpu.memory_space<vmem>>
    %dma_start3A_6 = arith.constant 0 : i32
    %dma_start3A_7 = arith.constant 0 : i32
    %dma_start3A_8 = tpu.memref_slice %arg4[%arg0, %dma_start3A_6, %dma_start3A_7] : memref<2x10000x64xbf16, #tpu.memory_space<hbm>> -> memref<1x10000x64xbf16, #tpu.memory_space<hbm>>
    %dma_start3A_9 = tpu.memref_squeeze %dma_start3A_8 : memref<1x10000x64xbf16, #tpu.memory_space<hbm>> -> memref<10000x64xbf16, #tpu.memory_space<hbm>>
    %dma_start3A_10 = arith.constant 0 : i32
    %dma_start3A_11 = arith.constant 0 : i32
    %dma_start3A_12 = tpu.memref_slice %dma_start3A_9[%dma_start3A_10, %dma_start3A_11] : memref<10000x64xbf16, #tpu.memory_space<hbm>> -> memref<10000x64xbf16, #tpu.memory_space<hbm>>
    tpu.enqueue_indirect_dma source(%dma_start3A_12 : memref<10000x64xbf16, #tpu.memory_space<hbm>>) target(%arg9 : memref<512x64xbf16, #tpu.memory_space<vmem>>) offsets(%dma_start3A : memref<512xi32, #tpu.memory_space<vmem>>) semaphore(%arg14 : memref<!tpu.dma_semaphore, #tpu.memory_space<semaphore_mem>>)
    %multiple_of3A_13 = arith.constant 512 : i32
    %multiple_of3A_14 = tpu.assume_multiple %multiple_of3A_13, 512 : i32
    %dma_start3A_15 = tpu.memref_slice %arg7[%multiple_of3A_14] : memref<20480xi32, #tpu.memory_space<vmem>> -> memref<512xi32, #tpu.memory_space<vmem>>
    %dma_start3A_16 = arith.constant 0 : i32
    %dma_start3A_17 = arith.constant 0 : i32
    %dma_start3A_18 = tpu.memref_slice %arg4[%arg0, %dma_start3A_16, %dma_start3A_17] : memref<2x10000x64xbf16, #tpu.memory_space<hbm>> -> memref<1x10000x64xbf16, #tpu.memory_space<hbm>>
    %dma_start3A_19 = tpu.memref_squeeze %dma_start3A_18 : memref<1x10000x64xbf16, #tpu.memory_space<hbm>> -> memref<10000x64xbf16, #tpu.memory_space<hbm>>
    %dma_start3A_20 = arith.constant 0 : i32
    %dma_start3A_21 = arith.constant 0 : i32
    %dma_start3A_22 = tpu.memref_slice %dma_start3A_19[%dma_start3A_20, %dma_start3A_21] : memref<10000x64xbf16, #tpu.memory_space<hbm>> -> memref<10000x64xbf16, #tpu.memory_space<hbm>>
    tpu.enqueue_indirect_dma source(%dma_start3A_22 : memref<10000x64xbf16, #tpu.memory_space<hbm>>) target(%arg10 : memref<512x64xbf16, #tpu.memory_space<vmem>>) offsets(%dma_start3A_15 : memref<512xi32, #tpu.memory_space<vmem>>) semaphore(%arg15 : memref<!tpu.dma_semaphore, #tpu.memory_space<semaphore_mem>>)
    %scan3A = arith.constant 0 : i32
    %scan3A_23 = arith.constant 0 : i32
    %scan3A_24 = arith.constant 10 : i32
    %scan3A_25 = arith.addi %scan3A_23, %scan3A_24 : i32
    %scan3A_26 = arith.constant 1 : i32
    scf.for %scan3A_64 = %scan3A_23 to %scan3A_25 step %scan3A_26  : i32 {
      %mul3A_65 = arith.constant 4 : i32
      %mul3A_66 = arith.muli %scan3A_64, %mul3A_65 : i32
      %add3A = arith.constant 0 : i32
      %add3A_67 = arith.addi %mul3A_66, %add3A : i32
      %multiple_of3A_68 = arith.constant 0 : i32
      %multiple_of3A_69 = tpu.assume_multiple %multiple_of3A_68, 512 : i32
      %dma_wait3A_70 = tpu.memref_slice %arg7[%multiple_of3A_69] : memref<20480xi32, #tpu.memory_space<vmem>> -> memref<512xi32, #tpu.memory_space<vmem>>
      %dma_wait3A_71 = arith.constant 0 : i32
      %dma_wait3A_72 = arith.constant 0 : i32
      %dma_wait3A_73 = tpu.memref_slice %arg4[%arg0, %dma_wait3A_71, %dma_wait3A_72] : memref<2x10000x64xbf16, #tpu.memory_space<hbm>> -> memref<1x10000x64xbf16, #tpu.memory_space<hbm>>
      %dma_wait3A_74 = tpu.memref_squeeze %dma_wait3A_73 : memref<1x10000x64xbf16, #tpu.memory_space<hbm>> -> memref<10000x64xbf16, #tpu.memory_space<hbm>>
      %dma_wait3A_75 = arith.constant 0 : i32
      %dma_wait3A_76 = arith.constant 0 : i32
      %dma_wait3A_77 = tpu.memref_slice %dma_wait3A_74[%dma_wait3A_75, %dma_wait3A_76] : memref<10000x64xbf16, #tpu.memory_space<hbm>> -> memref<10000x64xbf16, #tpu.memory_space<hbm>>
      tpu.wait_indirect_dma semaphore(%arg14 : memref<!tpu.dma_semaphore, #tpu.memory_space<semaphore_mem>>) src(%dma_wait3A_77 : memref<10000x64xbf16, #tpu.memory_space<hbm>>) dst(%arg9 : memref<512x64xbf16, #tpu.memory_space<vmem>>)
      %mul3A_78 = arith.constant 512 : i32
      %mul3A_79 = arith.muli %add3A_67, %mul3A_78 : i32
      %multiple_of3A_80 = tpu.assume_multiple %mul3A_79, 512 : i32
      %dma_start3A_81 = tpu.memref_slice %arg8[%multiple_of3A_80] : memref<20480xi32, #tpu.memory_space<vmem>> -> memref<512xi32, #tpu.memory_space<vmem>>
      %dma_start3A_82 = arith.constant 0 : i32
      %dma_start3A_83 = arith.constant 0 : i32
      %dma_start3A_84 = tpu.memref_slice %arg13[%dma_start3A_82, %dma_start3A_83] : memref<10240x64xbf16, #tpu.memory_space<vmem_shared>> -> memref<10240x64xbf16, #tpu.memory_space<vmem_shared>>
      tpu.enqueue_indirect_dma source(%arg9 : memref<512x64xbf16, #tpu.memory_space<vmem>>) target(%dma_start3A_84 : memref<10240x64xbf16, #tpu.memory_space<vmem_shared>>) offsets(%dma_start3A_81 : memref<512xi32, #tpu.memory_space<vmem>>) semaphore(%arg18 : memref<!tpu.dma_semaphore, #tpu.memory_space<semaphore_mem>>) {add = true}
      %gt3A = arith.constant 0 : i32
      %gt3A_85 = arith.cmpi sgt, %scan3A_64, %gt3A : i32
      %convert_element_type3A = arith.extui %gt3A_85 : i1 to i32
      %cond3A = arith.constant 0 : i32
      %cond3A_86 = arith.cmpi ne, %convert_element_type3A, %cond3A : i32
      scf.if %cond3A_86 {
        %multiple_of3A_220 = arith.constant 0 : i32
        %multiple_of3A_221 = tpu.assume_multiple %multiple_of3A_220, 512 : i32
        %dma_wait3A_222 = tpu.memref_slice %arg8[%multiple_of3A_221] : memref<20480xi32, #tpu.memory_space<vmem>> -> memref<512xi32, #tpu.memory_space<vmem>>
        %dma_wait3A_223 = arith.constant 0 : i32
        %dma_wait3A_224 = arith.constant 0 : i32
        %dma_wait3A_225 = tpu.memref_slice %arg13[%dma_wait3A_223, %dma_wait3A_224] : memref<10240x64xbf16, #tpu.memory_space<vmem_shared>> -> memref<10240x64xbf16, #tpu.memory_space<vmem_shared>>
        tpu.wait_indirect_dma semaphore(%arg20 : memref<!tpu.dma_semaphore, #tpu.memory_space<semaphore_mem>>) src(%arg11 : memref<512x64xbf16, #tpu.memory_space<vmem>>) dst(%dma_wait3A_225 : memref<10240x64xbf16, #tpu.memory_space<vmem_shared>>)
      } else {
      }
      %add3A_87 = arith.constant 2 : i32
      %add3A_88 = arith.addi %add3A_67, %add3A_87 : i32
      %min3A = arith.constant 39 : i32
      %min3A_89 = arith.minsi %add3A_88, %min3A : i32
      %mul3A_90 = arith.constant 512 : i32
      %mul3A_91 = arith.muli %min3A_89, %mul3A_90 : i32
      %multiple_of3A_92 = tpu.assume_multiple %mul3A_91, 512 : i32
      %dma_start3A_93 = tpu.memref_slice %arg7[%multiple_of3A_92] : memref<20480xi32, #tpu.memory_space<vmem>> -> memref<512xi32, #tpu.memory_space<vmem>>
      %dma_start3A_94 = arith.constant 0 : i32
      %dma_start3A_95 = arith.constant 0 : i32
      %dma_start3A_96 = tpu.memref_slice %arg4[%arg0, %dma_start3A_94, %dma_start3A_95] : memref<2x10000x64xbf16, #tpu.memory_space<hbm>> -> memref<1x10000x64xbf16, #tpu.memory_space<hbm>>
      %dma_start3A_97 = tpu.memref_squeeze %dma_start3A_96 : memref<1x10000x64xbf16, #tpu.memory_space<hbm>> -> memref<10000x64xbf16, #tpu.memory_space<hbm>>
      %dma_start3A_98 = arith.constant 0 : i32
      %dma_start3A_99 = arith.constant 0 : i32
      %dma_start3A_100 = tpu.memref_slice %dma_start3A_97[%dma_start3A_98, %dma_start3A_99] : memref<10000x64xbf16, #tpu.memory_space<hbm>> -> memref<10000x64xbf16, #tpu.memory_space<hbm>>
      tpu.enqueue_indirect_dma source(%dma_start3A_100 : memref<10000x64xbf16, #tpu.memory_space<hbm>>) target(%arg11 : memref<512x64xbf16, #tpu.memory_space<vmem>>) offsets(%dma_start3A_93 : memref<512xi32, #tpu.memory_space<vmem>>) semaphore(%arg16 : memref<!tpu.dma_semaphore, #tpu.memory_space<semaphore_mem>>)
      %add3A_101 = arith.constant 1 : i32
      %add3A_102 = arith.addi %mul3A_66, %add3A_101 : i32
      %multiple_of3A_103 = arith.constant 0 : i32
      %multiple_of3A_104 = tpu.assume_multiple %multiple_of3A_103, 512 : i32
      %dma_wait3A_105 = tpu.memref_slice %arg7[%multiple_of3A_104] : memref<20480xi32, #tpu.memory_space<vmem>> -> memref<512xi32, #tpu.memory_space<vmem>>
      %dma_wait3A_106 = arith.constant 0 : i32
      %dma_wait3A_107 = arith.constant 0 : i32
      %dma_wait3A_108 = tpu.memref_slice %arg4[%arg0, %dma_wait3A_106, %dma_wait3A_107] : memref<2x10000x64xbf16, #tpu.memory_space<hbm>> -> memref<1x10000x64xbf16, #tpu.memory_space<hbm>>
      %dma_wait3A_109 = tpu.memref_squeeze %dma_wait3A_108 : memref<1x10000x64xbf16, #tpu.memory_space<hbm>> -> memref<10000x64xbf16, #tpu.memory_space<hbm>>
      %dma_wait3A_110 = arith.constant 0 : i32
      %dma_wait3A_111 = arith.constant 0 : i32
      %dma_wait3A_112 = tpu.memref_slice %dma_wait3A_109[%dma_wait3A_110, %dma_wait3A_111] : memref<10000x64xbf16, #tpu.memory_space<hbm>> -> memref<10000x64xbf16, #tpu.memory_space<hbm>>
      tpu.wait_indirect_dma semaphore(%arg15 : memref<!tpu.dma_semaphore, #tpu.memory_space<semaphore_mem>>) src(%dma_wait3A_112 : memref<10000x64xbf16, #tpu.memory_space<hbm>>) dst(%arg10 : memref<512x64xbf16, #tpu.memory_space<vmem>>)
      %mul3A_113 = arith.constant 512 : i32
      %mul3A_114 = arith.muli %add3A_102, %mul3A_113 : i32
      %multiple_of3A_115 = tpu.assume_multiple %mul3A_114, 512 : i32
      %dma_start3A_116 = tpu.memref_slice %arg8[%multiple_of3A_115] : memref<20480xi32, #tpu.memory_space<vmem>> -> memref<512xi32, #tpu.memory_space<vmem>>
      %dma_start3A_117 = arith.constant 0 : i32
      %dma_start3A_118 = arith.constant 0 : i32
      %dma_start3A_119 = tpu.memref_slice %arg13[%dma_start3A_117, %dma_start3A_118] : memref<10240x64xbf16, #tpu.memory_space<vmem_shared>> -> memref<10240x64xbf16, #tpu.memory_space<vmem_shared>>
      tpu.enqueue_indirect_dma source(%arg10 : memref<512x64xbf16, #tpu.memory_space<vmem>>) target(%dma_start3A_119 : memref<10240x64xbf16, #tpu.memory_space<vmem_shared>>) offsets(%dma_start3A_116 : memref<512xi32, #tpu.memory_space<vmem>>) semaphore(%arg19 : memref<!tpu.dma_semaphore, #tpu.memory_space<semaphore_mem>>) {add = true}
      %gt3A_120 = arith.constant 0 : i32
      %gt3A_121 = arith.cmpi sgt, %scan3A_64, %gt3A_120 : i32
      %convert_element_type3A_122 = arith.extui %gt3A_121 : i1 to i32
      %cond3A_123 = arith.constant 0 : i32
      %cond3A_124 = arith.cmpi ne, %convert_element_type3A_122, %cond3A_123 : i32
      scf.if %cond3A_124 {
        %multiple_of3A_220 = arith.constant 0 : i32
        %multiple_of3A_221 = tpu.assume_multiple %multiple_of3A_220, 512 : i32
        %dma_wait3A_222 = tpu.memref_slice %arg8[%multiple_of3A_221] : memref<20480xi32, #tpu.memory_space<vmem>> -> memref<512xi32, #tpu.memory_space<vmem>>
        %dma_wait3A_223 = arith.constant 0 : i32
        %dma_wait3A_224 = arith.constant 0 : i32
        %dma_wait3A_225 = tpu.memref_slice %arg13[%dma_wait3A_223, %dma_wait3A_224] : memref<10240x64xbf16, #tpu.memory_space<vmem_shared>> -> memref<10240x64xbf16, #tpu.memory_space<vmem_shared>>
        tpu.wait_indirect_dma semaphore(%arg21 : memref<!tpu.dma_semaphore, #tpu.memory_space<semaphore_mem>>) src(%arg12 : memref<512x64xbf16, #tpu.memory_space<vmem>>) dst(%dma_wait3A_225 : memref<10240x64xbf16, #tpu.memory_space<vmem_shared>>)
      } else {
      }
      %add3A_125 = arith.constant 2 : i32
      %add3A_126 = arith.addi %add3A_102, %add3A_125 : i32
      %min3A_127 = arith.constant 39 : i32
      %min3A_128 = arith.minsi %add3A_126, %min3A_127 : i32
      %mul3A_129 = arith.constant 512 : i32
      %mul3A_130 = arith.muli %min3A_128, %mul3A_129 : i32
      %multiple_of3A_131 = tpu.assume_multiple %mul3A_130, 512 : i32
      %dma_start3A_132 = tpu.memref_slice %arg7[%multiple_of3A_131] : memref<20480xi32, #tpu.memory_space<vmem>> -> memref<512xi32, #tpu.memory_space<vmem>>
      %dma_start3A_133 = arith.constant 0 : i32
      %dma_start3A_134 = arith.constant 0 : i32
      %dma_start3A_135 = tpu.memref_slice %arg4[%arg0, %dma_start3A_133, %dma_start3A_134] : memref<2x10000x64xbf16, #tpu.memory_space<hbm>> -> memref<1x10000x64xbf16, #tpu.memory_space<hbm>>
      %dma_start3A_136 = tpu.memref_squeeze %dma_start3A_135 : memref<1x10000x64xbf16, #tpu.memory_space<hbm>> -> memref<10000x64xbf16, #tpu.memory_space<hbm>>
      %dma_start3A_137 = arith.constant 0 : i32
      %dma_start3A_138 = arith.constant 0 : i32
      %dma_start3A_139 = tpu.memref_slice %dma_start3A_136[%dma_start3A_137, %dma_start3A_138] : memref<10000x64xbf16, #tpu.memory_space<hbm>> -> memref<10000x64xbf16, #tpu.memory_space<hbm>>
      tpu.enqueue_indirect_dma source(%dma_start3A_139 : memref<10000x64xbf16, #tpu.memory_space<hbm>>) target(%arg12 : memref<512x64xbf16, #tpu.memory_space<vmem>>) offsets(%dma_start3A_132 : memref<512xi32, #tpu.memory_space<vmem>>) semaphore(%arg17 : memref<!tpu.dma_semaphore, #tpu.memory_space<semaphore_mem>>)
      %add3A_140 = arith.constant 2 : i32
      %add3A_141 = arith.addi %mul3A_66, %add3A_140 : i32
      %multiple_of3A_142 = arith.constant 0 : i32
      %multiple_of3A_143 = tpu.assume_multiple %multiple_of3A_142, 512 : i32
      %dma_wait3A_144 = tpu.memref_slice %arg7[%multiple_of3A_143] : memref<20480xi32, #tpu.memory_space<vmem>> -> memref<512xi32, #tpu.memory_space<vmem>>
      %dma_wait3A_145 = arith.constant 0 : i32
      %dma_wait3A_146 = arith.constant 0 : i32
      %dma_wait3A_147 = tpu.memref_slice %arg4[%arg0, %dma_wait3A_145, %dma_wait3A_146] : memref<2x10000x64xbf16, #tpu.memory_space<hbm>> -> memref<1x10000x64xbf16, #tpu.memory_space<hbm>>
      %dma_wait3A_148 = tpu.memref_squeeze %dma_wait3A_147 : memref<1x10000x64xbf16, #tpu.memory_space<hbm>> -> memref<10000x64xbf16, #tpu.memory_space<hbm>>
      %dma_wait3A_149 = arith.constant 0 : i32
      %dma_wait3A_150 = arith.constant 0 : i32
      %dma_wait3A_151 = tpu.memref_slice %dma_wait3A_148[%dma_wait3A_149, %dma_wait3A_150] : memref<10000x64xbf16, #tpu.memory_space<hbm>> -> memref<10000x64xbf16, #tpu.memory_space<hbm>>
      tpu.wait_indirect_dma semaphore(%arg16 : memref<!tpu.dma_semaphore, #tpu.memory_space<semaphore_mem>>) src(%dma_wait3A_151 : memref<10000x64xbf16, #tpu.memory_space<hbm>>) dst(%arg11 : memref<512x64xbf16, #tpu.memory_space<vmem>>)
      %mul3A_152 = arith.constant 512 : i32
      %mul3A_153 = arith.muli %add3A_141, %mul3A_152 : i32
      %multiple_of3A_154 = tpu.assume_multiple %mul3A_153, 512 : i32
      %dma_start3A_155 = tpu.memref_slice %arg8[%multiple_of3A_154] : memref<20480xi32, #tpu.memory_space<vmem>> -> memref<512xi32, #tpu.memory_space<vmem>>
      %dma_start3A_156 = arith.constant 0 : i32
      %dma_start3A_157 = arith.constant 0 : i32
      %dma_start3A_158 = tpu.memref_slice %arg13[%dma_start3A_156, %dma_start3A_157] : memref<10240x64xbf16, #tpu.memory_space<vmem_shared>> -> memref<10240x64xbf16, #tpu.memory_space<vmem_shared>>
      tpu.enqueue_indirect_dma source(%arg11 : memref<512x64xbf16, #tpu.memory_space<vmem>>) target(%dma_start3A_158 : memref<10240x64xbf16, #tpu.memory_space<vmem_shared>>) offsets(%dma_start3A_155 : memref<512xi32, #tpu.memory_space<vmem>>) semaphore(%arg20 : memref<!tpu.dma_semaphore, #tpu.memory_space<semaphore_mem>>) {add = true}
      %multiple_of3A_159 = arith.constant 0 : i32
      %multiple_of3A_160 = tpu.assume_multiple %multiple_of3A_159, 512 : i32
      %dma_wait3A_161 = tpu.memref_slice %arg8[%multiple_of3A_160] : memref<20480xi32, #tpu.memory_space<vmem>> -> memref<512xi32, #tpu.memory_space<vmem>>
      %dma_wait3A_162 = arith.constant 0 : i32
      %dma_wait3A_163 = arith.constant 0 : i32
      %dma_wait3A_164 = tpu.memref_slice %arg13[%dma_wait3A_162, %dma_wait3A_163] : memref<10240x64xbf16, #tpu.memory_space<vmem_shared>> -> memref<10240x64xbf16, #tpu.memory_space<vmem_shared>>
      tpu.wait_indirect_dma semaphore(%arg18 : memref<!tpu.dma_semaphore, #tpu.memory_space<semaphore_mem>>) src(%arg9 : memref<512x64xbf16, #tpu.memory_space<vmem>>) dst(%dma_wait3A_164 : memref<10240x64xbf16, #tpu.memory_space<vmem_shared>>)
      %add3A_165 = arith.constant 2 : i32
      %add3A_166 = arith.addi %add3A_141, %add3A_165 : i32
      %min3A_167 = arith.constant 39 : i32
      %min3A_168 = arith.minsi %add3A_166, %min3A_167 : i32
      %mul3A_169 = arith.constant 512 : i32
      %mul3A_170 = arith.muli %min3A_168, %mul3A_169 : i32
      %multiple_of3A_171 = tpu.assume_multiple %mul3A_170, 512 : i32
      %dma_start3A_172 = tpu.memref_slice %arg7[%multiple_of3A_171] : memref<20480xi32, #tpu.memory_space<vmem>> -> memref<512xi32, #tpu.memory_space<vmem>>
      %dma_start3A_173 = arith.constant 0 : i32
      %dma_start3A_174 = arith.constant 0 : i32
      %dma_start3A_175 = tpu.memref_slice %arg4[%arg0, %dma_start3A_173, %dma_start3A_174] : memref<2x10000x64xbf16, #tpu.memory_space<hbm>> -> memref<1x10000x64xbf16, #tpu.memory_space<hbm>>
      %dma_start3A_176 = tpu.memref_squeeze %dma_start3A_175 : memref<1x10000x64xbf16, #tpu.memory_space<hbm>> -> memref<10000x64xbf16, #tpu.memory_space<hbm>>
      %dma_start3A_177 = arith.constant 0 : i32
      %dma_start3A_178 = arith.constant 0 : i32
      %dma_start3A_179 = tpu.memref_slice %dma_start3A_176[%dma_start3A_177, %dma_start3A_178] : memref<10000x64xbf16, #tpu.memory_space<hbm>> -> memref<10000x64xbf16, #tpu.memory_space<hbm>>
      tpu.enqueue_indirect_dma source(%dma_start3A_179 : memref<10000x64xbf16, #tpu.memory_space<hbm>>) target(%arg9 : memref<512x64xbf16, #tpu.memory_space<vmem>>) offsets(%dma_start3A_172 : memref<512xi32, #tpu.memory_space<vmem>>) semaphore(%arg14 : memref<!tpu.dma_semaphore, #tpu.memory_space<semaphore_mem>>)
      %add3A_180 = arith.constant 3 : i32
      %add3A_181 = arith.addi %mul3A_66, %add3A_180 : i32
      %multiple_of3A_182 = arith.constant 0 : i32
      %multiple_of3A_183 = tpu.assume_multiple %multiple_of3A_182, 512 : i32
      %dma_wait3A_184 = tpu.memref_slice %arg7[%multiple_of3A_183] : memref<20480xi32, #tpu.memory_space<vmem>> -> memref<512xi32, #tpu.memory_space<vmem>>
      %dma_wait3A_185 = arith.constant 0 : i32
      %dma_wait3A_186 = arith.constant 0 : i32
      %dma_wait3A_187 = tpu.memref_slice %arg4[%arg0, %dma_wait3A_185, %dma_wait3A_186] : memref<2x10000x64xbf16, #tpu.memory_space<hbm>> -> memref<1x10000x64xbf16, #tpu.memory_space<hbm>>
      %dma_wait3A_188 = tpu.memref_squeeze %dma_wait3A_187 : memref<1x10000x64xbf16, #tpu.memory_space<hbm>> -> memref<10000x64xbf16, #tpu.memory_space<hbm>>
      %dma_wait3A_189 = arith.constant 0 : i32
      %dma_wait3A_190 = arith.constant 0 : i32
      %dma_wait3A_191 = tpu.memref_slice %dma_wait3A_188[%dma_wait3A_189, %dma_wait3A_190] : memref<10000x64xbf16, #tpu.memory_space<hbm>> -> memref<10000x64xbf16, #tpu.memory_space<hbm>>
      tpu.wait_indirect_dma semaphore(%arg17 : memref<!tpu.dma_semaphore, #tpu.memory_space<semaphore_mem>>) src(%dma_wait3A_191 : memref<10000x64xbf16, #tpu.memory_space<hbm>>) dst(%arg12 : memref<512x64xbf16, #tpu.memory_space<vmem>>)
      %mul3A_192 = arith.constant 512 : i32
      %mul3A_193 = arith.muli %add3A_181, %mul3A_192 : i32
      %multiple_of3A_194 = tpu.assume_multiple %mul3A_193, 512 : i32
      %dma_start3A_195 = tpu.memref_slice %arg8[%multiple_of3A_194] : memref<20480xi32, #tpu.memory_space<vmem>> -> memref<512xi32, #tpu.memory_space<vmem>>
      %dma_start3A_196 = arith.constant 0 : i32
      %dma_start3A_197 = arith.constant 0 : i32
      %dma_start3A_198 = tpu.memref_slice %arg13[%dma_start3A_196, %dma_start3A_197] : memref<10240x64xbf16, #tpu.memory_space<vmem_shared>> -> memref<10240x64xbf16, #tpu.memory_space<vmem_shared>>
      tpu.enqueue_indirect_dma source(%arg12 : memref<512x64xbf16, #tpu.memory_space<vmem>>) target(%dma_start3A_198 : memref<10240x64xbf16, #tpu.memory_space<vmem_shared>>) offsets(%dma_start3A_195 : memref<512xi32, #tpu.memory_space<vmem>>) semaphore(%arg21 : memref<!tpu.dma_semaphore, #tpu.memory_space<semaphore_mem>>) {add = true}
      %multiple_of3A_199 = arith.constant 0 : i32
      %multiple_of3A_200 = tpu.assume_multiple %multiple_of3A_199, 512 : i32
      %dma_wait3A_201 = tpu.memref_slice %arg8[%multiple_of3A_200] : memref<20480xi32, #tpu.memory_space<vmem>> -> memref<512xi32, #tpu.memory_space<vmem>>
      %dma_wait3A_202 = arith.constant 0 : i32
      %dma_wait3A_203 = arith.constant 0 : i32
      %dma_wait3A_204 = tpu.memref_slice %arg13[%dma_wait3A_202, %dma_wait3A_203] : memref<10240x64xbf16, #tpu.memory_space<vmem_shared>> -> memref<10240x64xbf16, #tpu.memory_space<vmem_shared>>
      tpu.wait_indirect_dma semaphore(%arg19 : memref<!tpu.dma_semaphore, #tpu.memory_space<semaphore_mem>>) src(%arg10 : memref<512x64xbf16, #tpu.memory_space<vmem>>) dst(%dma_wait3A_204 : memref<10240x64xbf16, #tpu.memory_space<vmem_shared>>)
      %add3A_205 = arith.constant 2 : i32
      %add3A_206 = arith.addi %add3A_181, %add3A_205 : i32
      %min3A_207 = arith.constant 39 : i32
      %min3A_208 = arith.minsi %add3A_206, %min3A_207 : i32
      %mul3A_209 = arith.constant 512 : i32
      %mul3A_210 = arith.muli %min3A_208, %mul3A_209 : i32
      %multiple_of3A_211 = tpu.assume_multiple %mul3A_210, 512 : i32
      %dma_start3A_212 = tpu.memref_slice %arg7[%multiple_of3A_211] : memref<20480xi32, #tpu.memory_space<vmem>> -> memref<512xi32, #tpu.memory_space<vmem>>
      %dma_start3A_213 = arith.constant 0 : i32
      %dma_start3A_214 = arith.constant 0 : i32
      %dma_start3A_215 = tpu.memref_slice %arg4[%arg0, %dma_start3A_213, %dma_start3A_214] : memref<2x10000x64xbf16, #tpu.memory_space<hbm>> -> memref<1x10000x64xbf16, #tpu.memory_space<hbm>>
      %dma_start3A_216 = tpu.memref_squeeze %dma_start3A_215 : memref<1x10000x64xbf16, #tpu.memory_space<hbm>> -> memref<10000x64xbf16, #tpu.memory_space<hbm>>
      %dma_start3A_217 = arith.constant 0 : i32
      %dma_start3A_218 = arith.constant 0 : i32
      %dma_start3A_219 = tpu.memref_slice %dma_start3A_216[%dma_start3A_217, %dma_start3A_218] : memref<10000x64xbf16, #tpu.memory_space<hbm>> -> memref<10000x64xbf16, #tpu.memory_space<hbm>>
      tpu.enqueue_indirect_dma source(%dma_start3A_219 : memref<10000x64xbf16, #tpu.memory_space<hbm>>) target(%arg10 : memref<512x64xbf16, #tpu.memory_space<vmem>>) offsets(%dma_start3A_212 : memref<512xi32, #tpu.memory_space<vmem>>) semaphore(%arg15 : memref<!tpu.dma_semaphore, #tpu.memory_space<semaphore_mem>>)
    }
    %scan3A_27 = arith.constant 10 : i32
    %multiple_of3A_28 = arith.constant 0 : i32
    %multiple_of3A_29 = tpu.assume_multiple %multiple_of3A_28, 512 : i32
    %dma_wait3A = tpu.memref_slice %arg8[%multiple_of3A_29] : memref<20480xi32, #tpu.memory_space<vmem>> -> memref<512xi32, #tpu.memory_space<vmem>>
    %dma_wait3A_30 = arith.constant 0 : i32
    %dma_wait3A_31 = arith.constant 0 : i32
    %dma_wait3A_32 = tpu.memref_slice %arg13[%dma_wait3A_30, %dma_wait3A_31] : memref<10240x64xbf16, #tpu.memory_space<vmem_shared>> -> memref<10240x64xbf16, #tpu.memory_space<vmem_shared>>
    tpu.wait_indirect_dma semaphore(%arg20 : memref<!tpu.dma_semaphore, #tpu.memory_space<semaphore_mem>>) src(%arg11 : memref<512x64xbf16, #tpu.memory_space<vmem>>) dst(%dma_wait3A_32 : memref<10240x64xbf16, #tpu.memory_space<vmem_shared>>)
    %multiple_of3A_33 = arith.constant 0 : i32
    %multiple_of3A_34 = tpu.assume_multiple %multiple_of3A_33, 512 : i32
    %dma_wait3A_35 = tpu.memref_slice %arg8[%multiple_of3A_34] : memref<20480xi32, #tpu.memory_space<vmem>> -> memref<512xi32, #tpu.memory_space<vmem>>
    %dma_wait3A_36 = arith.constant 0 : i32
    %dma_wait3A_37 = arith.constant 0 : i32
    %dma_wait3A_38 = tpu.memref_slice %arg13[%dma_wait3A_36, %dma_wait3A_37] : memref<10240x64xbf16, #tpu.memory_space<vmem_shared>> -> memref<10240x64xbf16, #tpu.memory_space<vmem_shared>>
    tpu.wait_indirect_dma semaphore(%arg21 : memref<!tpu.dma_semaphore, #tpu.memory_space<semaphore_mem>>) src(%arg12 : memref<512x64xbf16, #tpu.memory_space<vmem>>) dst(%dma_wait3A_38 : memref<10240x64xbf16, #tpu.memory_space<vmem_shared>>)
    %multiple_of3A_39 = arith.constant 0 : i32
    %multiple_of3A_40 = tpu.assume_multiple %multiple_of3A_39, 512 : i32
    %dma_wait3A_41 = tpu.memref_slice %arg7[%multiple_of3A_40] : memref<20480xi32, #tpu.memory_space<vmem>> -> memref<512xi32, #tpu.memory_space<vmem>>
    %dma_wait3A_42 = arith.constant 0 : i32
    %dma_wait3A_43 = arith.constant 0 : i32
    %dma_wait3A_44 = tpu.memref_slice %arg4[%arg0, %dma_wait3A_42, %dma_wait3A_43] : memref<2x10000x64xbf16, #tpu.memory_space<hbm>> -> memref<1x10000x64xbf16, #tpu.memory_space<hbm>>
    %dma_wait3A_45 = tpu.memref_squeeze %dma_wait3A_44 : memref<1x10000x64xbf16, #tpu.memory_space<hbm>> -> memref<10000x64xbf16, #tpu.memory_space<hbm>>
    %dma_wait3A_46 = arith.constant 0 : i32
    %dma_wait3A_47 = arith.constant 0 : i32
    %dma_wait3A_48 = tpu.memref_slice %dma_wait3A_45[%dma_wait3A_46, %dma_wait3A_47] : memref<10000x64xbf16, #tpu.memory_space<hbm>> -> memref<10000x64xbf16, #tpu.memory_space<hbm>>
    tpu.wait_indirect_dma semaphore(%arg14 : memref<!tpu.dma_semaphore, #tpu.memory_space<semaphore_mem>>) src(%dma_wait3A_48 : memref<10000x64xbf16, #tpu.memory_space<hbm>>) dst(%arg9 : memref<512x64xbf16, #tpu.memory_space<vmem>>)
    %multiple_of3A_49 = arith.constant 0 : i32
    %multiple_of3A_50 = tpu.assume_multiple %multiple_of3A_49, 512 : i32
    %dma_wait3A_51 = tpu.memref_slice %arg7[%multiple_of3A_50] : memref<20480xi32, #tpu.memory_space<vmem>> -> memref<512xi32, #tpu.memory_space<vmem>>
    %dma_wait3A_52 = arith.constant 0 : i32
    %dma_wait3A_53 = arith.constant 0 : i32
    %dma_wait3A_54 = tpu.memref_slice %arg4[%arg0, %dma_wait3A_52, %dma_wait3A_53] : memref<2x10000x64xbf16, #tpu.memory_space<hbm>> -> memref<1x10000x64xbf16, #tpu.memory_space<hbm>>
    %dma_wait3A_55 = tpu.memref_squeeze %dma_wait3A_54 : memref<1x10000x64xbf16, #tpu.memory_space<hbm>> -> memref<10000x64xbf16, #tpu.memory_space<hbm>>
    %dma_wait3A_56 = arith.constant 0 : i32
    %dma_wait3A_57 = arith.constant 0 : i32
    %dma_wait3A_58 = tpu.memref_slice %dma_wait3A_55[%dma_wait3A_56, %dma_wait3A_57] : memref<10000x64xbf16, #tpu.memory_space<hbm>> -> memref<10000x64xbf16, #tpu.memory_space<hbm>>
    tpu.wait_indirect_dma semaphore(%arg15 : memref<!tpu.dma_semaphore, #tpu.memory_space<semaphore_mem>>) src(%dma_wait3A_58 : memref<10000x64xbf16, #tpu.memory_space<hbm>>) dst(%arg10 : memref<512x64xbf16, #tpu.memory_space<vmem>>)
    %barrier3A_59 = arith.constant 0 : index
    tpu.barrier barrier_id(%barrier3A_59)
    %mul3A_60 = arith.constant 640 : i32
    %mul3A_61 = arith.muli %arg1, %mul3A_60 : i32
    %mul3A_62 = arith.constant 640 : i32
    %mul3A_63 = arith.muli %arg1, %mul3A_62 : i32
    "tpu.region"() ({
      %run_scoped3A = tpu.sem_alloc : memref<!tpu.dma_semaphore, #tpu.memory_space<semaphore_mem>>
      %dma_start3A_64 = arith.constant 0 : i32
      %dma_start3A_65 = tpu.memref_slice %arg6[%arg0, %mul3A_63, %dma_start3A_64] : memref<2x10240x64xbf16, #tpu.memory_space<hbm>> -> memref<1x640x64xbf16, #tpu.memory_space<hbm>>
      %dma_start3A_66 = tpu.memref_squeeze %dma_start3A_65 : memref<1x640x64xbf16, #tpu.memory_space<hbm>> -> memref<640x64xbf16, #tpu.memory_space<hbm>>
      %dma_start3A_67 = arith.constant 0 : i32
      %dma_start3A_68 = tpu.memref_slice %arg13[%mul3A_61, %dma_start3A_67] : memref<10240x64xbf16, #tpu.memory_space<vmem_shared>> -> memref<640x64xbf16, #tpu.memory_space<vmem_shared>>
      tpu.enqueue_dma source(%dma_start3A_68 : memref<640x64xbf16, #tpu.memory_space<vmem_shared>>) target(%dma_start3A_66 : memref<640x64xbf16, #tpu.memory_space<hbm>>) target_semaphore(%run_scoped3A : memref<!tpu.dma_semaphore, #tpu.memory_space<semaphore_mem>>)
      %dma_wait3A_69 = arith.constant 0 : i32
      %dma_wait3A_70 = tpu.memref_slice %arg6[%arg0, %mul3A_63, %dma_wait3A_69] : memref<2x10240x64xbf16, #tpu.memory_space<hbm>> -> memref<1x640x64xbf16, #tpu.memory_space<hbm>>
      %dma_wait3A_71 = tpu.memref_squeeze %dma_wait3A_70 : memref<1x640x64xbf16, #tpu.memory_space<hbm>> -> memref<640x64xbf16, #tpu.memory_space<hbm>>
      %dma_wait3A_72 = arith.constant 0 : i32
      %dma_wait3A_73 = tpu.memref_slice %arg13[%mul3A_61, %dma_wait3A_72] : memref<10240x64xbf16, #tpu.memory_space<vmem_shared>> -> memref<640x64xbf16, #tpu.memory_space<vmem_shared>>
      tpu.wait_dma2 semaphore(%run_scoped3A : memref<!tpu.dma_semaphore, #tpu.memory_space<semaphore_mem>>) src(%dma_wait3A_73 : memref<640x64xbf16, #tpu.memory_space<vmem_shared>>) dst(%dma_wait3A_71 : memref<640x64xbf16, #tpu.memory_space<hbm>>)
      tpu.yield
    }) : () -> ()
    return
  }
}

#map = affine_map<(d0, d1) -> (0)>
#map1 = affine_map<(d0, d1) -> (0, 0)>
#map2 = affine_map<(d0, d1) -> (0, 0, 0)>
module attributes {stable_mosaic.version = 14 : i64} {
  func.func @agg(%arg0: i32, %arg1: i32, %arg2: memref<327680xi32, #tpu.memory_space<hbm>>, %arg3: memref<327680xi32, #tpu.memory_space<hbm>>, %arg4: memref<10000x64xbf16, #tpu.memory_space<hbm>>, %arg5: memref<640x64xbf16, #tpu.memory_space<hbm>>, %arg6: memref<2x10240x64xbf16, #tpu.memory_space<hbm>>, %arg7: memref<10240xi32, #tpu.memory_space<vmem>>, %arg8: memref<10240xi32, #tpu.memory_space<vmem>>, %arg9: memref<512x64xbf16, #tpu.memory_space<vmem>>, %arg10: memref<512x64xbf16, #tpu.memory_space<vmem>>, %arg11: memref<512x64xbf16, #tpu.memory_space<vmem>>, %arg12: memref<512x64xbf16, #tpu.memory_space<vmem>>, %arg13: memref<10240x64xbf16, #tpu.memory_space<vmem_shared>>, %arg14: memref<!tpu.dma_semaphore, #tpu.memory_space<semaphore_mem>>, %arg15: memref<!tpu.dma_semaphore, #tpu.memory_space<semaphore_mem>>, %arg16: memref<!tpu.dma_semaphore, #tpu.memory_space<semaphore_mem>>, %arg17: memref<!tpu.dma_semaphore, #tpu.memory_space<semaphore_mem>>, %arg18: memref<!tpu.dma_semaphore, #tpu.memory_space<semaphore_mem>>, %arg19: memref<!tpu.dma_semaphore, #tpu.memory_space<semaphore_mem>>, %arg20: memref<!tpu.dma_semaphore, #tpu.memory_space<semaphore_mem>>, %arg21: memref<!tpu.dma_semaphore, #tpu.memory_space<semaphore_mem>>) attributes {dimension_semantics = [#tpu.dimension_semantics<core_parallel>, #tpu.dimension_semantics<subcore_parallel>], iteration_bounds = array<i64: 2, 16>, scalar_prefetch = 0 : i64, scratch_operands = 15 : i64, tpu.core_type = #tpu.core_type<sc_vector_subcore>, window_params = [{transform_indices = #map}, {transform_indices = #map}, {transform_indices = #map1}, {transform_indices = #map1}, {transform_indices = #map2}]} {
    %mul3A = arith.constant 2 : i32
    %mul3A_0 = arith.muli %arg1, %mul3A : i32
    %add3A = arith.addi %mul3A_0, %arg0 : i32
    %mul3A_1 = arith.constant 640 : i32
    %mul3A_2 = arith.muli %arg1, %mul3A_1 : i32
    "tpu.region"() ({
      %run_scoped3A = tpu.sem_alloc : memref<!tpu.dma_semaphore, #tpu.memory_space<semaphore_mem>>
      %dma_start3A_50 = arith.constant 0 : i32
      %dma_start3A_51 = tpu.memref_slice %arg13[%mul3A_2, %dma_start3A_50] : memref<10240x64xbf16, #tpu.memory_space<vmem_shared>> -> memref<640x64xbf16, #tpu.memory_space<vmem_shared>>
      tpu.enqueue_dma source(%arg5 : memref<640x64xbf16, #tpu.memory_space<hbm>>) target(%dma_start3A_51 : memref<640x64xbf16, #tpu.memory_space<vmem_shared>>) target_semaphore(%run_scoped3A : memref<!tpu.dma_semaphore, #tpu.memory_space<semaphore_mem>>)
      %dma_wait3A_52 = arith.constant 0 : i32
      %dma_wait3A_53 = tpu.memref_slice %arg13[%mul3A_2, %dma_wait3A_52] : memref<10240x64xbf16, #tpu.memory_space<vmem_shared>> -> memref<640x64xbf16, #tpu.memory_space<vmem_shared>>
      tpu.wait_dma2 semaphore(%run_scoped3A : memref<!tpu.dma_semaphore, #tpu.memory_space<semaphore_mem>>) src(%arg5 : memref<640x64xbf16, #tpu.memory_space<hbm>>) dst(%dma_wait3A_53 : memref<640x64xbf16, #tpu.memory_space<vmem_shared>>)
      tpu.yield
    }) : () -> ()
    %barrier3A = arith.constant 0 : index
    tpu.barrier barrier_id(%barrier3A)
    %mul3A_3 = arith.constant 10240 : i32
    %mul3A_4 = arith.muli %add3A, %mul3A_3 : i32
    "tpu.region"() ({
      %run_scoped3A = tpu.sem_alloc : memref<!tpu.dma_semaphore, #tpu.memory_space<semaphore_mem>>
      %dma_start3A_50 = tpu.memref_slice %arg2[%mul3A_4] : memref<327680xi32, #tpu.memory_space<hbm>> -> memref<10240xi32, #tpu.memory_space<hbm>>
      %dma_start3A_51 = tpu.memref_slice %arg2[%mul3A_4] : memref<327680xi32, #tpu.memory_space<hbm>> -> memref<10240xi32, #tpu.memory_space<hbm>>
      tpu.enqueue_dma source(%dma_start3A_51 : memref<10240xi32, #tpu.memory_space<hbm>>) target(%arg7 : memref<10240xi32, #tpu.memory_space<vmem>>) target_semaphore(%run_scoped3A : memref<!tpu.dma_semaphore, #tpu.memory_space<semaphore_mem>>)
      %dma_wait3A_52 = tpu.memref_slice %arg2[%mul3A_4] : memref<327680xi32, #tpu.memory_space<hbm>> -> memref<10240xi32, #tpu.memory_space<hbm>>
      %dma_wait3A_53 = tpu.memref_slice %arg2[%mul3A_4] : memref<327680xi32, #tpu.memory_space<hbm>> -> memref<10240xi32, #tpu.memory_space<hbm>>
      tpu.wait_dma2 semaphore(%run_scoped3A : memref<!tpu.dma_semaphore, #tpu.memory_space<semaphore_mem>>) src(%dma_wait3A_53 : memref<10240xi32, #tpu.memory_space<hbm>>) dst(%arg7 : memref<10240xi32, #tpu.memory_space<vmem>>)
      tpu.yield
    }) : () -> ()
    %mul3A_5 = arith.constant 10240 : i32
    %mul3A_6 = arith.muli %add3A, %mul3A_5 : i32
    "tpu.region"() ({
      %run_scoped3A = tpu.sem_alloc : memref<!tpu.dma_semaphore, #tpu.memory_space<semaphore_mem>>
      %dma_start3A_50 = tpu.memref_slice %arg3[%mul3A_6] : memref<327680xi32, #tpu.memory_space<hbm>> -> memref<10240xi32, #tpu.memory_space<hbm>>
      %dma_start3A_51 = tpu.memref_slice %arg3[%mul3A_6] : memref<327680xi32, #tpu.memory_space<hbm>> -> memref<10240xi32, #tpu.memory_space<hbm>>
      tpu.enqueue_dma source(%dma_start3A_51 : memref<10240xi32, #tpu.memory_space<hbm>>) target(%arg8 : memref<10240xi32, #tpu.memory_space<vmem>>) target_semaphore(%run_scoped3A : memref<!tpu.dma_semaphore, #tpu.memory_space<semaphore_mem>>)
      %dma_wait3A_52 = tpu.memref_slice %arg3[%mul3A_6] : memref<327680xi32, #tpu.memory_space<hbm>> -> memref<10240xi32, #tpu.memory_space<hbm>>
      %dma_wait3A_53 = tpu.memref_slice %arg3[%mul3A_6] : memref<327680xi32, #tpu.memory_space<hbm>> -> memref<10240xi32, #tpu.memory_space<hbm>>
      tpu.wait_dma2 semaphore(%run_scoped3A : memref<!tpu.dma_semaphore, #tpu.memory_space<semaphore_mem>>) src(%dma_wait3A_53 : memref<10240xi32, #tpu.memory_space<hbm>>) dst(%arg8 : memref<10240xi32, #tpu.memory_space<vmem>>)
      tpu.yield
    }) : () -> ()
    %multiple_of3A = arith.constant 0 : i32
    %multiple_of3A_7 = tpu.assume_multiple %multiple_of3A, 512 : i32
    %dma_start3A = tpu.memref_slice %arg7[%multiple_of3A_7] : memref<10240xi32, #tpu.memory_space<vmem>> -> memref<512xi32, #tpu.memory_space<vmem>>
    %dma_start3A_8 = arith.constant 0 : i32
    %dma_start3A_9 = arith.constant 0 : i32
    %dma_start3A_10 = tpu.memref_slice %arg4[%dma_start3A_8, %dma_start3A_9] : memref<10000x64xbf16, #tpu.memory_space<hbm>> -> memref<10000x64xbf16, #tpu.memory_space<hbm>>
    tpu.enqueue_indirect_dma source(%dma_start3A_10 : memref<10000x64xbf16, #tpu.memory_space<hbm>>) target(%arg9 : memref<512x64xbf16, #tpu.memory_space<vmem>>) offsets(%dma_start3A : memref<512xi32, #tpu.memory_space<vmem>>) semaphore(%arg14 : memref<!tpu.dma_semaphore, #tpu.memory_space<semaphore_mem>>)
    %multiple_of3A_11 = arith.constant 512 : i32
    %multiple_of3A_12 = tpu.assume_multiple %multiple_of3A_11, 512 : i32
    %dma_start3A_13 = tpu.memref_slice %arg7[%multiple_of3A_12] : memref<10240xi32, #tpu.memory_space<vmem>> -> memref<512xi32, #tpu.memory_space<vmem>>
    %dma_start3A_14 = arith.constant 0 : i32
    %dma_start3A_15 = arith.constant 0 : i32
    %dma_start3A_16 = tpu.memref_slice %arg4[%dma_start3A_14, %dma_start3A_15] : memref<10000x64xbf16, #tpu.memory_space<hbm>> -> memref<10000x64xbf16, #tpu.memory_space<hbm>>
    tpu.enqueue_indirect_dma source(%dma_start3A_16 : memref<10000x64xbf16, #tpu.memory_space<hbm>>) target(%arg10 : memref<512x64xbf16, #tpu.memory_space<vmem>>) offsets(%dma_start3A_13 : memref<512xi32, #tpu.memory_space<vmem>>) semaphore(%arg15 : memref<!tpu.dma_semaphore, #tpu.memory_space<semaphore_mem>>)
    %scan3A = arith.constant 0 : i32
    %scan3A_17 = arith.constant 0 : i32
    %scan3A_18 = arith.constant 5 : i32
    %scan3A_19 = arith.addi %scan3A_17, %scan3A_18 : i32
    %scan3A_20 = arith.constant 1 : i32
    scf.for %scan3A_50 = %scan3A_17 to %scan3A_19 step %scan3A_20  : i32 {
      %mul3A_51 = arith.constant 4 : i32
      %mul3A_52 = arith.muli %scan3A_50, %mul3A_51 : i32
      %add3A_53 = arith.constant 0 : i32
      %add3A_54 = arith.addi %mul3A_52, %add3A_53 : i32
      %multiple_of3A_55 = arith.constant 0 : i32
      %multiple_of3A_56 = tpu.assume_multiple %multiple_of3A_55, 512 : i32
      %dma_wait3A_57 = tpu.memref_slice %arg7[%multiple_of3A_56] : memref<10240xi32, #tpu.memory_space<vmem>> -> memref<512xi32, #tpu.memory_space<vmem>>
      %dma_wait3A_58 = arith.constant 0 : i32
      %dma_wait3A_59 = arith.constant 0 : i32
      %dma_wait3A_60 = tpu.memref_slice %arg4[%dma_wait3A_58, %dma_wait3A_59] : memref<10000x64xbf16, #tpu.memory_space<hbm>> -> memref<10000x64xbf16, #tpu.memory_space<hbm>>
      tpu.wait_indirect_dma semaphore(%arg14 : memref<!tpu.dma_semaphore, #tpu.memory_space<semaphore_mem>>) src(%dma_wait3A_60 : memref<10000x64xbf16, #tpu.memory_space<hbm>>) dst(%arg9 : memref<512x64xbf16, #tpu.memory_space<vmem>>)
      %mul3A_61 = arith.constant 512 : i32
      %mul3A_62 = arith.muli %add3A_54, %mul3A_61 : i32
      %multiple_of3A_63 = tpu.assume_multiple %mul3A_62, 512 : i32
      %dma_start3A_64 = tpu.memref_slice %arg8[%multiple_of3A_63] : memref<10240xi32, #tpu.memory_space<vmem>> -> memref<512xi32, #tpu.memory_space<vmem>>
      %dma_start3A_65 = arith.constant 0 : i32
      %dma_start3A_66 = arith.constant 0 : i32
      %dma_start3A_67 = tpu.memref_slice %arg13[%dma_start3A_65, %dma_start3A_66] : memref<10240x64xbf16, #tpu.memory_space<vmem_shared>> -> memref<10240x64xbf16, #tpu.memory_space<vmem_shared>>
      tpu.enqueue_indirect_dma source(%arg9 : memref<512x64xbf16, #tpu.memory_space<vmem>>) target(%dma_start3A_67 : memref<10240x64xbf16, #tpu.memory_space<vmem_shared>>) offsets(%dma_start3A_64 : memref<512xi32, #tpu.memory_space<vmem>>) semaphore(%arg18 : memref<!tpu.dma_semaphore, #tpu.memory_space<semaphore_mem>>) {add = true}
      %gt3A = arith.constant 0 : i32
      %gt3A_68 = arith.cmpi sgt, %scan3A_50, %gt3A : i32
      %convert_element_type3A = arith.extui %gt3A_68 : i1 to i32
      %cond3A = arith.constant 0 : i32
      %cond3A_69 = arith.cmpi ne, %convert_element_type3A, %cond3A : i32
      scf.if %cond3A_69 {
        %multiple_of3A_175 = arith.constant 0 : i32
        %multiple_of3A_176 = tpu.assume_multiple %multiple_of3A_175, 512 : i32
        %dma_wait3A_177 = tpu.memref_slice %arg8[%multiple_of3A_176] : memref<10240xi32, #tpu.memory_space<vmem>> -> memref<512xi32, #tpu.memory_space<vmem>>
        %dma_wait3A_178 = arith.constant 0 : i32
        %dma_wait3A_179 = arith.constant 0 : i32
        %dma_wait3A_180 = tpu.memref_slice %arg13[%dma_wait3A_178, %dma_wait3A_179] : memref<10240x64xbf16, #tpu.memory_space<vmem_shared>> -> memref<10240x64xbf16, #tpu.memory_space<vmem_shared>>
        tpu.wait_indirect_dma semaphore(%arg20 : memref<!tpu.dma_semaphore, #tpu.memory_space<semaphore_mem>>) src(%arg11 : memref<512x64xbf16, #tpu.memory_space<vmem>>) dst(%dma_wait3A_180 : memref<10240x64xbf16, #tpu.memory_space<vmem_shared>>)
      } else {
      }
      %add3A_70 = arith.constant 2 : i32
      %add3A_71 = arith.addi %add3A_54, %add3A_70 : i32
      %min3A = arith.constant 19 : i32
      %min3A_72 = arith.minsi %add3A_71, %min3A : i32
      %mul3A_73 = arith.constant 512 : i32
      %mul3A_74 = arith.muli %min3A_72, %mul3A_73 : i32
      %multiple_of3A_75 = tpu.assume_multiple %mul3A_74, 512 : i32
      %dma_start3A_76 = tpu.memref_slice %arg7[%multiple_of3A_75] : memref<10240xi32, #tpu.memory_space<vmem>> -> memref<512xi32, #tpu.memory_space<vmem>>
      %dma_start3A_77 = arith.constant 0 : i32
      %dma_start3A_78 = arith.constant 0 : i32
      %dma_start3A_79 = tpu.memref_slice %arg4[%dma_start3A_77, %dma_start3A_78] : memref<10000x64xbf16, #tpu.memory_space<hbm>> -> memref<10000x64xbf16, #tpu.memory_space<hbm>>
      tpu.enqueue_indirect_dma source(%dma_start3A_79 : memref<10000x64xbf16, #tpu.memory_space<hbm>>) target(%arg11 : memref<512x64xbf16, #tpu.memory_space<vmem>>) offsets(%dma_start3A_76 : memref<512xi32, #tpu.memory_space<vmem>>) semaphore(%arg16 : memref<!tpu.dma_semaphore, #tpu.memory_space<semaphore_mem>>)
      %add3A_80 = arith.constant 1 : i32
      %add3A_81 = arith.addi %mul3A_52, %add3A_80 : i32
      %multiple_of3A_82 = arith.constant 0 : i32
      %multiple_of3A_83 = tpu.assume_multiple %multiple_of3A_82, 512 : i32
      %dma_wait3A_84 = tpu.memref_slice %arg7[%multiple_of3A_83] : memref<10240xi32, #tpu.memory_space<vmem>> -> memref<512xi32, #tpu.memory_space<vmem>>
      %dma_wait3A_85 = arith.constant 0 : i32
      %dma_wait3A_86 = arith.constant 0 : i32
      %dma_wait3A_87 = tpu.memref_slice %arg4[%dma_wait3A_85, %dma_wait3A_86] : memref<10000x64xbf16, #tpu.memory_space<hbm>> -> memref<10000x64xbf16, #tpu.memory_space<hbm>>
      tpu.wait_indirect_dma semaphore(%arg15 : memref<!tpu.dma_semaphore, #tpu.memory_space<semaphore_mem>>) src(%dma_wait3A_87 : memref<10000x64xbf16, #tpu.memory_space<hbm>>) dst(%arg10 : memref<512x64xbf16, #tpu.memory_space<vmem>>)
      %mul3A_88 = arith.constant 512 : i32
      %mul3A_89 = arith.muli %add3A_81, %mul3A_88 : i32
      %multiple_of3A_90 = tpu.assume_multiple %mul3A_89, 512 : i32
      %dma_start3A_91 = tpu.memref_slice %arg8[%multiple_of3A_90] : memref<10240xi32, #tpu.memory_space<vmem>> -> memref<512xi32, #tpu.memory_space<vmem>>
      %dma_start3A_92 = arith.constant 0 : i32
      %dma_start3A_93 = arith.constant 0 : i32
      %dma_start3A_94 = tpu.memref_slice %arg13[%dma_start3A_92, %dma_start3A_93] : memref<10240x64xbf16, #tpu.memory_space<vmem_shared>> -> memref<10240x64xbf16, #tpu.memory_space<vmem_shared>>
      tpu.enqueue_indirect_dma source(%arg10 : memref<512x64xbf16, #tpu.memory_space<vmem>>) target(%dma_start3A_94 : memref<10240x64xbf16, #tpu.memory_space<vmem_shared>>) offsets(%dma_start3A_91 : memref<512xi32, #tpu.memory_space<vmem>>) semaphore(%arg19 : memref<!tpu.dma_semaphore, #tpu.memory_space<semaphore_mem>>) {add = true}
      %gt3A_95 = arith.constant 0 : i32
      %gt3A_96 = arith.cmpi sgt, %scan3A_50, %gt3A_95 : i32
      %convert_element_type3A_97 = arith.extui %gt3A_96 : i1 to i32
      %cond3A_98 = arith.constant 0 : i32
      %cond3A_99 = arith.cmpi ne, %convert_element_type3A_97, %cond3A_98 : i32
      scf.if %cond3A_99 {
        %multiple_of3A_175 = arith.constant 0 : i32
        %multiple_of3A_176 = tpu.assume_multiple %multiple_of3A_175, 512 : i32
        %dma_wait3A_177 = tpu.memref_slice %arg8[%multiple_of3A_176] : memref<10240xi32, #tpu.memory_space<vmem>> -> memref<512xi32, #tpu.memory_space<vmem>>
        %dma_wait3A_178 = arith.constant 0 : i32
        %dma_wait3A_179 = arith.constant 0 : i32
        %dma_wait3A_180 = tpu.memref_slice %arg13[%dma_wait3A_178, %dma_wait3A_179] : memref<10240x64xbf16, #tpu.memory_space<vmem_shared>> -> memref<10240x64xbf16, #tpu.memory_space<vmem_shared>>
        tpu.wait_indirect_dma semaphore(%arg21 : memref<!tpu.dma_semaphore, #tpu.memory_space<semaphore_mem>>) src(%arg12 : memref<512x64xbf16, #tpu.memory_space<vmem>>) dst(%dma_wait3A_180 : memref<10240x64xbf16, #tpu.memory_space<vmem_shared>>)
      } else {
      }
      %add3A_100 = arith.constant 2 : i32
      %add3A_101 = arith.addi %add3A_81, %add3A_100 : i32
      %min3A_102 = arith.constant 19 : i32
      %min3A_103 = arith.minsi %add3A_101, %min3A_102 : i32
      %mul3A_104 = arith.constant 512 : i32
      %mul3A_105 = arith.muli %min3A_103, %mul3A_104 : i32
      %multiple_of3A_106 = tpu.assume_multiple %mul3A_105, 512 : i32
      %dma_start3A_107 = tpu.memref_slice %arg7[%multiple_of3A_106] : memref<10240xi32, #tpu.memory_space<vmem>> -> memref<512xi32, #tpu.memory_space<vmem>>
      %dma_start3A_108 = arith.constant 0 : i32
      %dma_start3A_109 = arith.constant 0 : i32
      %dma_start3A_110 = tpu.memref_slice %arg4[%dma_start3A_108, %dma_start3A_109] : memref<10000x64xbf16, #tpu.memory_space<hbm>> -> memref<10000x64xbf16, #tpu.memory_space<hbm>>
      tpu.enqueue_indirect_dma source(%dma_start3A_110 : memref<10000x64xbf16, #tpu.memory_space<hbm>>) target(%arg12 : memref<512x64xbf16, #tpu.memory_space<vmem>>) offsets(%dma_start3A_107 : memref<512xi32, #tpu.memory_space<vmem>>) semaphore(%arg17 : memref<!tpu.dma_semaphore, #tpu.memory_space<semaphore_mem>>)
      %add3A_111 = arith.constant 2 : i32
      %add3A_112 = arith.addi %mul3A_52, %add3A_111 : i32
      %multiple_of3A_113 = arith.constant 0 : i32
      %multiple_of3A_114 = tpu.assume_multiple %multiple_of3A_113, 512 : i32
      %dma_wait3A_115 = tpu.memref_slice %arg7[%multiple_of3A_114] : memref<10240xi32, #tpu.memory_space<vmem>> -> memref<512xi32, #tpu.memory_space<vmem>>
      %dma_wait3A_116 = arith.constant 0 : i32
      %dma_wait3A_117 = arith.constant 0 : i32
      %dma_wait3A_118 = tpu.memref_slice %arg4[%dma_wait3A_116, %dma_wait3A_117] : memref<10000x64xbf16, #tpu.memory_space<hbm>> -> memref<10000x64xbf16, #tpu.memory_space<hbm>>
      tpu.wait_indirect_dma semaphore(%arg16 : memref<!tpu.dma_semaphore, #tpu.memory_space<semaphore_mem>>) src(%dma_wait3A_118 : memref<10000x64xbf16, #tpu.memory_space<hbm>>) dst(%arg11 : memref<512x64xbf16, #tpu.memory_space<vmem>>)
      %mul3A_119 = arith.constant 512 : i32
      %mul3A_120 = arith.muli %add3A_112, %mul3A_119 : i32
      %multiple_of3A_121 = tpu.assume_multiple %mul3A_120, 512 : i32
      %dma_start3A_122 = tpu.memref_slice %arg8[%multiple_of3A_121] : memref<10240xi32, #tpu.memory_space<vmem>> -> memref<512xi32, #tpu.memory_space<vmem>>
      %dma_start3A_123 = arith.constant 0 : i32
      %dma_start3A_124 = arith.constant 0 : i32
      %dma_start3A_125 = tpu.memref_slice %arg13[%dma_start3A_123, %dma_start3A_124] : memref<10240x64xbf16, #tpu.memory_space<vmem_shared>> -> memref<10240x64xbf16, #tpu.memory_space<vmem_shared>>
      tpu.enqueue_indirect_dma source(%arg11 : memref<512x64xbf16, #tpu.memory_space<vmem>>) target(%dma_start3A_125 : memref<10240x64xbf16, #tpu.memory_space<vmem_shared>>) offsets(%dma_start3A_122 : memref<512xi32, #tpu.memory_space<vmem>>) semaphore(%arg20 : memref<!tpu.dma_semaphore, #tpu.memory_space<semaphore_mem>>) {add = true}
      %multiple_of3A_126 = arith.constant 0 : i32
      %multiple_of3A_127 = tpu.assume_multiple %multiple_of3A_126, 512 : i32
      %dma_wait3A_128 = tpu.memref_slice %arg8[%multiple_of3A_127] : memref<10240xi32, #tpu.memory_space<vmem>> -> memref<512xi32, #tpu.memory_space<vmem>>
      %dma_wait3A_129 = arith.constant 0 : i32
      %dma_wait3A_130 = arith.constant 0 : i32
      %dma_wait3A_131 = tpu.memref_slice %arg13[%dma_wait3A_129, %dma_wait3A_130] : memref<10240x64xbf16, #tpu.memory_space<vmem_shared>> -> memref<10240x64xbf16, #tpu.memory_space<vmem_shared>>
      tpu.wait_indirect_dma semaphore(%arg18 : memref<!tpu.dma_semaphore, #tpu.memory_space<semaphore_mem>>) src(%arg9 : memref<512x64xbf16, #tpu.memory_space<vmem>>) dst(%dma_wait3A_131 : memref<10240x64xbf16, #tpu.memory_space<vmem_shared>>)
      %add3A_132 = arith.constant 2 : i32
      %add3A_133 = arith.addi %add3A_112, %add3A_132 : i32
      %min3A_134 = arith.constant 19 : i32
      %min3A_135 = arith.minsi %add3A_133, %min3A_134 : i32
      %mul3A_136 = arith.constant 512 : i32
      %mul3A_137 = arith.muli %min3A_135, %mul3A_136 : i32
      %multiple_of3A_138 = tpu.assume_multiple %mul3A_137, 512 : i32
      %dma_start3A_139 = tpu.memref_slice %arg7[%multiple_of3A_138] : memref<10240xi32, #tpu.memory_space<vmem>> -> memref<512xi32, #tpu.memory_space<vmem>>
      %dma_start3A_140 = arith.constant 0 : i32
      %dma_start3A_141 = arith.constant 0 : i32
      %dma_start3A_142 = tpu.memref_slice %arg4[%dma_start3A_140, %dma_start3A_141] : memref<10000x64xbf16, #tpu.memory_space<hbm>> -> memref<10000x64xbf16, #tpu.memory_space<hbm>>
      tpu.enqueue_indirect_dma source(%dma_start3A_142 : memref<10000x64xbf16, #tpu.memory_space<hbm>>) target(%arg9 : memref<512x64xbf16, #tpu.memory_space<vmem>>) offsets(%dma_start3A_139 : memref<512xi32, #tpu.memory_space<vmem>>) semaphore(%arg14 : memref<!tpu.dma_semaphore, #tpu.memory_space<semaphore_mem>>)
      %add3A_143 = arith.constant 3 : i32
      %add3A_144 = arith.addi %mul3A_52, %add3A_143 : i32
      %multiple_of3A_145 = arith.constant 0 : i32
      %multiple_of3A_146 = tpu.assume_multiple %multiple_of3A_145, 512 : i32
      %dma_wait3A_147 = tpu.memref_slice %arg7[%multiple_of3A_146] : memref<10240xi32, #tpu.memory_space<vmem>> -> memref<512xi32, #tpu.memory_space<vmem>>
      %dma_wait3A_148 = arith.constant 0 : i32
      %dma_wait3A_149 = arith.constant 0 : i32
      %dma_wait3A_150 = tpu.memref_slice %arg4[%dma_wait3A_148, %dma_wait3A_149] : memref<10000x64xbf16, #tpu.memory_space<hbm>> -> memref<10000x64xbf16, #tpu.memory_space<hbm>>
      tpu.wait_indirect_dma semaphore(%arg17 : memref<!tpu.dma_semaphore, #tpu.memory_space<semaphore_mem>>) src(%dma_wait3A_150 : memref<10000x64xbf16, #tpu.memory_space<hbm>>) dst(%arg12 : memref<512x64xbf16, #tpu.memory_space<vmem>>)
      %mul3A_151 = arith.constant 512 : i32
      %mul3A_152 = arith.muli %add3A_144, %mul3A_151 : i32
      %multiple_of3A_153 = tpu.assume_multiple %mul3A_152, 512 : i32
      %dma_start3A_154 = tpu.memref_slice %arg8[%multiple_of3A_153] : memref<10240xi32, #tpu.memory_space<vmem>> -> memref<512xi32, #tpu.memory_space<vmem>>
      %dma_start3A_155 = arith.constant 0 : i32
      %dma_start3A_156 = arith.constant 0 : i32
      %dma_start3A_157 = tpu.memref_slice %arg13[%dma_start3A_155, %dma_start3A_156] : memref<10240x64xbf16, #tpu.memory_space<vmem_shared>> -> memref<10240x64xbf16, #tpu.memory_space<vmem_shared>>
      tpu.enqueue_indirect_dma source(%arg12 : memref<512x64xbf16, #tpu.memory_space<vmem>>) target(%dma_start3A_157 : memref<10240x64xbf16, #tpu.memory_space<vmem_shared>>) offsets(%dma_start3A_154 : memref<512xi32, #tpu.memory_space<vmem>>) semaphore(%arg21 : memref<!tpu.dma_semaphore, #tpu.memory_space<semaphore_mem>>) {add = true}
      %multiple_of3A_158 = arith.constant 0 : i32
      %multiple_of3A_159 = tpu.assume_multiple %multiple_of3A_158, 512 : i32
      %dma_wait3A_160 = tpu.memref_slice %arg8[%multiple_of3A_159] : memref<10240xi32, #tpu.memory_space<vmem>> -> memref<512xi32, #tpu.memory_space<vmem>>
      %dma_wait3A_161 = arith.constant 0 : i32
      %dma_wait3A_162 = arith.constant 0 : i32
      %dma_wait3A_163 = tpu.memref_slice %arg13[%dma_wait3A_161, %dma_wait3A_162] : memref<10240x64xbf16, #tpu.memory_space<vmem_shared>> -> memref<10240x64xbf16, #tpu.memory_space<vmem_shared>>
      tpu.wait_indirect_dma semaphore(%arg19 : memref<!tpu.dma_semaphore, #tpu.memory_space<semaphore_mem>>) src(%arg10 : memref<512x64xbf16, #tpu.memory_space<vmem>>) dst(%dma_wait3A_163 : memref<10240x64xbf16, #tpu.memory_space<vmem_shared>>)
      %add3A_164 = arith.constant 2 : i32
      %add3A_165 = arith.addi %add3A_144, %add3A_164 : i32
      %min3A_166 = arith.constant 19 : i32
      %min3A_167 = arith.minsi %add3A_165, %min3A_166 : i32
      %mul3A_168 = arith.constant 512 : i32
      %mul3A_169 = arith.muli %min3A_167, %mul3A_168 : i32
      %multiple_of3A_170 = tpu.assume_multiple %mul3A_169, 512 : i32
      %dma_start3A_171 = tpu.memref_slice %arg7[%multiple_of3A_170] : memref<10240xi32, #tpu.memory_space<vmem>> -> memref<512xi32, #tpu.memory_space<vmem>>
      %dma_start3A_172 = arith.constant 0 : i32
      %dma_start3A_173 = arith.constant 0 : i32
      %dma_start3A_174 = tpu.memref_slice %arg4[%dma_start3A_172, %dma_start3A_173] : memref<10000x64xbf16, #tpu.memory_space<hbm>> -> memref<10000x64xbf16, #tpu.memory_space<hbm>>
      tpu.enqueue_indirect_dma source(%dma_start3A_174 : memref<10000x64xbf16, #tpu.memory_space<hbm>>) target(%arg10 : memref<512x64xbf16, #tpu.memory_space<vmem>>) offsets(%dma_start3A_171 : memref<512xi32, #tpu.memory_space<vmem>>) semaphore(%arg15 : memref<!tpu.dma_semaphore, #tpu.memory_space<semaphore_mem>>)
    }
    %scan3A_21 = arith.constant 5 : i32
    %multiple_of3A_22 = arith.constant 0 : i32
    %multiple_of3A_23 = tpu.assume_multiple %multiple_of3A_22, 512 : i32
    %dma_wait3A = tpu.memref_slice %arg8[%multiple_of3A_23] : memref<10240xi32, #tpu.memory_space<vmem>> -> memref<512xi32, #tpu.memory_space<vmem>>
    %dma_wait3A_24 = arith.constant 0 : i32
    %dma_wait3A_25 = arith.constant 0 : i32
    %dma_wait3A_26 = tpu.memref_slice %arg13[%dma_wait3A_24, %dma_wait3A_25] : memref<10240x64xbf16, #tpu.memory_space<vmem_shared>> -> memref<10240x64xbf16, #tpu.memory_space<vmem_shared>>
    tpu.wait_indirect_dma semaphore(%arg20 : memref<!tpu.dma_semaphore, #tpu.memory_space<semaphore_mem>>) src(%arg11 : memref<512x64xbf16, #tpu.memory_space<vmem>>) dst(%dma_wait3A_26 : memref<10240x64xbf16, #tpu.memory_space<vmem_shared>>)
    %multiple_of3A_27 = arith.constant 0 : i32
    %multiple_of3A_28 = tpu.assume_multiple %multiple_of3A_27, 512 : i32
    %dma_wait3A_29 = tpu.memref_slice %arg8[%multiple_of3A_28] : memref<10240xi32, #tpu.memory_space<vmem>> -> memref<512xi32, #tpu.memory_space<vmem>>
    %dma_wait3A_30 = arith.constant 0 : i32
    %dma_wait3A_31 = arith.constant 0 : i32
    %dma_wait3A_32 = tpu.memref_slice %arg13[%dma_wait3A_30, %dma_wait3A_31] : memref<10240x64xbf16, #tpu.memory_space<vmem_shared>> -> memref<10240x64xbf16, #tpu.memory_space<vmem_shared>>
    tpu.wait_indirect_dma semaphore(%arg21 : memref<!tpu.dma_semaphore, #tpu.memory_space<semaphore_mem>>) src(%arg12 : memref<512x64xbf16, #tpu.memory_space<vmem>>) dst(%dma_wait3A_32 : memref<10240x64xbf16, #tpu.memory_space<vmem_shared>>)
    %multiple_of3A_33 = arith.constant 0 : i32
    %multiple_of3A_34 = tpu.assume_multiple %multiple_of3A_33, 512 : i32
    %dma_wait3A_35 = tpu.memref_slice %arg7[%multiple_of3A_34] : memref<10240xi32, #tpu.memory_space<vmem>> -> memref<512xi32, #tpu.memory_space<vmem>>
    %dma_wait3A_36 = arith.constant 0 : i32
    %dma_wait3A_37 = arith.constant 0 : i32
    %dma_wait3A_38 = tpu.memref_slice %arg4[%dma_wait3A_36, %dma_wait3A_37] : memref<10000x64xbf16, #tpu.memory_space<hbm>> -> memref<10000x64xbf16, #tpu.memory_space<hbm>>
    tpu.wait_indirect_dma semaphore(%arg14 : memref<!tpu.dma_semaphore, #tpu.memory_space<semaphore_mem>>) src(%dma_wait3A_38 : memref<10000x64xbf16, #tpu.memory_space<hbm>>) dst(%arg9 : memref<512x64xbf16, #tpu.memory_space<vmem>>)
    %multiple_of3A_39 = arith.constant 0 : i32
    %multiple_of3A_40 = tpu.assume_multiple %multiple_of3A_39, 512 : i32
    %dma_wait3A_41 = tpu.memref_slice %arg7[%multiple_of3A_40] : memref<10240xi32, #tpu.memory_space<vmem>> -> memref<512xi32, #tpu.memory_space<vmem>>
    %dma_wait3A_42 = arith.constant 0 : i32
    %dma_wait3A_43 = arith.constant 0 : i32
    %dma_wait3A_44 = tpu.memref_slice %arg4[%dma_wait3A_42, %dma_wait3A_43] : memref<10000x64xbf16, #tpu.memory_space<hbm>> -> memref<10000x64xbf16, #tpu.memory_space<hbm>>
    tpu.wait_indirect_dma semaphore(%arg15 : memref<!tpu.dma_semaphore, #tpu.memory_space<semaphore_mem>>) src(%dma_wait3A_44 : memref<10000x64xbf16, #tpu.memory_space<hbm>>) dst(%arg10 : memref<512x64xbf16, #tpu.memory_space<vmem>>)
    %barrier3A_45 = arith.constant 0 : index
    tpu.barrier barrier_id(%barrier3A_45)
    %mul3A_46 = arith.constant 640 : i32
    %mul3A_47 = arith.muli %arg1, %mul3A_46 : i32
    %mul3A_48 = arith.constant 640 : i32
    %mul3A_49 = arith.muli %arg1, %mul3A_48 : i32
    "tpu.region"() ({
      %run_scoped3A = tpu.sem_alloc : memref<!tpu.dma_semaphore, #tpu.memory_space<semaphore_mem>>
      %dma_start3A_50 = arith.constant 0 : i32
      %dma_start3A_51 = tpu.memref_slice %arg6[%arg0, %mul3A_49, %dma_start3A_50] : memref<2x10240x64xbf16, #tpu.memory_space<hbm>> -> memref<1x640x64xbf16, #tpu.memory_space<hbm>>
      %dma_start3A_52 = tpu.memref_squeeze %dma_start3A_51 : memref<1x640x64xbf16, #tpu.memory_space<hbm>> -> memref<640x64xbf16, #tpu.memory_space<hbm>>
      %dma_start3A_53 = arith.constant 0 : i32
      %dma_start3A_54 = tpu.memref_slice %arg13[%mul3A_47, %dma_start3A_53] : memref<10240x64xbf16, #tpu.memory_space<vmem_shared>> -> memref<640x64xbf16, #tpu.memory_space<vmem_shared>>
      tpu.enqueue_dma source(%dma_start3A_54 : memref<640x64xbf16, #tpu.memory_space<vmem_shared>>) target(%dma_start3A_52 : memref<640x64xbf16, #tpu.memory_space<hbm>>) target_semaphore(%run_scoped3A : memref<!tpu.dma_semaphore, #tpu.memory_space<semaphore_mem>>)
      %dma_wait3A_55 = arith.constant 0 : i32
      %dma_wait3A_56 = tpu.memref_slice %arg6[%arg0, %mul3A_49, %dma_wait3A_55] : memref<2x10240x64xbf16, #tpu.memory_space<hbm>> -> memref<1x640x64xbf16, #tpu.memory_space<hbm>>
      %dma_wait3A_57 = tpu.memref_squeeze %dma_wait3A_56 : memref<1x640x64xbf16, #tpu.memory_space<hbm>> -> memref<640x64xbf16, #tpu.memory_space<hbm>>
      %dma_wait3A_58 = arith.constant 0 : i32
      %dma_wait3A_59 = tpu.memref_slice %arg13[%mul3A_47, %dma_wait3A_58] : memref<10240x64xbf16, #tpu.memory_space<vmem_shared>> -> memref<640x64xbf16, #tpu.memory_space<vmem_shared>>
      tpu.wait_dma2 semaphore(%run_scoped3A : memref<!tpu.dma_semaphore, #tpu.memory_space<semaphore_mem>>) src(%dma_wait3A_59 : memref<640x64xbf16, #tpu.memory_space<vmem_shared>>) dst(%dma_wait3A_57 : memref<640x64xbf16, #tpu.memory_space<hbm>>)
      tpu.yield
    }) : () -> ()
    return
  }
}

module attributes {stable_mosaic.version = 14 : i64} {
  func.func @_prep_body(%arg0: i32, %arg1: memref<2x2000x8xf32, #tpu.memory_space<vmem>>, %arg2: memref<2000x128xf32, #tpu.memory_space<vmem>>, %arg3: memref<2x2000x64xbf16, #tpu.memory_space<vmem>>, %arg4: memref<2000x1xf32, #tpu.memory_space<vmem>>) attributes {dimension_semantics = [#tpu.dimension_semantics<arbitrary>], iteration_bounds = array<i64: 5>, scalar_prefetch = 0 : i64, scratch_operands = 0 : i64, tpu.core_type = #tpu.core_type<tc>, window_params = [{transform_indices = @transform_0, window_bounds = array<i64: 2, 2000, 8>}, {transform_indices = @transform_1, window_bounds = array<i64: 2000, 128>}, {transform_indices = @transform_2, window_bounds = array<i64: 2, 2000, 64>}, {transform_indices = @transform_3, window_bounds = array<i64: 2000, 1>}]} {
    %get3A = arith.constant 0 : index
    %get3A_0 = arith.constant 0 : index
    %get3A_1 = arith.constant 0 : index
    %get3A_2 = vector.load %arg1[%get3A, %get3A_0, %get3A_1] : memref<2x2000x8xf32, #tpu.memory_space<vmem>>, vector<1x2000x1xf32>
    %get3A_3 = vector.shape_cast %get3A_2 : vector<1x2000x1xf32> to vector<2000x1xf32>
    %get3A_4 = arith.constant 1 : index
    %get3A_5 = arith.constant 0 : index
    %get3A_6 = arith.constant 0 : index
    %get3A_7 = vector.load %arg1[%get3A_4, %get3A_5, %get3A_6] : memref<2x2000x8xf32, #tpu.memory_space<vmem>>, vector<1x2000x1xf32>
    %get3A_8 = vector.shape_cast %get3A_7 : vector<1x2000x1xf32> to vector<2000x1xf32>
    %add3A = arith.addf %get3A_3, %get3A_8 : vector<2000x1xf32>
    %add3A_9 = arith.constant 1.000000e+00 : f32
    %add3A_10 = vector.broadcast %add3A_9 : f32 to vector<2000x1xf32>
    %add3A_11 = arith.addf %add3A, %add3A_10 : vector<2000x1xf32>
    %rsqrt3A = math.rsqrt %add3A_11 : vector<2000x1xf32>
    %get3A_12 = arith.constant 0 : index
    %get3A_13 = arith.constant 0 : index
    %get3A_14 = vector.load %arg2[%get3A_12, %get3A_13] : memref<2000x128xf32, #tpu.memory_space<vmem>>, vector<2000x128xf32>
    %mul3A = vector.broadcast %rsqrt3A : vector<2000x1xf32> to vector<2000x128xf32>
    %mul3A_15 = arith.mulf %get3A_14, %mul3A : vector<2000x128xf32>
    %convert_element_type3A = arith.truncf %mul3A_15 : vector<2000x128xf32> to vector<2000x128xbf16>
    %slice3A = vector.extract_strided_slice %convert_element_type3A {offsets = [0, 0], sizes = [2000, 64], strides = [1, 1]} : vector<2000x128xbf16> to vector<2000x64xbf16>
    %swap3A = arith.constant 0 : index
    %swap3A_16 = arith.constant 0 : index
    %swap3A_17 = arith.constant 0 : index
    %swap3A_18 = vector.load %arg3[%swap3A, %swap3A_16, %swap3A_17] : memref<2x2000x64xbf16, #tpu.memory_space<vmem>>, vector<1x2000x64xbf16>
    %swap3A_19 = vector.shape_cast %swap3A_18 : vector<1x2000x64xbf16> to vector<2000x64xbf16>
    %swap3A_20 = vector.shape_cast %slice3A : vector<2000x64xbf16> to vector<1x2000x64xbf16>
    tpu.vector_store %arg3[%swap3A, %swap3A_16, %swap3A_17], %swap3A_20 {strides = array<i32>} : memref<2x2000x64xbf16, #tpu.memory_space<vmem>>, vector<1x2000x64xbf16>,
    %slice3A_21 = vector.extract_strided_slice %convert_element_type3A {offsets = [0, 64], sizes = [2000, 64], strides = [1, 1]} : vector<2000x128xbf16> to vector<2000x64xbf16>
    %swap3A_22 = arith.constant 1 : index
    %swap3A_23 = arith.constant 0 : index
    %swap3A_24 = arith.constant 0 : index
    %swap3A_25 = vector.load %arg3[%swap3A_22, %swap3A_23, %swap3A_24] : memref<2x2000x64xbf16, #tpu.memory_space<vmem>>, vector<1x2000x64xbf16>
    %swap3A_26 = vector.shape_cast %swap3A_25 : vector<1x2000x64xbf16> to vector<2000x64xbf16>
    %swap3A_27 = vector.shape_cast %slice3A_21 : vector<2000x64xbf16> to vector<1x2000x64xbf16>
    tpu.vector_store %arg3[%swap3A_22, %swap3A_23, %swap3A_24], %swap3A_27 {strides = array<i32>} : memref<2x2000x64xbf16, #tpu.memory_space<vmem>>, vector<1x2000x64xbf16>,
    %swap3A_28 = arith.constant 0 : index
    %swap3A_29 = arith.constant 0 : index
    %swap3A_30 = vector.load %arg4[%swap3A_28, %swap3A_29] : memref<2000x1xf32, #tpu.memory_space<vmem>>, vector<2000x1xf32>
    tpu.vector_store %arg4[%swap3A_28, %swap3A_29], %rsqrt3A {strides = array<i32>} : memref<2000x1xf32, #tpu.memory_space<vmem>>, vector<2000x1xf32>,
    return
  }
  func.func @transform_0(%arg0: i32) -> (i32, i32, i32) {
    %c0_i32 = arith.constant 0 : i32
    %c0_i32_0 = arith.constant 0 : i32
    %c0_i32_1 = arith.constant 0 : i32
    return %c0_i32, %arg0, %c0_i32_0 : i32, i32, i32
  }
  func.func @transform_1(%arg0: i32) -> (i32, i32) {
    %c0_i32 = arith.constant 0 : i32
    %c0_i32_0 = arith.constant 0 : i32
    return %arg0, %c0_i32 : i32, i32
  }
  func.func @transform_2(%arg0: i32) -> (i32, i32, i32) {
    %c0_i32 = arith.constant 0 : i32
    %c0_i32_0 = arith.constant 0 : i32
    %c0_i32_1 = arith.constant 0 : i32
    return %c0_i32, %arg0, %c0_i32_0 : i32, i32, i32
  }
  func.func @transform_3(%arg0: i32) -> (i32, i32) {
    %c0_i32 = arith.constant 0 : i32
    %c0_i32_0 = arith.constant 0 : i32
    return %arg0, %c0_i32 : i32, i32
  }
}

module attributes {stable_mosaic.version = 14 : i64} {
  func.func @_dense_body(%arg0: i32, %arg1: memref<2x2000x64xbf16, #tpu.memory_space<vmem>>, %arg2: memref<2x2000x64xbf16, #tpu.memory_space<vmem>>, %arg3: memref<2000x1xf32, #tpu.memory_space<vmem>>, %arg4: memref<128x256xbf16, #tpu.memory_space<vmem>>, %arg5: memref<1x256xf32, #tpu.memory_space<vmem>>, %arg6: memref<256x64xbf16, #tpu.memory_space<vmem>>, %arg7: memref<2000x64xbf16, #tpu.memory_space<vmem>>) attributes {dimension_semantics = [#tpu.dimension_semantics<arbitrary>], iteration_bounds = array<i64: 5>, scalar_prefetch = 0 : i64, scratch_operands = 0 : i64, tpu.core_type = #tpu.core_type<tc>, window_params = [{transform_indices = @transform_0, window_bounds = array<i64: 2, 2000, 64>}, {transform_indices = @transform_1, window_bounds = array<i64: 2, 2000, 64>}, {transform_indices = @transform_2, window_bounds = array<i64: 2000, 1>}, {pipeline_mode = #tpu.pipeline_mode<synchronous>, transform_indices = @transform_3, window_bounds = array<i64: 128, 256>}, {pipeline_mode = #tpu.pipeline_mode<synchronous>, transform_indices = @transform_4, window_bounds = array<i64: 1, 256>}, {pipeline_mode = #tpu.pipeline_mode<synchronous>, transform_indices = @transform_5, window_bounds = array<i64: 256, 64>}, {transform_indices = @transform_6, window_bounds = array<i64: 2000, 64>}]} {
    %get3A = arith.constant 0 : index
    %get3A_0 = arith.constant 0 : index
    %get3A_1 = arith.constant 0 : index
    %get3A_2 = vector.load %arg1[%get3A, %get3A_0, %get3A_1] : memref<2x2000x64xbf16, #tpu.memory_space<vmem>>, vector<1x2000x64xbf16>
    %get3A_3 = vector.shape_cast %get3A_2 : vector<1x2000x64xbf16> to vector<2000x64xbf16>
    %get3A_4 = arith.constant 1 : index
    %get3A_5 = arith.constant 0 : index
    %get3A_6 = arith.constant 0 : index
    %get3A_7 = vector.load %arg1[%get3A_4, %get3A_5, %get3A_6] : memref<2x2000x64xbf16, #tpu.memory_space<vmem>>, vector<1x2000x64xbf16>
    %get3A_8 = vector.shape_cast %get3A_7 : vector<1x2000x64xbf16> to vector<2000x64xbf16>
    %concatenate3A = tpu.concatenate %get3A_3, %get3A_8 in 1 : vector<2000x64xbf16>, vector<2000x64xbf16> -> vector<2000x128xbf16>
    %convert_element_type3A = arith.extf %concatenate3A : vector<2000x128xbf16> to vector<2000x128xf32>
    %get3A_9 = arith.constant 0 : index
    %get3A_10 = arith.constant 0 : index
    %get3A_11 = arith.constant 0 : index
    %get3A_12 = vector.load %arg2[%get3A_9, %get3A_10, %get3A_11] : memref<2x2000x64xbf16, #tpu.memory_space<vmem>>, vector<1x2000x64xbf16>
    %get3A_13 = vector.shape_cast %get3A_12 : vector<1x2000x64xbf16> to vector<2000x64xbf16>
    %get3A_14 = arith.constant 1 : index
    %get3A_15 = arith.constant 0 : index
    %get3A_16 = arith.constant 0 : index
    %get3A_17 = vector.load %arg2[%get3A_14, %get3A_15, %get3A_16] : memref<2x2000x64xbf16, #tpu.memory_space<vmem>>, vector<1x2000x64xbf16>
    %get3A_18 = vector.shape_cast %get3A_17 : vector<1x2000x64xbf16> to vector<2000x64xbf16>
    %concatenate3A_19 = tpu.concatenate %get3A_13, %get3A_18 in 1 : vector<2000x64xbf16>, vector<2000x64xbf16> -> vector<2000x128xbf16>
    %convert_element_type3A_20 = arith.extf %concatenate3A_19 : vector<2000x128xbf16> to vector<2000x128xf32>
    %add3A = arith.addf %convert_element_type3A, %convert_element_type3A_20 : vector<2000x128xf32>
    %get3A_21 = arith.constant 0 : index
    %get3A_22 = arith.constant 0 : index
    %get3A_23 = vector.load %arg3[%get3A_21, %get3A_22] : memref<2000x1xf32, #tpu.memory_space<vmem>>, vector<2000x1xf32>
    %mul3A = vector.broadcast %get3A_23 : vector<2000x1xf32> to vector<2000x128xf32>
    %mul3A_24 = arith.mulf %add3A, %mul3A : vector<2000x128xf32>
    %convert_element_type3A_25 = arith.truncf %mul3A_24 : vector<2000x128xf32> to vector<2000x128xbf16>
    %get3A_26 = arith.constant 0 : index
    %get3A_27 = arith.constant 0 : index
    %get3A_28 = vector.load %arg4[%get3A_26, %get3A_27] : memref<128x256xbf16, #tpu.memory_space<vmem>>, vector<128x256xbf16>
    %dot_general3A = arith.constant dense<0.000000e+00> : vector<2000x256xf32>
    %dot_general3A_29 = tpu.matmul %convert_element_type3A_25, %get3A_28, %dot_general3A {dimension_numbers = #tpu.dot_dimension_numbers<[1], [0], [0], [1], [0, 0, 1, 1], [], []>, transpose_lhs_hint = false} : vector<2000x128xbf16>, vector<128x256xbf16>, vector<2000x256xf32> -> vector<2000x256xf32>
    %get3A_30 = arith.constant 0 : index
    %get3A_31 = arith.constant 0 : index
    %get3A_32 = vector.load %arg5[%get3A_30, %get3A_31] : memref<1x256xf32, #tpu.memory_space<vmem>>, vector<1x256xf32>
    %add3A_33 = vector.broadcast %get3A_32 : vector<1x256xf32> to vector<2000x256xf32>
    %add3A_34 = arith.addf %dot_general3A_29, %add3A_33 : vector<2000x256xf32>
    %max3A = arith.constant 0.000000e+00 : f32
    %max3A_35 = vector.broadcast %max3A : f32 to vector<2000x256xf32>
    %max3A_36 = arith.maximumf %add3A_34, %max3A_35 : vector<2000x256xf32>
    %convert_element_type3A_37 = arith.truncf %max3A_36 : vector<2000x256xf32> to vector<2000x256xbf16>
    %get3A_38 = arith.constant 0 : index
    %get3A_39 = arith.constant 0 : index
    %get3A_40 = vector.load %arg6[%get3A_38, %get3A_39] : memref<256x64xbf16, #tpu.memory_space<vmem>>, vector<256x64xbf16>
    %dot_general3A_41 = arith.constant dense<0.000000e+00> : vector<2000x64xf32>
    %dot_general3A_42 = tpu.matmul %convert_element_type3A_37, %get3A_40, %dot_general3A_41 {dimension_numbers = #tpu.dot_dimension_numbers<[1], [0], [0], [1], [0, 0, 1, 1], [], []>, transpose_lhs_hint = false} : vector<2000x256xbf16>, vector<256x64xbf16>, vector<2000x64xf32> -> vector<2000x64xf32>
    %get3A_43 = arith.constant 0 : index
    %get3A_44 = arith.constant 0 : index
    %get3A_45 = vector.load %arg3[%get3A_43, %get3A_44] : memref<2000x1xf32, #tpu.memory_space<vmem>>, vector<2000x1xf32>
    %mul3A_46 = vector.broadcast %get3A_45 : vector<2000x1xf32> to vector<2000x64xf32>
    %mul3A_47 = arith.mulf %dot_general3A_42, %mul3A_46 : vector<2000x64xf32>
    %convert_element_type3A_48 = arith.truncf %mul3A_47 : vector<2000x64xf32> to vector<2000x64xbf16>
    %swap3A = arith.constant 0 : index
    %swap3A_49 = arith.constant 0 : index
    %swap3A_50 = vector.load %arg7[%swap3A, %swap3A_49] : memref<2000x64xbf16, #tpu.memory_space<vmem>>, vector<2000x64xbf16>
    tpu.vector_store %arg7[%swap3A, %swap3A_49], %convert_element_type3A_48 {strides = array<i32>} : memref<2000x64xbf16, #tpu.memory_space<vmem>>, vector<2000x64xbf16>,
    return
  }
  func.func @transform_0(%arg0: i32) -> (i32, i32, i32) {
    %c0_i32 = arith.constant 0 : i32
    %c0_i32_0 = arith.constant 0 : i32
    %c0_i32_1 = arith.constant 0 : i32
    return %c0_i32, %arg0, %c0_i32_0 : i32, i32, i32
  }
  func.func @transform_1(%arg0: i32) -> (i32, i32, i32) {
    %c0_i32 = arith.constant 0 : i32
    %c0_i32_0 = arith.constant 0 : i32
    %c0_i32_1 = arith.constant 0 : i32
    return %c0_i32, %arg0, %c0_i32_0 : i32, i32, i32
  }
  func.func @transform_2(%arg0: i32) -> (i32, i32) {
    %c0_i32 = arith.constant 0 : i32
    %c0_i32_0 = arith.constant 0 : i32
    return %arg0, %c0_i32 : i32, i32
  }
  func.func @transform_3(%arg0: i32) -> (i32, i32) {
    %c0_i32 = arith.constant 0 : i32
    %c0_i32_0 = arith.constant 0 : i32
    %c0_i32_1 = arith.constant 0 : i32
    return %c0_i32, %c0_i32_0 : i32, i32
  }
  func.func @transform_4(%arg0: i32) -> (i32, i32) {
    %c0_i32 = arith.constant 0 : i32
    %c0_i32_0 = arith.constant 0 : i32
    %c0_i32_1 = arith.constant 0 : i32
    return %c0_i32, %c0_i32_0 : i32, i32
  }
  func.func @transform_5(%arg0: i32) -> (i32, i32) {
    %c0_i32 = arith.constant 0 : i32
    %c0_i32_0 = arith.constant 0 : i32
    %c0_i32_1 = arith.constant 0 : i32
    return %c0_i32, %c0_i32_0 : i32, i32
  }
  func.func @transform_6(%arg0: i32) -> (i32, i32) {
    %c0_i32 = arith.constant 0 : i32
    %c0_i32_0 = arith.constant 0 : i32
    return %arg0, %c0_i32 : i32, i32
  }
}

module attributes {stable_mosaic.version = 14 : i64} {
  func.func @_final_body(%arg0: i32, %arg1: memref<2x2000x64xbf16, #tpu.memory_space<vmem>>, %arg2: memref<2000x64xbf16, #tpu.memory_space<vmem>>, %arg3: memref<2000x1xf32, #tpu.memory_space<vmem>>, %arg4: memref<1x64xf32, #tpu.memory_space<vmem>>, %arg5: memref<2000x64xf32, #tpu.memory_space<vmem>>) attributes {dimension_semantics = [#tpu.dimension_semantics<arbitrary>], iteration_bounds = array<i64: 5>, scalar_prefetch = 0 : i64, scratch_operands = 0 : i64, tpu.core_type = #tpu.core_type<tc>, window_params = [{transform_indices = @transform_0, window_bounds = array<i64: 2, 2000, 64>}, {transform_indices = @transform_1, window_bounds = array<i64: 2000, 64>}, {transform_indices = @transform_2, window_bounds = array<i64: 2000, 1>}, {pipeline_mode = #tpu.pipeline_mode<synchronous>, transform_indices = @transform_3, window_bounds = array<i64: 1, 64>}, {transform_indices = @transform_4, window_bounds = array<i64: 2000, 64>}]} {
    %get3A = arith.constant 0 : index
    %get3A_0 = arith.constant 0 : index
    %get3A_1 = arith.constant 0 : index
    %get3A_2 = vector.load %arg1[%get3A, %get3A_0, %get3A_1] : memref<2x2000x64xbf16, #tpu.memory_space<vmem>>, vector<1x2000x64xbf16>
    %get3A_3 = vector.shape_cast %get3A_2 : vector<1x2000x64xbf16> to vector<2000x64xbf16>
    %convert_element_type3A = arith.extf %get3A_3 : vector<2000x64xbf16> to vector<2000x64xf32>
    %get3A_4 = arith.constant 1 : index
    %get3A_5 = arith.constant 0 : index
    %get3A_6 = arith.constant 0 : index
    %get3A_7 = vector.load %arg1[%get3A_4, %get3A_5, %get3A_6] : memref<2x2000x64xbf16, #tpu.memory_space<vmem>>, vector<1x2000x64xbf16>
    %get3A_8 = vector.shape_cast %get3A_7 : vector<1x2000x64xbf16> to vector<2000x64xbf16>
    %convert_element_type3A_9 = arith.extf %get3A_8 : vector<2000x64xbf16> to vector<2000x64xf32>
    %add3A = arith.addf %convert_element_type3A, %convert_element_type3A_9 : vector<2000x64xf32>
    %get3A_10 = arith.constant 0 : index
    %get3A_11 = arith.constant 0 : index
    %get3A_12 = vector.load %arg2[%get3A_10, %get3A_11] : memref<2000x64xbf16, #tpu.memory_space<vmem>>, vector<2000x64xbf16>
    %convert_element_type3A_13 = arith.extf %get3A_12 : vector<2000x64xbf16> to vector<2000x64xf32>
    %add3A_14 = arith.addf %add3A, %convert_element_type3A_13 : vector<2000x64xf32>
    %get3A_15 = arith.constant 0 : index
    %get3A_16 = arith.constant 0 : index
    %get3A_17 = vector.load %arg3[%get3A_15, %get3A_16] : memref<2000x1xf32, #tpu.memory_space<vmem>>, vector<2000x1xf32>
    %mul3A = vector.broadcast %get3A_17 : vector<2000x1xf32> to vector<2000x64xf32>
    %mul3A_18 = arith.mulf %add3A_14, %mul3A : vector<2000x64xf32>
    %get3A_19 = arith.constant 0 : index
    %get3A_20 = arith.constant 0 : index
    %get3A_21 = vector.load %arg4[%get3A_19, %get3A_20] : memref<1x64xf32, #tpu.memory_space<vmem>>, vector<1x64xf32>
    %add3A_22 = vector.broadcast %get3A_21 : vector<1x64xf32> to vector<2000x64xf32>
    %add3A_23 = arith.addf %mul3A_18, %add3A_22 : vector<2000x64xf32>
    %swap3A = arith.constant 0 : index
    %swap3A_24 = arith.constant 0 : index
    %swap3A_25 = vector.load %arg5[%swap3A, %swap3A_24] : memref<2000x64xf32, #tpu.memory_space<vmem>>, vector<2000x64xf32>
    tpu.vector_store %arg5[%swap3A, %swap3A_24], %add3A_23 {strides = array<i32>} : memref<2000x64xf32, #tpu.memory_space<vmem>>, vector<2000x64xf32>,
    return
  }
  func.func @transform_0(%arg0: i32) -> (i32, i32, i32) {
    %c0_i32 = arith.constant 0 : i32
    %c0_i32_0 = arith.constant 0 : i32
    %c0_i32_1 = arith.constant 0 : i32
    return %c0_i32, %arg0, %c0_i32_0 : i32, i32, i32
  }
  func.func @transform_1(%arg0: i32) -> (i32, i32) {
    %c0_i32 = arith.constant 0 : i32
    %c0_i32_0 = arith.constant 0 : i32
    return %arg0, %c0_i32 : i32, i32
  }
  func.func @transform_2(%arg0: i32) -> (i32, i32) {
    %c0_i32 = arith.constant 0 : i32
    %c0_i32_0 = arith.constant 0 : i32
    return %arg0, %c0_i32 : i32, i32
  }
  func.func @transform_3(%arg0: i32) -> (i32, i32) {
    %c0_i32 = arith.constant 0 : i32
    %c0_i32_0 = arith.constant 0 : i32
    %c0_i32_1 = arith.constant 0 : i32
    return %c0_i32, %c0_i32_0 : i32, i32
  }
  func.func @transform_4(%arg0: i32) -> (i32, i32) {
    %c0_i32 = arith.constant 0 : i32
    %c0_i32_0 = arith.constant 0 : i32
    return %arg0, %c0_i32 : i32, i32
  }
}

</mosaic_0001>

<sc_bundles>
// kernel: _run.11.cloned.1.call-start
scs
__scs_entry_jumppad:
0x0: {  	(pc) =	sbr.rel $0x88, $3  }
0x1: {  	(tag) =	ssettag $0x0;
	lr =	simm.s32 $0x1  }
0x2: {  	[smem:$0x3F9B] =	sst lr;
	_ =	strace $0xD0000000  }
0x3: {  	_ = 	snop  }
0x4: {  	_ = 	snop  }
0x5: {  	_ = 	snop  }
0x6: {  	_ = 	snop  }
0x7: {  	_ = 	snop  }
__scs_overlays_trampoline_lowered:
0x8: {  	[smem:$0x3FAA] =	sst s0  }
0x9: {  	[smem:$0x3FAB] =	sst s1  }
0xa: {  	[smem:$0x3FAC] =	sst s2  }
0xb: {  	[smem:$0x3FAD] =	sst s3  }
0xc: {  	[smem:$0x3FAE] =	sst s4  }
0xd: {  	[smem:$0x3FAF] =	sst s5  }
0xe: {  	[smem:$0x3FB0] =	sst s6  }
0xf: {  	[smem:$0x3FB1] =	sst s7  }
0x10: {  	[smem:$0x3FB2] =	sst s8  }
0x11: {  	[smem:$0x3FB3] =	sst s9;
	s0 =	simm.s32 @!p0 $0x0  }
0x12: {  	s1 =	sld [smem:$0x3F99];
	s0 =	simm.s32 @p0 $0x1  }
0x13: {  	[smem:$0x3FB4] =	sst s0;
	s0 =	simm.s32 @!p1 $0x0  }
0x14: {  	s2 =	sld [smem:$0x3F98];
	s0 =	simm.s32 @p1 $0x1  }
0x15: {  	[smem:$0x3FB5] =	sst s0;
	s0 =	simm.s32 @!p2 $0x0  }
0x16: {  	s3 =	sld [smem:$0x3FDB];
	s0 =	simm.s32 @p2 $0x1  }
0x17: {  	s4 =	simm.s32 $0x1BF5;
	[smem:$0x3FB7] =	sst s0  }
0x18: {  	s0 =	sld [smem:$0x3F9A];
	_ =	swait.ge [sflag:s4], $0x0  }
0x19: {  	s7 =	sld [smem:$0x3F9B]  }
0x1a: {  	s8 =	sadd.s32 $0xFFFFE003, lr  }
0x1b: {  	s9 =	sadd.s32 $0xFFFFFEF7, lr;
	s5 =	simm.s32 $0xFFFFFFFF;
	p2 =	slt.u32 s8, $0xFFFFF086  }
0x1c: {  	p1 =	slt.u32 s9, $0xF7A;
	s5 =	simm.s32 @!p2 $0x0  }
0x1d: {  	s5 =	simm.s32 @p1 $0x1;
	p0 =	seq.s32 s7, s2  }
0x1e: {  	s7 =	smul.u32 @!p0 $0xF7A, s2;
	p2 =	seq.s32 @!p0 s5, $0x0  }
0x1f: {  	s9 =	smul.u32 $0xF7A, s1;
	s8 =	simm.s32 @!p0 $0x1BF5;
	p2 =	por !p2, p0  }
0x20: {  	[sflag:s8] =	ssyncset.s32 @!p0 $0xFFFFF086;
	s6 =	sadd.s32 @!p0 s3, s7;
	s7 =	simm.s32 @!p0 $0x108  }
0x21: {  	s3 =	sadd.s32 s3, s9;
	s6 =	sadd.s32 @!p0 $0x88, s6;
	s7 =	simm.s32 @p2 $0x1082  }
0x22: {  	[simem:s7], [sflag:s8] =	dma.local @!p0 [hbm:s6], $0xF7A  }
0x23: {  	s9 =	sor.u32 $0xD0000000, s2;
	s6 =	simm.s32 $0x108;
	_ =	swait.ge @!p0 [sflag:s8], $0x0  }
0x24: {  	s3 =	sadd.s32 $0x88, s3;
	s6 =	simm.s32 @!p1 $0x1082;
	[sflag:s4] =	ssyncset.s32 $0xFFFFF086  }
0x25: {  	[simem:s6], [sflag:s4] =	dma.local [hbm:s3], $0xF7A  }
0x26: {  	[smem:$0x3F9B] =	sst s1;
	(tag) =	ssettag s2;
	_ =	strace s9  }
0x27: {  	s1 =	sld [smem:$0x3FAB]  }
0x28: {  	s2 =	sld [smem:$0x3FAC]  }
0x29: {  	s4 =	sld [smem:$0x3FAE]  }
0x2a: {  	p0 =	seq.s32 s5, $0x0;
	s5 =	sld [smem:$0x3FAF]  }
0x2b: {  	s6 =	sld [smem:$0x3FB0]  }
0x2c: {  	s7 =	sld [smem:$0x3FB1]  }
0x2d: {  	s3 =	simm.s32 $0x108;
	s8 =	sld [smem:$0x3FB2]  }
0x2e: {  	s3 =	simm.s32 @!p0 $0x1082;
	s9 =	sld [smem:$0x3FB3]  }
0x2f: {  	lr =	sadd.s32 s0, s3;
	s0 =	sld [smem:$0x3FAA]  }
0x30: {  	s3 =	sld [smem:$0x3FAD]  }
0x31: {  	[smem:$0x3FB6] =	sst s10  }
0x32: {  	s10 =	sld [smem:$0x3FB4];
	_ =	sdelay $0x3  }
0x33: {  	p0 =	seq.s32 s10, $0x1;
	s10 =	sld [smem:$0x3FB6];
	_ =	sdelay $0x3  }
0x34: {  	[smem:$0x3FB6] =	sst s10  }
0x35: {  	s10 =	sld [smem:$0x3FB5];
	_ =	sdelay $0x3  }
0x36: {  	p1 =	seq.s32 s10, $0x1;
	s10 =	sld [smem:$0x3FB6];
	_ =	sdelay $0x3  }
0x37: {  	[smem:$0x3FB6] =	sst s10  }
0x38: {  	s10 =	sld [smem:$0x3FB7]  }
0x39: {  	_ = 	snop;
	(pc) =	sbr.ind lr, $3  }
0x3a: {  	_ = 	snop  }
0x3b: {  	_ = 	snop  }
0x3c: {  	p2 =	seq.s32 s10, $0x1;
	s10 =	sld [smem:$0x3FB6]  }
0x3d: {  	_ =	shalt  }
0x3e: {  	_ =	shalt  }
0x3f: {  	_ =	shalt  }
0x40: {  	_ =	shalt  }
0x41: {  	_ =	shalt  }
0x42: {  	_ =	shalt  }
0x43: {  	_ =	shalt  }
0x44: {  	_ =	shalt  }
0x45: {  	_ =	shalt  }
0x46: {  	_ =	shalt  }
0x47: {  	_ =	shalt  }
0x48: {  	_ =	shalt  }
0x49: {  	_ =	shalt  }
0x4a: {  	_ =	shalt  }
0x4b: {  	_ =	shalt  }
0x4c: {  	_ =	shalt  }
0x4d: {  	_ =	shalt  }
0x4e: {  	_ =	shalt  }
0x4f: {  	_ =	shalt  }
0x50: {  	_ =	shalt  }
0x51: {  	_ =	shalt  }
0x52: {  	_ =	shalt  }
0x53: {  	_ =	shalt  }
0x54: {  	_ =	shalt  }
0x55: {  	_ =	shalt  }
0x56: {  	_ =	shalt  }
0x57: {  	_ =	shalt  }
0x58: {  	_ =	shalt  }
0x59: {  	_ =	shalt  }
0x5a: {  	_ =	shalt  }
0x5b: {  	_ =	shalt  }
0x5c: {  	_ =	shalt  }
0x5d: {  	_ =	shalt  }
0x5e: {  	_ =	shalt  }
0x5f: {  	_ =	shalt  }
0x60: {  	_ =	shalt  }
0x61: {  	_ =	shalt  }
0x62: {  	_ =	shalt  }
0x63: {  	_ =	shalt  }
0x64: {  	_ =	shalt  }
0x65: {  	_ =	shalt  }
0x66: {  	_ =	shalt  }
0x67: {  	_ =	shalt  }
0x68: {  	_ =	shalt  }
0x69: {  	_ =	shalt  }
0x6a: {  	_ =	shalt  }
0x6b: {  	_ =	shalt  }
0x6c: {  	_ =	shalt  }
0x6d: {  	_ =	shalt  }
0x6e: {  	_ =	shalt  }
0x6f: {  	_ =	shalt  }
0x70: {  	_ =	shalt  }
0x71: {  	_ =	shalt  }
0x72: {  	_ =	shalt  }
0x73: {  	_ =	shalt  }
0x74: {  	_ =	shalt  }
0x75: {  	_ =	shalt  }
0x76: {  	_ =	shalt  }
0x77: {  	_ =	shalt  }
0x78: {  	_ =	shalt  }
0x79: {  	_ =	shalt  }
0x7a: {  	_ =	shalt  }
0x7b: {  	_ =	shalt  }
0x7c: {  	_ =	shalt  }
0x7d: {  	_ =	shalt  }
0x7e: {  	_ =	shalt  }
0x7f: {  	_ =	shalt  }
0x80: {  	_ =	shalt  }
0x81: {  	_ =	shalt  }
0x82: {  	_ =	shalt  }
0x83: {  	_ =	shalt  }
0x84: {  	_ =	shalt  }
0x85: {  	_ =	shalt  }
0x86: {  	_ =	shalt  }
0x87: {  	_ =	shalt  }
.Lfunc_end0:
.L_simem_size_0:
called_computation.1_lowered:
.L_overlay_start_0:
0x88: {  	s2 =	sld [smem:$0x3FD9]  }
0x89: {  	s3 =	sld [smem:$0x3FFE];
	_ =	sdelay $0x1  }
0x8a: {  	s1 =	srdreg.scid  }
0x8b: {  	s0 =	sand.u32 $0x1, s1  }
0x8c: {  	s17 =	sshll.u32 s0, $0xA;
	s2 =	sadd.s32 s3, s2  }
0x8d: {  	s2 =	sadd.s32 s2, s17  }
0x8e: {  	[smem:$0x3FC2] =	sst s2  }
0x8f: {  	_ = 	snop  }
0x90: {  	s2 =	sld [smem:$0x3FD0];
	(tm) =	ssettm $0x1  }
0x91: {  	s18 =	sld [smem:$0x3FFB];
	_ =	sdelay $0x3  }
0x92: {  	_ =	strace s18  }
0x93: {  	s3 =	sld [smem:$0x3FFC];
	_ =	sdelay $0x3  }
0x94: {  	_ =	strace s3  }
0x95: {  	s3 =	sld [smem:$0x3FFD];
	_ =	sdelay $0x3  }
0x96: {  	_ =	strace s3  }
0x97: {  	_ =	strace $0x8FFFFFFF  }
0x98: {  	s19 =	sld [smem:$0x3FDB];
	_ =	sdelay $0x1  }
0x99: {  	s4 =	simm.s32 $_scs_section_size  }
0x9a: {  	s5 =	simm.s32 $_size__tile_overlayer_lowered;
	s6 =	simm.s32 $_tile_overlayer_lowered  }
0x9b: {  	s22 =	simm.s32 $0x1BFF;
	s21 =	sshll.u32 s6, $0x1;
	s3 =	sadd.s32 s4, s19  }
0x9c: {  	s7 =	simm.s32 $0x0;
	s20 =	sshll.u32 s5, $0x1;
	s5 =	sadd.s32 s21, s3  }
0x9d: {  	[timem:s7], [sflag:s22] =	dma.local [hbm:s5], s20  }
0x9e: {  	_ =	swait.ge [sflag:s22], s20  }
0x9f: {  	s4 =	ssub.s32 $0x0, s20;
	[sflag:s22] =	ssyncset.done $0x0  }
0xa0: {  	[sflag:s22] =	ssyncadd.s32 s4;
	_ =	sdelay $0x1  }
0xa1: {  	s23 =	simm.s32 $0x1B8B  }
0xa2: {  	_ =	swait.ge [sflag:s23], $0x1  }
0xa3: {  	[sflag:s23] =	ssyncset.done $0x0  }
0xa4: {  	s25 =	simm.s32 $0x1B8E;
	s24 =	sld [smem:$0x3FFE];
	[sflag:s23] =	ssyncadd.s32 $0xFFFFFFFF  }
0xa5: {  	s26 =	simm.s32 $execute0_lowered;
	[smem:$0x3FD2] =	sst s25  }
0xa6: {  	s5 =	sshll.u32 s26, $0x1;
	_ =	strace $0x80000049;
	[dreg:$0x1] =	wrdreg $0xFFFFFFFF  }
0xa7: {  	s28 =	simm.s32 $_size_execute0_lowered;
	s3 =	sadd.s32 s3, s5;
	[dreg:$0x0] =	wrdreg $0x0  }
0xa8: {  	s5 =	sshll.u32 s28, $0x1;
	[dreg:$0x2] =	wrdreg s3  }
0xa9: {  	[dreg:$0x3] =	wrdreg s5  }
0xaa: {  	[dreg:$0x4] =	wrdreg $0xC0  }
0xab: {  	_ =	task [dreg:s7], $0x5FFFF  }
0xac: {  	[dreg:$0x1] =	wrdreg $0xFFFFFFFF  }
0xad: {  	[dreg:$0x0] =	wrdreg $0x60  }
0xae: {  	[dreg:$0x2] =	wrdreg s24  }
0xaf: {  	[dreg:$0x3] =	wrdreg s2  }
0xb0: {  	[dreg:$0x4] =	wrdreg $0x1A0000  }
0xb1: {  	[dreg:$0x5] =	wrdreg $0x9  }
0xb2: {  	_ =	task.clear_ibuf [dreg:s7], $0x6FFFF;
	_ =	strace $0x90000049  }
0xb3: {  	s29 =	simm.s32 $0x9;
	_ =	strace $0x8000004B  }
0xb4: {  	_ =	swait.ge [sflag:s29], $0x1  }
0xb5: {  	[sflag:s29] =	ssyncadd.s32 $0xFFFFFFFF  }
0xb6: {  	_ =	strace $0x9000004B  }
0xb7: {  	_ =	sfence  }
0xb8: {  	s30 =	sld [smem:$0x0];
	_ =	sdelay $0x2  }
0xb9: {  	s31 =	sshll.u32 s1, $0xD;
	s1 =	sshrl.u32 s1, $0x2  }
0xba: {  	s3 =	sand.u32 $0x4000, s31;
	s1 =	sadd.s32 s1, s30  }
0xbb: {  	s0 =	sor.u32 s3, s0;
	s1 =	sshll.u32 s1, $0x11  }
0xbc: {  	s0 =	sor.u32 s1, s0  }
0xbd: {  	s0 =	sadd.s32 $0x8F2B, s0  }
0xbe: {  	[sflag:s0] =	ssyncadd.remote.s32 $0x1  }
0xbf: {  	_ =	sfence.sel $0xFFFF  }
0xc0: {  	[dreg:$0x0] =	wrdreg $0xFFFFFFFF;
	(pc) =	sbr.abs _section_cstart, $3  }
0xc1: {  	[dreg:$0x1] =	wrdreg $0xFFFFFFFF  }
0xc2: {  	_ =	task.clear_ibuf [dreg:s7], $0x2FFFF;
	_ =	strace $0x9FFFFFFF  }
0xc3: {  	(tm) =	ssettm $0x7FFFFFFF  }
tec
execute0_lowered:
.L_overlay_start_1:
0x0: {  	(tag) =	ssettag $0x1  }
0x1: {  	s0 =	rddreg [dreg:$0x0]  }
0x2: {  	s1 =	rddreg [dreg:$0x1]  }
0x3: {  	s2 =	rddreg [dreg:$0x2];
	s12 =	stileid.u32  }
0x4: {  	s5 =	srdreg.scid;
	s3 =	simm.s32 $0x0;
	s13 =	simm.s32 $0x5000  }
0x5: {  	s14 =	simm.s32 $0x200;
	s15 =	simm.s32 $0xA000;
	s16 =	simm.s32 $0xE000  }
0x6: {  	s17 =	simm.s32 $0x1;
	s19 =	simm.s32 $0x12000;
	s20 =	simm.s32 $0x2  }
0x7: {  	s23 =	simm.s32 $0x16000;
	s24 =	simm.s32 $0x3;
	s29 =	simm.s32 $0x4  }
0x8: {  	s31 =	simm.s32 $0x6;
	s18 =	simm.s32 $0x8;
	s28 =	simm.s32 $0x4E00  }
0x9: {  	s21 =	simm.s32 $0x0;
	s4 =	smul.u32 $0xA00, s12;
	s5 =	sand.u32 $0x1, s5  }
0xa: {  	s6 =	smul.u32 $0xA000, s12;
	[smem:$0x7FF] =	sst s3;
	s26 =	sshll.u32 s12, $0x6  }
0xb: {  	s12 =	simm.s32 $0x9;
	s7 =	smul.u32 $0xA0000, s5;
	_ =	strace $0x8000004A  }
0xc: {  	s9 =	ssub.s32 $0x2, s5;
	s30 =	smul.u32 $0x9C40, s5;
	s5 =	sor.u32 $0x1C09, s26  }
0xd: {  	s26 =	simm.s32 $0x5;
	s8 =	sadd.s32 s4, s0;
	s4 =	sadd.s32 $0x1C200, s0  }
0xe: {  	s10 =	sshrl.u32 s9, $0x1;
	s7 =	sadd.s32 s6, s7;
	s6 =	sshrl.u32 s6, $0x1  }
0xf: {  	s10 =	ssub.s32 s9, s10;
	s7 =	sshrl.u32 s7, $0x4;
	s11 =	sadd.s32 s6, s2  }
0x10: {  	s6 =	sadd.s32 $0x8200, s8;
	s10 =	smax.u32 s10, $0x1;
	s0 =	sadd.s32 s7, s0  }
0x11: {  	s7 =	sadd.s32 $0x12200, s8;
	s8 =	sadd.s32 s1, s30;
	s11 =	sshrl.u32 s11, $0x3  }
0x12: {  	s1 =	simm.s32 $0x7;
	s9 =	sadd.s32 $0x1CC00, s0;
	s0 =	simm.s32 $0x9E00  }
.LBB2_1:
0x13: {  	[spmem:s11], [sflag:s5] =	dma.local [hbm:s4], $0xA00  }
0x14: {  	_ =	swait.ge [sflag:s12], $0xA00  }
0x15: {  	[sflag:s12] =	ssyncset.done $0x0  }
0x16: {  	[sflag:s12] =	ssyncadd.s32 $0xFFFFF600  }
0x17: {  	[bflag:$0x0] =	sbarrier.arrive $0xFFFF  }
0x18: {  	[tilespmem:s3], [sflag:$0x9] =	stream.linear.gather [hbm4b:s6+s3], $0x5000, $0x38;
	[tilespmem:$0x1F000] =	vst v63  }
0x19: {  	_ =	swait.ge [sflag:s12], $0x5000  }
0x1a: {  	[sflag:s12] =	ssyncset.done $0x0  }
0x1b: {  	[sflag:s12] =	ssyncadd.s32 $0xFFFFB000  }
0x1c: {  	[tilespmem:s13], [sflag:$0x9] =	stream.linear.gather [hbm4b:s7+s3], $0x5000, $0x38;
	[tilespmem:$0x1F000] =	vst v63  }
0x1d: {  	_ =	swait.ge [sflag:s12], $0x5000  }
0x1e: {  	[sflag:s12] =	ssyncset.done $0x0  }
0x1f: {  	[sflag:s12] =	ssyncadd.s32 $0xFFFFB000  }
0x20: {  	[tilespmem:s15], [sflag:$0x1] =	stream.indirect.gather [hbm4b:s8+s14], $0x20, s3, s14, $0xb8;
	[tilespmem:$0x1F000] =	vst v63  }
0x21: {  	_ = 	snop  }
0x22: {  	[tilespmem:s16], [sflag:$0x2] =	stream.indirect.gather [hbm4b:s8+s14], $0x20, s14, s14, $0xb8;
	[tilespmem:$0x1F000] =	vst v63  }
0x23: {  	_ =	swait.ge [sflag:s17], $0x4000  }
0x24: {  	[sflag:s17] =	ssyncset.done $0x0  }
0x25: {  	[sflag:s17] =	ssyncadd.s32 $0xFFFFC000  }
0x26: {  	[spmem:s2] =	stream.indirect.scatter.add.bf16 [tilespmem:s15], [sflag:$0x5], $0x20, s13, s14, $0xb8;
	[tilespmem:$0x1F000] =	vst v63  }
0x27: {  	s22 =	simm.s32 $0x400  }
0x28: {  	[tilespmem:s19], [sflag:$0x3] =	stream.indirect.gather [hbm4b:s8+s14], $0x20, s22, s14, $0xb8;
	[tilespmem:$0x1F000] =	vst v63  }
0x29: {  	_ =	swait.ge [sflag:s20], $0x4000  }
0x2a: {  	[sflag:s20] =	ssyncset.done $0x0  }
0x2b: {  	s30 =	simm.s32 $0x5200;
	[sflag:s20] =	ssyncadd.s32 $0xFFFFC000  }
0x2c: {  	[spmem:s2] =	stream.indirect.scatter.add.bf16 [tilespmem:s16], [sflag:$0x6], $0x20, s30, s14, $0xb8;
	[tilespmem:$0x1F000] =	vst v63  }
0x2d: {  	s25 =	simm.s32 $0x600  }
0x2e: {  	[tilespmem:s23], [sflag:$0x4] =	stream.indirect.gather [hbm4b:s8+s14], $0x20, s25, s14, $0xb8;
	[tilespmem:$0x1F000] =	vst v63  }
0x2f: {  	_ =	swait.ge [sflag:s24], $0x4000  }
0x30: {  	[sflag:s24] =	ssyncset.done $0x0  }
0x31: {  	s30 =	simm.s32 $0x5400;
	[sflag:s24] =	ssyncadd.s32 $0xFFFFC000  }
0x32: {  	[spmem:s2] =	stream.indirect.scatter.add.bf16 [tilespmem:s19], [sflag:$0x7], $0x20, s30, s14, $0xb8;
	[tilespmem:$0x1F000] =	vst v63  }
0x33: {  	_ =	swait.ge [sflag:s26], $0x4000  }
0x34: {  	[sflag:s26] =	ssyncset.done $0x0  }
0x35: {  	s25 =	simm.s32 $0x800;
	[sflag:s26] =	ssyncadd.s32 $0xFFFFC000  }
0x36: {  	[tilespmem:s15], [sflag:$0x1] =	stream.indirect.gather [hbm4b:s8+s14], $0x20, s25, s14, $0xb8;
	[tilespmem:$0x1F000] =	vst v63  }
0x37: {  	_ =	swait.ge [sflag:s29], $0x4000  }
0x38: {  	[sflag:s29] =	ssyncset.done $0x0  }
0x39: {  	s30 =	simm.s32 $0x5600;
	[sflag:s29] =	ssyncadd.s32 $0xFFFFC000  }
0x3a: {  	[spmem:s2] =	stream.indirect.scatter.add.bf16 [tilespmem:s23], [sflag:$0x8], $0x20, s30, s14, $0xb8;
	[tilespmem:$0x1F000] =	vst v63  }
0x3b: {  	_ =	swait.ge [sflag:s31], $0x4000  }
0x3c: {  	[sflag:s31] =	ssyncset.done $0x0  }
0x3d: {  	s25 =	simm.s32 $0xA00;
	[sflag:s31] =	ssyncadd.s32 $0xFFFFC000  }
0x3e: {  	[tilespmem:s16], [sflag:$0x2] =	stream.indirect.gather [hbm4b:s8+s14], $0x20, s25, s14, $0xb8;
	[tilespmem:$0x1F000] =	vst v63  }
0x3f: {  	_ =	swait.ge [sflag:s17], $0x4000  }
0x40: {  	[sflag:s17] =	ssyncset.done $0x0  }
0x41: {  	s30 =	simm.s32 $0x5800;
	[sflag:s17] =	ssyncadd.s32 $0xFFFFC000  }
0x42: {  	[spmem:s2] =	stream.indirect.scatter.add.bf16 [tilespmem:s15], [sflag:$0x5], $0x20, s30, s14, $0xb8;
	[tilespmem:$0x1F000] =	vst v63  }
0x43: {  	_ =	swait.ge [sflag:s1], $0x4000  }
0x44: {  	[sflag:s1] =	ssyncset.done $0x0  }
0x45: {  	s25 =	simm.s32 $0xC00;
	[sflag:s1] =	ssyncadd.s32 $0xFFFFC000  }
0x46: {  	[tilespmem:s19], [sflag:$0x3] =	stream.indirect.gather [hbm4b:s8+s14], $0x20, s25, s14, $0xb8;
	[tilespmem:$0x1F000] =	vst v63  }
0x47: {  	_ =	swait.ge [sflag:s20], $0x4000  }
0x48: {  	[sflag:s20] =	ssyncset.done $0x0  }
0x49: {  	s30 =	simm.s32 $0x5A00;
	[sflag:s20] =	ssyncadd.s32 $0xFFFFC000  }
0x4a: {  	[spmem:s2] =	stream.indirect.scatter.add.bf16 [tilespmem:s16], [sflag:$0x6], $0x20, s30, s14, $0xb8;
	[tilespmem:$0x1F000] =	vst v63  }
0x4b: {  	_ =	swait.ge [sflag:s18], $0x4000  }
0x4c: {  	[sflag:s18] =	ssyncset.done $0x0  }
0x4d: {  	s25 =	simm.s32 $0xE00;
	[sflag:s18] =	ssyncadd.s32 $0xFFFFC000  }
0x4e: {  	[tilespmem:s23], [sflag:$0x4] =	stream.indirect.gather [hbm4b:s8+s14], $0x20, s25, s14, $0xb8;
	[tilespmem:$0x1F000] =	vst v63  }
0x4f: {  	_ =	swait.ge [sflag:s24], $0x4000  }
0x50: {  	[sflag:s24] =	ssyncset.done $0x0  }
0x51: {  	s30 =	simm.s32 $0x5C00;
	[sflag:s24] =	ssyncadd.s32 $0xFFFFC000  }
0x52: {  	[spmem:s2] =	stream.indirect.scatter.add.bf16 [tilespmem:s19], [sflag:$0x7], $0x20, s30, s14, $0xb8;
	[tilespmem:$0x1F000] =	vst v63  }
0x53: {  	_ =	swait.ge [sflag:s26], $0x4000  }
0x54: {  	[sflag:s26] =	ssyncset.done $0x0  }
0x55: {  	s25 =	simm.s32 $0x1000;
	[sflag:s26] =	ssyncadd.s32 $0xFFFFC000  }
0x56: {  	[tilespmem:s15], [sflag:$0x1] =	stream.indirect.gather [hbm4b:s8+s14], $0x20, s25, s14, $0xb8;
	[tilespmem:$0x1F000] =	vst v63  }
0x57: {  	_ =	swait.ge [sflag:s29], $0x4000  }
0x58: {  	[sflag:s29] =	ssyncset.done $0x0  }
0x59: {  	s30 =	simm.s32 $0x5E00;
	[sflag:s29] =	ssyncadd.s32 $0xFFFFC000  }
0x5a: {  	[spmem:s2] =	stream.indirect.scatter.add.bf16 [tilespmem:s23], [sflag:$0x8], $0x20, s30, s14, $0xb8;
	[tilespmem:$0x1F000] =	vst v63  }
0x5b: {  	_ =	swait.ge [sflag:s31], $0x4000  }
0x5c: {  	[sflag:s31] =	ssyncset.done $0x0  }
0x5d: {  	s22 =	simm.s32 $0x2000;
	s25 =	simm.s32 $0x1200;
	[sflag:s31] =	ssyncadd.s32 $0xFFFFC000  }
.LBB2_2:
0x5e: {  	[tilespmem:s16], [sflag:$0x2] =	stream.indirect.gather [hbm4b:s8+s14], $0x20, s25, s14, $0xb8;
	[tilespmem:$0x1F000] =	vst v63  }
0x5f: {  	s25 =	smov.u32 s22  }
0x60: {  	p0 =	sne.s32 s22, $0xE000;
	s22 =	sadd.s32 $0x2000, s22;
	_ =	swait.ge [sflag:s17], $0x4000  }
0x61: {  	s25 =	sshra.s32 s25, $0x2;
	[sflag:s17] =	ssyncset.done $0x0  }
0x62: {  	s30 =	sadd.s32 $0x5800, s25;
	[sflag:s17] =	ssyncadd.s32 $0xFFFFC000  }
0x63: {  	[spmem:s2] =	stream.indirect.scatter.add.bf16 [tilespmem:s15], [sflag:$0x5], $0x20, s30, s14, $0xb8;
	[tilespmem:$0x1F000] =	vst v63  }
0x64: {  	_ =	swait.ge [sflag:s1], $0x4000  }
0x65: {  	[sflag:s1] =	ssyncset.done $0x0  }
0x66: {  	s30 =	sadd.s32 $0xC00, s25;
	[sflag:s1] =	ssyncadd.s32 $0xFFFFC000  }
0x67: {  	[tilespmem:s19], [sflag:$0x3] =	stream.indirect.gather [hbm4b:s8+s14], $0x20, s30, s14, $0xb8;
	[tilespmem:$0x1F000] =	vst v63  }
0x68: {  	_ =	swait.ge [sflag:s20], $0x4000  }
0x69: {  	[sflag:s20] =	ssyncset.done $0x0  }
0x6a: {  	s30 =	sadd.s32 $0x5A00, s25;
	[sflag:s20] =	ssyncadd.s32 $0xFFFFC000  }
0x6b: {  	[spmem:s2] =	stream.indirect.scatter.add.bf16 [tilespmem:s16], [sflag:$0x6], $0x20, s30, s14, $0xb8;
	[tilespmem:$0x1F000] =	vst v63  }
0x6c: {  	_ =	swait.ge [sflag:s18], $0x4000  }
0x6d: {  	[sflag:s18] =	ssyncset.done $0x0  }
0x6e: {  	s30 =	sadd.s32 $0xE00, s25;
	[sflag:s18] =	ssyncadd.s32 $0xFFFFC000  }
0x6f: {  	[tilespmem:s23], [sflag:$0x4] =	stream.indirect.gather [hbm4b:s8+s14], $0x20, s30, s14, $0xb8;
	[tilespmem:$0x1F000] =	vst v63  }
0x70: {  	_ =	swait.ge [sflag:s24], $0x4000  }
0x71: {  	[sflag:s24] =	ssyncset.done $0x0  }
0x72: {  	s30 =	sadd.s32 $0x5C00, s25;
	[sflag:s24] =	ssyncadd.s32 $0xFFFFC000  }
0x73: {  	[spmem:s2] =	stream.indirect.scatter.add.bf16 [tilespmem:s19], [sflag:$0x7], $0x20, s30, s14, $0xb8;
	[tilespmem:$0x1F000] =	vst v63  }
0x74: {  	_ =	swait.ge [sflag:s26], $0x4000  }
0x75: {  	[sflag:s26] =	ssyncset.done $0x0  }
0x76: {  	s30 =	sadd.s32 $0x1000, s25;
	[sflag:s26] =	ssyncadd.s32 $0xFFFFC000  }
0x77: {  	[tilespmem:s15], [sflag:$0x1] =	stream.indirect.gather [hbm4b:s8+s14], $0x20, s30, s14, $0xb8;
	[tilespmem:$0x1F000] =	vst v63  }
0x78: {  	_ =	swait.ge [sflag:s29], $0x4000  }
0x79: {  	[sflag:s29] =	ssyncset.done $0x0  }
.Ltmp0:
0x7a: {  	s30 =	sadd.s32 $0x5E00, s25;
	[sflag:s29] =	ssyncadd.s32 $0xFFFFC000;
	(pc) =	sbr.rel @p0 .LBB2_2-.Ltmp0, $4  }
0x7b: {  	[spmem:s2] =	stream.indirect.scatter.add.bf16 [tilespmem:s23], [sflag:$0x8], $0x20, s30, s14, $0xb8;
	[tilespmem:$0x1F000] =	vst v63  }
0x7c: {  	_ =	swait.ge [sflag:s31], $0x4000  }
0x7d: {  	[sflag:s31] =	ssyncset.done $0x0  }
0x7e: {  	s25 =	sadd.s32 $0x1200, s25;
	[sflag:s31] =	ssyncadd.s32 $0xFFFFC000  }
0x7f: {  	[tilespmem:s16], [sflag:$0x2] =	stream.indirect.gather [hbm4b:s8+s14], $0x20, s25, s14, $0xb8;
	[tilespmem:$0x1F000] =	vst v63  }
0x80: {  	_ =	swait.ge [sflag:s17], $0x4000  }
0x81: {  	[sflag:s17] =	ssyncset.done $0x0  }
0x82: {  	s22 =	simm.s32 $0x9800;
	[sflag:s17] =	ssyncadd.s32 $0xFFFFC000  }
0x83: {  	[spmem:s2] =	stream.indirect.scatter.add.bf16 [tilespmem:s15], [sflag:$0x5], $0x20, s22, s14, $0xb8;
	[tilespmem:$0x1F000] =	vst v63  }
0x84: {  	_ =	swait.ge [sflag:s1], $0x4000  }
0x85: {  	[sflag:s1] =	ssyncset.done $0x0  }
0x86: {  	s30 =	simm.s32 $0x4C00;
	[sflag:s1] =	ssyncadd.s32 $0xFFFFC000  }
0x87: {  	[tilespmem:s19], [sflag:$0x3] =	stream.indirect.gather [hbm4b:s8+s14], $0x20, s30, s14, $0xb8;
	[tilespmem:$0x1F000] =	vst v63  }
0x88: {  	_ =	swait.ge [sflag:s20], $0x4000  }
0x89: {  	[sflag:s20] =	ssyncset.done $0x0  }
0x8a: {  	s25 =	simm.s32 $0x9A00;
	[sflag:s20] =	ssyncadd.s32 $0xFFFFC000  }
0x8b: {  	[spmem:s2] =	stream.indirect.scatter.add.bf16 [tilespmem:s16], [sflag:$0x6], $0x20, s25, s14, $0xb8;
	[tilespmem:$0x1F000] =	vst v63  }
0x8c: {  	_ =	swait.ge [sflag:s18], $0x4000  }
0x8d: {  	[sflag:s18] =	ssyncset.done $0x0  }
0x8e: {  	[sflag:s18] =	ssyncadd.s32 $0xFFFFC000  }
0x8f: {  	[tilespmem:s23], [sflag:$0x4] =	stream.indirect.gather [hbm4b:s8+s14], $0x20, s28, s14, $0xb8;
	[tilespmem:$0x1F000] =	vst v63  }
0x90: {  	_ =	swait.ge [sflag:s24], $0x4000  }
0x91: {  	[sflag:s24] =	ssyncset.done $0x0  }
0x92: {  	s30 =	simm.s32 $0x9C00;
	[sflag:s24] =	ssyncadd.s32 $0xFFFFC000  }
0x93: {  	[spmem:s2] =	stream.indirect.scatter.add.bf16 [tilespmem:s19], [sflag:$0x7], $0x20, s30, s14, $0xb8;
	[tilespmem:$0x1F000] =	vst v63  }
0x94: {  	_ =	swait.ge [sflag:s26], $0x4000  }
0x95: {  	[sflag:s26] =	ssyncset.done $0x0  }
0x96: {  	[sflag:s26] =	ssyncadd.s32 $0xFFFFC000  }
0x97: {  	[tilespmem:s15], [sflag:$0x1] =	stream.indirect.gather [hbm4b:s8+s14], $0x20, s28, s14, $0xb8;
	[tilespmem:$0x1F000] =	vst v63  }
0x98: {  	_ =	swait.ge [sflag:s29], $0x4000  }
0x99: {  	[sflag:s29] =	ssyncset.done $0x0  }
0x9a: {  	[sflag:s29] =	ssyncadd.s32 $0xFFFFC000  }
0x9b: {  	[spmem:s2] =	stream.indirect.scatter.add.bf16 [tilespmem:s23], [sflag:$0x8], $0x20, s0, s14, $0xb8;
	[tilespmem:$0x1F000] =	vst v63  }
0x9c: {  	_ =	swait.ge [sflag:s31], $0x4000  }
0x9d: {  	[sflag:s31] =	ssyncset.done $0x0  }
0x9e: {  	[sflag:s31] =	ssyncadd.s32 $0xFFFFC000  }
0x9f: {  	[tilespmem:s16], [sflag:$0x2] =	stream.indirect.gather [hbm4b:s8+s14], $0x20, s28, s14, $0xb8;
	[tilespmem:$0x1F000] =	vst v63  }
0xa0: {  	_ =	swait.ge [sflag:s1], $0x4000  }
0xa1: {  	[sflag:s1] =	ssyncset.done $0x0  }
0xa2: {  	[sflag:s1] =	ssyncadd.s32 $0xFFFFC000  }
0xa3: {  	_ =	swait.ge [sflag:s18], $0x4000  }
0xa4: {  	[sflag:s18] =	ssyncset.done $0x0  }
0xa5: {  	[sflag:s18] =	ssyncadd.s32 $0xFFFFC000  }
0xa6: {  	_ =	swait.ge [sflag:s17], $0x4000  }
0xa7: {  	[sflag:s17] =	ssyncset.done $0x0  }
0xa8: {  	[sflag:s17] =	ssyncadd.s32 $0xFFFFC000  }
0xa9: {  	_ =	swait.ge [sflag:s20], $0x4000  }
0xaa: {  	s21 =	sadd.s32 $0x1, s21;
	[sflag:s20] =	ssyncset.done $0x0  }
0xab: {  	p0 =	sne.s32 s21, s10;
	[sflag:s20] =	ssyncadd.s32 $0xFFFFC000  }
.Ltmp1:
0xac: {  	[bflag:$0x0] =	sbarrier.arrive $0xFFFF;
	(pc) =	sbr.rel @p0 .LBB2_1-.Ltmp1, $4  }
0xad: {  	[hbm:s9], [sflag:s5] =	dma.local [spmem:s11], $0xA00  }
0xae: {  	_ =	swait.ge [sflag:s12], $0xA00  }
0xaf: {  	[sflag:s12] =	ssyncset.done $0x0  }
0xb0: {  	[sflag:s12] =	ssyncadd.s32 $0xFFFFF600  }
0xb1: {  	_ =	sfence.sel $0x180000  }
0xb2: {  	[bflag:$0x0] =	sbarrier.arrive $0xFFFF  }
0xb3: {  	_ =	strace $0x9000004A  }
0xb4: {  	s0 =	stileid.u32;
	[bflag:$0x2] =	sbarrier.arrive $0xFFFF  }
0xb5: {  	p0 =	sne.s32 s0, $0x0;
	s0 =	rddreg [dreg:$0x3]  }
0xb6: {  	s0 =	sadd.s32 @!p0 $0x100000, s0  }
0xb7: {  	[sflag:s0] =	ssyncadd.tile.s32 @!p0 $0x1;
	_ =	shalt  }
.Lfunc_end2:
_tile_overlayer_lowered:
.L_overlay_start_2:
0xb8: {  	(tag) =	ssettag $0x2  }
0xb9: {  	s0 =	rddreg [dreg:$0x0];
	s2 =	stileid.u32  }
0xba: {  	s1 =	rddreg [dreg:$0x1];
	p0 =	sne.s32 s2, $0x0  }
0xbb: {  	s3 =	rddreg [dreg:$0x2];
	[bflag:$0x3] =	sbarrier.arrive $0xFFFF;
	s2 =	simm.s32 @!p0 $0x1C09  }
0xbc: {  	[timem:s3], [sflag:s2] =	dma.local @!p0 [hbm:s0], s1  }
0xbd: {  	s0 =	simm.s32 @!p0 $0x9  }
0xbe: {  	_ =	swait.ge @!p0 [sflag:s0], s1  }
0xbf: {  	s1 =	ssub.s32 @!p0 $0x0, s1;
	[sflag:s0] =	ssyncset.done @!p0 $0x0  }
0xc0: {  	[sflag:s0] =	ssyncadd.s32 @!p0 s1  }
0xc1: {  	[bflag:$0x3] =	sbarrier.arrive $0xFFFF  }
0xc2: {  	_ =	shalt  }

// kernel: _run.14.cloned.1.call-start
scs
__scs_entry_jumppad:
0x0: {  	(pc) =	sbr.rel $0x88, $3  }
0x1: {  	(tag) =	ssettag $0x0;
	lr =	simm.s32 $0x1  }
0x2: {  	[smem:$0x3F9B] =	sst lr;
	_ =	strace $0xD0000000  }
0x3: {  	_ = 	snop  }
0x4: {  	_ = 	snop  }
0x5: {  	_ = 	snop  }
0x6: {  	_ = 	snop  }
0x7: {  	_ = 	snop  }
__scs_overlays_trampoline_lowered:
0x8: {  	[smem:$0x3FAA] =	sst s0  }
0x9: {  	[smem:$0x3FAB] =	sst s1  }
0xa: {  	[smem:$0x3FAC] =	sst s2  }
0xb: {  	[smem:$0x3FAD] =	sst s3  }
0xc: {  	[smem:$0x3FAE] =	sst s4  }
0xd: {  	[smem:$0x3FAF] =	sst s5  }
0xe: {  	[smem:$0x3FB0] =	sst s6  }
0xf: {  	[smem:$0x3FB1] =	sst s7  }
0x10: {  	[smem:$0x3FB2] =	sst s8  }
0x11: {  	[smem:$0x3FB3] =	sst s9;
	s0 =	simm.s32 @!p0 $0x0  }
0x12: {  	s1 =	sld [smem:$0x3F99];
	s0 =	simm.s32 @p0 $0x1  }
0x13: {  	[smem:$0x3FB4] =	sst s0;
	s0 =	simm.s32 @!p1 $0x0  }
0x14: {  	s2 =	sld [smem:$0x3F98];
	s0 =	simm.s32 @p1 $0x1  }
0x15: {  	[smem:$0x3FB5] =	sst s0;
	s0 =	simm.s32 @!p2 $0x0  }
0x16: {  	s3 =	sld [smem:$0x3FDB];
	s0 =	simm.s32 @p2 $0x1  }
0x17: {  	s4 =	simm.s32 $0x1BF5;
	[smem:$0x3FB7] =	sst s0  }
0x18: {  	s0 =	sld [smem:$0x3F9A];
	_ =	swait.ge [sflag:s4], $0x0  }
0x19: {  	s7 =	sld [smem:$0x3F9B]  }
0x1a: {  	s8 =	sadd.s32 $0xFFFFE003, lr  }
0x1b: {  	s9 =	sadd.s32 $0xFFFFFEF7, lr;
	s5 =	simm.s32 $0xFFFFFFFF;
	p2 =	slt.u32 s8, $0xFFFFF086  }
0x1c: {  	p1 =	slt.u32 s9, $0xF7A;
	s5 =	simm.s32 @!p2 $0x0  }
0x1d: {  	s5 =	simm.s32 @p1 $0x1;
	p0 =	seq.s32 s7, s2  }
0x1e: {  	s7 =	smul.u32 @!p0 $0xF7A, s2;
	p2 =	seq.s32 @!p0 s5, $0x0  }
0x1f: {  	s9 =	smul.u32 $0xF7A, s1;
	s8 =	simm.s32 @!p0 $0x1BF5;
	p2 =	por !p2, p0  }
0x20: {  	[sflag:s8] =	ssyncset.s32 @!p0 $0xFFFFF086;
	s6 =	sadd.s32 @!p0 s3, s7;
	s7 =	simm.s32 @!p0 $0x108  }
0x21: {  	s3 =	sadd.s32 s3, s9;
	s6 =	sadd.s32 @!p0 $0x88, s6;
	s7 =	simm.s32 @p2 $0x1082  }
0x22: {  	[simem:s7], [sflag:s8] =	dma.local @!p0 [hbm:s6], $0xF7A  }
0x23: {  	s9 =	sor.u32 $0xD0000000, s2;
	s6 =	simm.s32 $0x108;
	_ =	swait.ge @!p0 [sflag:s8], $0x0  }
0x24: {  	s3 =	sadd.s32 $0x88, s3;
	s6 =	simm.s32 @!p1 $0x1082;
	[sflag:s4] =	ssyncset.s32 $0xFFFFF086  }
0x25: {  	[simem:s6], [sflag:s4] =	dma.local [hbm:s3], $0xF7A  }
0x26: {  	[smem:$0x3F9B] =	sst s1;
	(tag) =	ssettag s2;
	_ =	strace s9  }
0x27: {  	s1 =	sld [smem:$0x3FAB]  }
0x28: {  	s2 =	sld [smem:$0x3FAC]  }
0x29: {  	s4 =	sld [smem:$0x3FAE]  }
0x2a: {  	p0 =	seq.s32 s5, $0x0;
	s5 =	sld [smem:$0x3FAF]  }
0x2b: {  	s6 =	sld [smem:$0x3FB0]  }
0x2c: {  	s7 =	sld [smem:$0x3FB1]  }
0x2d: {  	s3 =	simm.s32 $0x108;
	s8 =	sld [smem:$0x3FB2]  }
0x2e: {  	s3 =	simm.s32 @!p0 $0x1082;
	s9 =	sld [smem:$0x3FB3]  }
0x2f: {  	lr =	sadd.s32 s0, s3;
	s0 =	sld [smem:$0x3FAA]  }
0x30: {  	s3 =	sld [smem:$0x3FAD]  }
0x31: {  	[smem:$0x3FB6] =	sst s10  }
0x32: {  	s10 =	sld [smem:$0x3FB4];
	_ =	sdelay $0x3  }
0x33: {  	p0 =	seq.s32 s10, $0x1;
	s10 =	sld [smem:$0x3FB6];
	_ =	sdelay $0x3  }
0x34: {  	[smem:$0x3FB6] =	sst s10  }
0x35: {  	s10 =	sld [smem:$0x3FB5];
	_ =	sdelay $0x3  }
0x36: {  	p1 =	seq.s32 s10, $0x1;
	s10 =	sld [smem:$0x3FB6];
	_ =	sdelay $0x3  }
0x37: {  	[smem:$0x3FB6] =	sst s10  }
0x38: {  	s10 =	sld [smem:$0x3FB7]  }
0x39: {  	_ = 	snop;
	(pc) =	sbr.ind lr, $3  }
0x3a: {  	_ = 	snop  }
0x3b: {  	_ = 	snop  }
0x3c: {  	p2 =	seq.s32 s10, $0x1;
	s10 =	sld [smem:$0x3FB6]  }
0x3d: {  	_ =	shalt  }
0x3e: {  	_ =	shalt  }
0x3f: {  	_ =	shalt  }
0x40: {  	_ =	shalt  }
0x41: {  	_ =	shalt  }
0x42: {  	_ =	shalt  }
0x43: {  	_ =	shalt  }
0x44: {  	_ =	shalt  }
0x45: {  	_ =	shalt  }
0x46: {  	_ =	shalt  }
0x47: {  	_ =	shalt  }
0x48: {  	_ =	shalt  }
0x49: {  	_ =	shalt  }
0x4a: {  	_ =	shalt  }
0x4b: {  	_ =	shalt  }
0x4c: {  	_ =	shalt  }
0x4d: {  	_ =	shalt  }
0x4e: {  	_ =	shalt  }
0x4f: {  	_ =	shalt  }
0x50: {  	_ =	shalt  }
0x51: {  	_ =	shalt  }
0x52: {  	_ =	shalt  }
0x53: {  	_ =	shalt  }
0x54: {  	_ =	shalt  }
0x55: {  	_ =	shalt  }
0x56: {  	_ =	shalt  }
0x57: {  	_ =	shalt  }
0x58: {  	_ =	shalt  }
0x59: {  	_ =	shalt  }
0x5a: {  	_ =	shalt  }
0x5b: {  	_ =	shalt  }
0x5c: {  	_ =	shalt  }
0x5d: {  	_ =	shalt  }
0x5e: {  	_ =	shalt  }
0x5f: {  	_ =	shalt  }
0x60: {  	_ =	shalt  }
0x61: {  	_ =	shalt  }
0x62: {  	_ =	shalt  }
0x63: {  	_ =	shalt  }
0x64: {  	_ =	shalt  }
0x65: {  	_ =	shalt  }
0x66: {  	_ =	shalt  }
0x67: {  	_ =	shalt  }
0x68: {  	_ =	shalt  }
0x69: {  	_ =	shalt  }
0x6a: {  	_ =	shalt  }
0x6b: {  	_ =	shalt  }
0x6c: {  	_ =	shalt  }
0x6d: {  	_ =	shalt  }
0x6e: {  	_ =	shalt  }
0x6f: {  	_ =	shalt  }
0x70: {  	_ =	shalt  }
0x71: {  	_ =	shalt  }
0x72: {  	_ =	shalt  }
0x73: {  	_ =	shalt  }
0x74: {  	_ =	shalt  }
0x75: {  	_ =	shalt  }
0x76: {  	_ =	shalt  }
0x77: {  	_ =	shalt  }
0x78: {  	_ =	shalt  }
0x79: {  	_ =	shalt  }
0x7a: {  	_ =	shalt  }
0x7b: {  	_ =	shalt  }
0x7c: {  	_ =	shalt  }
0x7d: {  	_ =	shalt  }
0x7e: {  	_ =	shalt  }
0x7f: {  	_ =	shalt  }
0x80: {  	_ =	shalt  }
0x81: {  	_ =	shalt  }
0x82: {  	_ =	shalt  }
0x83: {  	_ =	shalt  }
0x84: {  	_ =	shalt  }
0x85: {  	_ =	shalt  }
0x86: {  	_ =	shalt  }
0x87: {  	_ =	shalt  }
.Lfunc_end0:
.L_simem_size_0:
called_computation.2_lowered:
.L_overlay_start_0:
0x88: {  	s2 =	sld [smem:$0x3FD9]  }
0x89: {  	s3 =	sld [smem:$0x3FFE];
	_ =	sdelay $0x1  }
0x8a: {  	s1 =	srdreg.scid  }
0x8b: {  	s0 =	sand.u32 $0x1, s1  }
0x8c: {  	s17 =	sshll.u32 s0, $0xA;
	s2 =	sadd.s32 s3, s2  }
0x8d: {  	s2 =	sadd.s32 s2, s17  }
0x8e: {  	[smem:$0x3FC2] =	sst s2  }
0x8f: {  	_ = 	snop  }
0x90: {  	s2 =	sld [smem:$0x3FD0];
	(tm) =	ssettm $0x1  }
0x91: {  	s18 =	sld [smem:$0x3FFB];
	_ =	sdelay $0x3  }
0x92: {  	_ =	strace s18  }
0x93: {  	s3 =	sld [smem:$0x3FFC];
	_ =	sdelay $0x3  }
0x94: {  	_ =	strace s3  }
0x95: {  	s3 =	sld [smem:$0x3FFD];
	_ =	sdelay $0x3  }
0x96: {  	_ =	strace s3  }
0x97: {  	_ =	strace $0x8FFFFFFF  }
0x98: {  	s19 =	sld [smem:$0x3FDB];
	_ =	sdelay $0x1  }
0x99: {  	s4 =	simm.s32 $_scs_section_size  }
0x9a: {  	s5 =	simm.s32 $_size__tile_overlayer_lowered;
	s6 =	simm.s32 $_tile_overlayer_lowered  }
0x9b: {  	s22 =	simm.s32 $0x1BFF;
	s21 =	sshll.u32 s6, $0x1;
	s3 =	sadd.s32 s4, s19  }
0x9c: {  	s7 =	simm.s32 $0x0;
	s20 =	sshll.u32 s5, $0x1;
	s5 =	sadd.s32 s21, s3  }
0x9d: {  	[timem:s7], [sflag:s22] =	dma.local [hbm:s5], s20  }
0x9e: {  	_ =	swait.ge [sflag:s22], s20  }
0x9f: {  	s4 =	ssub.s32 $0x0, s20;
	[sflag:s22] =	ssyncset.done $0x0  }
0xa0: {  	[sflag:s22] =	ssyncadd.s32 s4;
	_ =	sdelay $0x1  }
0xa1: {  	s23 =	simm.s32 $0x1B8B  }
0xa2: {  	_ =	swait.ge [sflag:s23], $0x1  }
0xa3: {  	[sflag:s23] =	ssyncset.done $0x0  }
0xa4: {  	s25 =	simm.s32 $0x1B8E;
	s24 =	sld [smem:$0x3FFE];
	[sflag:s23] =	ssyncadd.s32 $0xFFFFFFFF  }
0xa5: {  	s26 =	simm.s32 $execute0_lowered;
	[smem:$0x3FD2] =	sst s25  }
0xa6: {  	s5 =	sshll.u32 s26, $0x1;
	_ =	strace $0x8000004C;
	[dreg:$0x1] =	wrdreg $0xFFFFFFFF  }
0xa7: {  	s28 =	simm.s32 $_size_execute0_lowered;
	s3 =	sadd.s32 s3, s5;
	[dreg:$0x0] =	wrdreg $0x0  }
0xa8: {  	s5 =	sshll.u32 s28, $0x1;
	[dreg:$0x2] =	wrdreg s3  }
0xa9: {  	[dreg:$0x3] =	wrdreg s5  }
0xaa: {  	[dreg:$0x4] =	wrdreg $0xC0  }
0xab: {  	_ =	task [dreg:s7], $0x5FFFF  }
0xac: {  	[dreg:$0x1] =	wrdreg $0xFFFFFFFF  }
0xad: {  	[dreg:$0x0] =	wrdreg $0x60  }
0xae: {  	[dreg:$0x2] =	wrdreg s24  }
0xaf: {  	[dreg:$0x3] =	wrdreg s2  }
0xb0: {  	[dreg:$0x4] =	wrdreg $0x150000  }
0xb1: {  	[dreg:$0x5] =	wrdreg $0x9  }
0xb2: {  	_ =	task.clear_ibuf [dreg:s7], $0x6FFFF;
	_ =	strace $0x9000004C  }
0xb3: {  	s29 =	simm.s32 $0x9;
	_ =	strace $0x8000004E  }
0xb4: {  	_ =	swait.ge [sflag:s29], $0x1  }
0xb5: {  	[sflag:s29] =	ssyncadd.s32 $0xFFFFFFFF  }
0xb6: {  	_ =	strace $0x9000004E  }
0xb7: {  	_ =	sfence  }
0xb8: {  	s30 =	sld [smem:$0x0];
	_ =	sdelay $0x2  }
0xb9: {  	s31 =	sshll.u32 s1, $0xD;
	s1 =	sshrl.u32 s1, $0x2  }
0xba: {  	s3 =	sand.u32 $0x4000, s31;
	s1 =	sadd.s32 s1, s30  }
0xbb: {  	s0 =	sor.u32 s3, s0;
	s1 =	sshll.u32 s1, $0x11  }
0xbc: {  	s0 =	sor.u32 s1, s0  }
0xbd: {  	s0 =	sadd.s32 $0x8F2B, s0  }
0xbe: {  	[sflag:s0] =	ssyncadd.remote.s32 $0x1  }
0xbf: {  	_ =	sfence.sel $0xFFFF  }
0xc0: {  	[dreg:$0x0] =	wrdreg $0xFFFFFFFF;
	(pc) =	sbr.abs _section_cstart, $3  }
0xc1: {  	[dreg:$0x1] =	wrdreg $0xFFFFFFFF  }
0xc2: {  	_ =	task.clear_ibuf [dreg:s7], $0x2FFFF;
	_ =	strace $0x9FFFFFFF  }
0xc3: {  	(tm) =	ssettm $0x7FFFFFFF  }
tec
execute0_lowered:
.L_overlay_start_1:
0x0: {  	(tag) =	ssettag $0x1  }
0x1: {  	s0 =	srdreg.scid;
	s1 =	rddreg [dreg:$0x0]  }
0x2: {  	s21 =	stileid.u32;
	s2 =	rddreg [dreg:$0x1];
	s30 =	simm.s32 $0x0  }
0x3: {  	s0 =	sand.u32 $0x1, s0;
	s3 =	sshll.u32 s21, $0x1;
	[smem:$0x7FF] =	sst s30  }
0x4: {  	s7 =	sadd.s32 $0x1C200, s1;
	s4 =	sor.u32 s0, s3;
	s3 =	rddreg [dreg:$0x2]  }
0x5: {  	s15 =	simm.s32 $0x400;
	_ =	strace $0x8000004D;
	[dreg:$0x4] =	wrdreg s7  }
0x6: {  	s16 =	simm.s32 $0x2A00;
	[dreg:$0x8] =	wrdreg s15  }
0x7: {  	s17 =	simm.s32 $0x600;
	[dreg:$0x9] =	wrdreg s16  }
0x8: {  	s18 =	simm.s32 $0x2C00;
	[dreg:$0xa] =	wrdreg s17  }
0x9: {  	s19 =	simm.s32 $0x800;
	[dreg:$0xb] =	wrdreg s18  }
0xa: {  	s20 =	simm.s32 $0x2E00;
	[dreg:$0xc] =	wrdreg s19  }
0xb: {  	s23 =	simm.s32 $0xA00;
	[dreg:$0xd] =	wrdreg s20  }
0xc: {  	s24 =	simm.s32 $0x3000;
	s26 =	simm.s32 $0xC00;
	[dreg:$0xe] =	wrdreg s23  }
0xd: {  	s8 =	simm.s32 $0xE00;
	s9 =	simm.s32 $0x3400;
	[dreg:$0xf] =	wrdreg s24  }
0xe: {  	s10 =	simm.s32 $0x1000;
	s11 =	simm.s32 $0x3600;
	[dreg:$0x10] =	wrdreg s26  }
0xf: {  	s12 =	simm.s32 $0x1200;
	s31 =	simm.s32 $0x2800;
	[dreg:$0x12] =	wrdreg s8  }
0x10: {  	s13 =	simm.s32 $0x3800;
	s29 =	simm.s32 $0x4600;
	[dreg:$0x13] =	wrdreg s9  }
0x11: {  	p0 =	por $0x0, $0x0;
	s5 =	smul.u32 $0xA000, s21;
	[dreg:$0x14] =	wrdreg s10  }
0x12: {  	s28 =	simm.s32 $0x4800;
	s6 =	smul.u32 $0xA0000, s0;
	[dreg:$0x15] =	wrdreg s11  }
0x13: {  	s0 =	ssub.s32 $0x2, s0;
	s7 =	sshll.u32 s21, $0x6;
	[dreg:$0x16] =	wrdreg s12  }
0x14: {  	[dreg:$0x17] =	wrdreg s13;
	s11 =	simm.s32 $0x5000;
	s15 =	simm.s32 $0x3A00  }
0x15: {  	s10 =	simm.s32 $0x9000;
	s16 =	simm.s32 $0x1600;
	s8 =	simm.s32 $0x1  }
0x16: {  	s17 =	simm.s32 $0x3C00;
	s13 =	simm.s32 $0xD000;
	[dreg:$0x19] =	wrdreg s15  }
0x17: {  	s18 =	simm.s32 $0x1800;
	s9 =	simm.s32 $0x2;
	[dreg:$0x1a] =	wrdreg s16  }
0x18: {  	s19 =	simm.s32 $0x3E00;
	s12 =	simm.s32 $0x11000;
	[dreg:$0x1b] =	wrdreg s17  }
0x19: {  	s20 =	simm.s32 $0x1A00;
	s23 =	simm.s32 $0x1C00;
	[dreg:$0x1c] =	wrdreg s18  }
0x1a: {  	s24 =	simm.s32 $0x4200;
	s26 =	simm.s32 $0x4400;
	[dreg:$0x1d] =	wrdreg s19  }
0x1b: {  	s4 =	smul.u32 $0x500, s4;
	s22 =	sshrl.u32 s0, $0x1;
	[dreg:$0x1e] =	wrdreg s20  }
0x1c: {  	s25 =	sshrl.u32 s5, $0x1;
	s19 =	simm.s32 $0x3;
	[smem:$0x7FA] =	sst s23  }
0x1d: {  	s18 =	simm.s32 $0x5;
	s17 =	simm.s32 $0x4;
	[smem:$0x7FB] =	sst s24  }
0x1e: {  	s16 =	simm.s32 $0x6;
	s15 =	simm.s32 $0x8;
	[smem:$0x7FD] =	sst s26  }
0x1f: {  	s26 =	simm.s32 $0x2000;
	s24 =	simm.s32 $0x4A00;
	s20 =	simm.s32 $0x2600  }
0x20: {  	s23 =	simm.s32 $0x4C00;
	s6 =	sadd.s32 s5, s6;
	s0 =	ssub.s32 s0, s22  }
0x21: {  	s5 =	sadd.s32 s25, s3;
	s22 =	simm.s32 $0x4000;
	s25 =	simm.s32 $0x1E00  }
0x22: {  	s4 =	sadd.s32 s4, s1;
	s6 =	sshrl.u32 s6, $0x4;
	[dreg:$0x1f] =	wrdreg s22  }
0x23: {  	s0 =	smax.u32 s0, $0x1;
	s5 =	sshrl.u32 s5, $0x3;
	[smem:$0x7FC] =	sst s25  }
0x24: {  	s25 =	simm.s32 $0x2400;
	s14 =	sadd.s32 $0x8200, s4;
	s1 =	sadd.s32 s6, s1  }
0x25: {  	s4 =	sadd.s32 $0x12200, s4;
	p1 =	sne.s32 s0, $0x1;
	[dreg:$0x5] =	wrdreg s14  }
.Ltmp0:
0x26: {  	s6 =	simm.s32 $0x3200;
	[dreg:$0x6] =	wrdreg s4;
	(pc) =	sbr.rel @!p1 .LBB2_1-.Ltmp0, $4  }
0x27: {  	s22 =	simm.s32 $0x4E00;
	s1 =	sadd.s32 $0x1CC00, s1;
	[dreg:$0x11] =	wrdreg s6  }
0x28: {  	s4 =	sor.u32 $0x1C09, s7;
	s14 =	simm.s32 $0x1400;
	[dreg:$0x7] =	wrdreg s1  }
0x29: {  	s6 =	simm.s32 $0x9;
	s7 =	simm.s32 $0x200;
	[dreg:$0x18] =	wrdreg s14  }
0x2a: {  	s14 =	simm.s32 $0x7;
	s1 =	sadd.s32 $0xFFFFFFFF, s0;
	s0 =	rddreg [dreg:$0x4]  }
0x2b: {  	[spmem:s5], [sflag:s4] =	dma.local [hbm:s0], $0xA00  }
0x2c: {  	_ =	swait.ge [sflag:s6], $0xA00  }
0x2d: {  	[sflag:s6] =	ssyncset.done $0x0  }
0x2e: {  	[sflag:s6] =	ssyncadd.s32 $0xFFFFF600  }
0x2f: {  	[bflag:$0x0] =	sbarrier.arrive $0xFFFF  }
0x30: {  	s21 =	rddreg [dreg:$0x5]  }
0x31: {  	[tilespmem:s30], [sflag:$0x9] =	stream.linear.gather [hbm4b:s21+s30], $0x2800, $0x38;
	[tilespmem:$0x1A000] =	vst v63  }
0x32: {  	_ =	swait.ge [sflag:s6], $0x2800  }
0x33: {  	[sflag:s6] =	ssyncset.done $0x0  }
0x34: {  	s21 =	rddreg [dreg:$0x6];
	[sflag:s6] =	ssyncadd.s32 $0xFFFFD800  }
0x35: {  	[tilespmem:s31], [sflag:$0x9] =	stream.linear.gather [hbm4b:s21+s30], $0x2800, $0x38;
	[tilespmem:$0x1A000] =	vst v63  }
0x36: {  	_ =	swait.ge [sflag:s6], $0x2800  }
0x37: {  	[sflag:s6] =	ssyncset.done $0x0  }
0x38: {  	[sflag:s6] =	ssyncadd.s32 $0xFFFFD800  }
0x39: {  	[tilespmem:s11], [sflag:$0x1] =	stream.indirect.gather [hbm4b:s2+s7], $0x20, s30, s7, $0xb8;
	[tilespmem:$0x1A000] =	vst v63  }
0x3a: {  	_ = 	snop  }
0x3b: {  	[tilespmem:s10], [sflag:$0x2] =	stream.indirect.gather [hbm4b:s2+s7], $0x20, s7, s7, $0xb8;
	[tilespmem:$0x1A000] =	vst v63  }
0x3c: {  	_ =	swait.ge [sflag:s8], $0x4000  }
0x3d: {  	[sflag:s8] =	ssyncset.done $0x0  }
0x3e: {  	[sflag:s8] =	ssyncadd.s32 $0xFFFFC000  }
0x3f: {  	[spmem:s3] =	stream.indirect.scatter.add.bf16 [tilespmem:s11], [sflag:$0x5], $0x20, s31, s7, $0xb8;
	[tilespmem:$0x1A000] =	vst v63  }
0x40: {  	s21 =	rddreg [dreg:$0x8]  }
0x41: {  	[tilespmem:s13], [sflag:$0x3] =	stream.indirect.gather [hbm4b:s2+s7], $0x20, s21, s7, $0xb8;
	[tilespmem:$0x1A000] =	vst v63  }
0x42: {  	_ =	swait.ge [sflag:s9], $0x4000  }
0x43: {  	[sflag:s9] =	ssyncset.done $0x0  }
0x44: {  	s0 =	rddreg [dreg:$0x9];
	[sflag:s9] =	ssyncadd.s32 $0xFFFFC000  }
0x45: {  	[spmem:s3] =	stream.indirect.scatter.add.bf16 [tilespmem:s10], [sflag:$0x6], $0x20, s0, s7, $0xb8;
	[tilespmem:$0x1A000] =	vst v63  }
0x46: {  	s21 =	smov.u32 s1;
	s1 =	rddreg [dreg:$0xa]  }
0x47: {  	[tilespmem:s12], [sflag:$0x4] =	stream.indirect.gather [hbm4b:s2+s7], $0x20, s1, s7, $0xb8;
	[tilespmem:$0x1A000] =	vst v63  }
0x48: {  	_ =	swait.ge [sflag:s19], $0x4000  }
0x49: {  	[sflag:s19] =	ssyncset.done $0x0  }
0x4a: {  	s1 =	rddreg [dreg:$0xb];
	[sflag:s19] =	ssyncadd.s32 $0xFFFFC000  }
0x4b: {  	[spmem:s3] =	stream.indirect.scatter.add.bf16 [tilespmem:s13], [sflag:$0x7], $0x20, s1, s7, $0xb8;
	[tilespmem:$0x1A000] =	vst v63  }
0x4c: {  	_ =	swait.ge [sflag:s18], $0x4000  }
0x4d: {  	[sflag:s18] =	ssyncset.done $0x0  }
0x4e: {  	s1 =	rddreg [dreg:$0xc];
	[sflag:s18] =	ssyncadd.s32 $0xFFFFC000  }
0x4f: {  	[tilespmem:s11], [sflag:$0x1] =	stream.indirect.gather [hbm4b:s2+s7], $0x20, s1, s7, $0xb8;
	[tilespmem:$0x1A000] =	vst v63  }
0x50: {  	_ =	swait.ge [sflag:s17], $0x4000  }
0x51: {  	[sflag:s17] =	ssyncset.done $0x0  }
0x52: {  	s1 =	rddreg [dreg:$0xd];
	[sflag:s17] =	ssyncadd.s32 $0xFFFFC000  }
0x53: {  	[spmem:s3] =	stream.indirect.scatter.add.bf16 [tilespmem:s12], [sflag:$0x8], $0x20, s1, s7, $0xb8;
	[tilespmem:$0x1A000] =	vst v63  }
0x54: {  	_ =	swait.ge [sflag:s16], $0x4000  }
0x55: {  	[sflag:s16] =	ssyncset.done $0x0  }
0x56: {  	s1 =	rddreg [dreg:$0xe];
	[sflag:s16] =	ssyncadd.s32 $0xFFFFC000  }
0x57: {  	[tilespmem:s10], [sflag:$0x2] =	stream.indirect.gather [hbm4b:s2+s7], $0x20, s1, s7, $0xb8;
	[tilespmem:$0x1A000] =	vst v63  }
0x58: {  	_ =	swait.ge [sflag:s8], $0x4000  }
0x59: {  	[sflag:s8] =	ssyncset.done $0x0  }
0x5a: {  	s1 =	rddreg [dreg:$0xf];
	[sflag:s8] =	ssyncadd.s32 $0xFFFFC000  }
0x5b: {  	[spmem:s3] =	stream.indirect.scatter.add.bf16 [tilespmem:s11], [sflag:$0x5], $0x20, s1, s7, $0xb8;
	[tilespmem:$0x1A000] =	vst v63  }
0x5c: {  	_ =	swait.ge [sflag:s14], $0x4000  }
0x5d: {  	[sflag:s14] =	ssyncset.done $0x0  }
0x5e: {  	s1 =	rddreg [dreg:$0x10];
	[sflag:s14] =	ssyncadd.s32 $0xFFFFC000  }
0x5f: {  	[tilespmem:s13], [sflag:$0x3] =	stream.indirect.gather [hbm4b:s2+s7], $0x20, s1, s7, $0xb8;
	[tilespmem:$0x1A000] =	vst v63  }
0x60: {  	_ =	swait.ge [sflag:s9], $0x4000  }
0x61: {  	[sflag:s9] =	ssyncset.done $0x0  }
0x62: {  	s1 =	rddreg [dreg:$0x11];
	[sflag:s9] =	ssyncadd.s32 $0xFFFFC000  }
0x63: {  	[spmem:s3] =	stream.indirect.scatter.add.bf16 [tilespmem:s10], [sflag:$0x6], $0x20, s1, s7, $0xb8;
	[tilespmem:$0x1A000] =	vst v63  }
0x64: {  	_ =	swait.ge [sflag:s15], $0x4000  }
0x65: {  	[sflag:s15] =	ssyncset.done $0x0  }
0x66: {  	s1 =	rddreg [dreg:$0x12];
	[sflag:s15] =	ssyncadd.s32 $0xFFFFC000  }
0x67: {  	[tilespmem:s12], [sflag:$0x4] =	stream.indirect.gather [hbm4b:s2+s7], $0x20, s1, s7, $0xb8;
	[tilespmem:$0x1A000] =	vst v63  }
0x68: {  	_ =	swait.ge [sflag:s19], $0x4000  }
0x69: {  	[sflag:s19] =	ssyncset.done $0x0  }
0x6a: {  	s1 =	rddreg [dreg:$0x13];
	[sflag:s19] =	ssyncadd.s32 $0xFFFFC000  }
0x6b: {  	[spmem:s3] =	stream.indirect.scatter.add.bf16 [tilespmem:s13], [sflag:$0x7], $0x20, s1, s7, $0xb8;
	[tilespmem:$0x1A000] =	vst v63  }
0x6c: {  	_ =	swait.ge [sflag:s18], $0x4000  }
0x6d: {  	[sflag:s18] =	ssyncset.done $0x0  }
0x6e: {  	s1 =	rddreg [dreg:$0x14];
	[sflag:s18] =	ssyncadd.s32 $0xFFFFC000  }
0x6f: {  	[tilespmem:s11], [sflag:$0x1] =	stream.indirect.gather [hbm4b:s2+s7], $0x20, s1, s7, $0xb8;
	[tilespmem:$0x1A000] =	vst v63  }
0x70: {  	_ =	swait.ge [sflag:s17], $0x4000  }
0x71: {  	[sflag:s17] =	ssyncset.done $0x0  }
0x72: {  	s1 =	rddreg [dreg:$0x15];
	[sflag:s17] =	ssyncadd.s32 $0xFFFFC000  }
0x73: {  	[spmem:s3] =	stream.indirect.scatter.add.bf16 [tilespmem:s12], [sflag:$0x8], $0x20, s1, s7, $0xb8;
	[tilespmem:$0x1A000] =	vst v63  }
0x74: {  	_ =	swait.ge [sflag:s16], $0x4000  }
0x75: {  	[sflag:s16] =	ssyncset.done $0x0  }
0x76: {  	s1 =	rddreg [dreg:$0x16];
	[sflag:s16] =	ssyncadd.s32 $0xFFFFC000  }
0x77: {  	[tilespmem:s10], [sflag:$0x2] =	stream.indirect.gather [hbm4b:s2+s7], $0x20, s1, s7, $0xb8;
	[tilespmem:$0x1A000] =	vst v63  }
0x78: {  	_ =	swait.ge [sflag:s8], $0x4000  }
0x79: {  	[sflag:s8] =	ssyncset.done $0x0  }
0x7a: {  	s1 =	rddreg [dreg:$0x17];
	[sflag:s8] =	ssyncadd.s32 $0xFFFFC000  }
0x7b: {  	[spmem:s3] =	stream.indirect.scatter.add.bf16 [tilespmem:s11], [sflag:$0x5], $0x20, s1, s7, $0xb8;
	[tilespmem:$0x1A000] =	vst v63  }
0x7c: {  	_ =	swait.ge [sflag:s14], $0x4000  }
0x7d: {  	[sflag:s14] =	ssyncset.done $0x0  }
0x7e: {  	s1 =	rddreg [dreg:$0x18];
	[sflag:s14] =	ssyncadd.s32 $0xFFFFC000  }
0x7f: {  	[tilespmem:s13], [sflag:$0x3] =	stream.indirect.gather [hbm4b:s2+s7], $0x20, s1, s7, $0xb8;
	[tilespmem:$0x1A000] =	vst v63  }
0x80: {  	_ =	swait.ge [sflag:s9], $0x4000  }
0x81: {  	[sflag:s9] =	ssyncset.done $0x0  }
0x82: {  	s1 =	rddreg [dreg:$0x19];
	[sflag:s9] =	ssyncadd.s32 $0xFFFFC000  }
0x83: {  	[spmem:s3] =	stream.indirect.scatter.add.bf16 [tilespmem:s10], [sflag:$0x6], $0x20, s1, s7, $0xb8;
	[tilespmem:$0x1A000] =	vst v63  }
0x84: {  	_ =	swait.ge [sflag:s15], $0x4000  }
0x85: {  	[sflag:s15] =	ssyncset.done $0x0  }
0x86: {  	s1 =	rddreg [dreg:$0x1a];
	[sflag:s15] =	ssyncadd.s32 $0xFFFFC000  }
0x87: {  	[tilespmem:s12], [sflag:$0x4] =	stream.indirect.gather [hbm4b:s2+s7], $0x20, s1, s7, $0xb8;
	[tilespmem:$0x1A000] =	vst v63  }
0x88: {  	_ =	swait.ge [sflag:s19], $0x4000  }
0x89: {  	[sflag:s19] =	ssyncset.done $0x0  }
0x8a: {  	s1 =	rddreg [dreg:$0x1b];
	[sflag:s19] =	ssyncadd.s32 $0xFFFFC000  }
0x8b: {  	[spmem:s3] =	stream.indirect.scatter.add.bf16 [tilespmem:s13], [sflag:$0x7], $0x20, s1, s7, $0xb8;
	[tilespmem:$0x1A000] =	vst v63  }
0x8c: {  	_ =	swait.ge [sflag:s18], $0x4000  }
0x8d: {  	[sflag:s18] =	ssyncset.done $0x0  }
0x8e: {  	s1 =	rddreg [dreg:$0x1c];
	[sflag:s18] =	ssyncadd.s32 $0xFFFFC000  }
0x8f: {  	[tilespmem:s11], [sflag:$0x1] =	stream.indirect.gather [hbm4b:s2+s7], $0x20, s1, s7, $0xb8;
	[tilespmem:$0x1A000] =	vst v63  }
0x90: {  	_ =	swait.ge [sflag:s17], $0x4000  }
0x91: {  	[sflag:s17] =	ssyncset.done $0x0  }
0x92: {  	s1 =	rddreg [dreg:$0x1d];
	[sflag:s17] =	ssyncadd.s32 $0xFFFFC000  }
0x93: {  	[spmem:s3] =	stream.indirect.scatter.add.bf16 [tilespmem:s12], [sflag:$0x8], $0x20, s1, s7, $0xb8;
	[tilespmem:$0x1A000] =	vst v63  }
0x94: {  	_ =	swait.ge [sflag:s16], $0x4000  }
0x95: {  	[sflag:s16] =	ssyncset.done $0x0  }
0x96: {  	s1 =	rddreg [dreg:$0x1e];
	[sflag:s16] =	ssyncadd.s32 $0xFFFFC000  }
0x97: {  	[tilespmem:s10], [sflag:$0x2] =	stream.indirect.gather [hbm4b:s2+s7], $0x20, s1, s7, $0xb8;
	[tilespmem:$0x1A000] =	vst v63  }
0x98: {  	_ =	swait.ge [sflag:s8], $0x4000  }
0x99: {  	[sflag:s8] =	ssyncset.done $0x0  }
0x9a: {  	s1 =	rddreg [dreg:$0x1f];
	[sflag:s8] =	ssyncadd.s32 $0xFFFFC000  }
0x9b: {  	[spmem:s3] =	stream.indirect.scatter.add.bf16 [tilespmem:s11], [sflag:$0x5], $0x20, s1, s7, $0xb8;
	[tilespmem:$0x1A000] =	vst v63  }
0x9c: {  	_ =	swait.ge [sflag:s14], $0x4000  }
0x9d: {  	s1 =	sld [smem:$0x7FA]  }
0x9e: {  	[sflag:s14] =	ssyncset.done $0x0  }
0x9f: {  	[sflag:s14] =	ssyncadd.s32 $0xFFFFC000  }
0xa0: {  	[tilespmem:s13], [sflag:$0x3] =	stream.indirect.gather [hbm4b:s2+s7], $0x20, s1, s7, $0xb8;
	[tilespmem:$0x1A000] =	vst v63  }
0xa1: {  	_ =	swait.ge [sflag:s9], $0x4000  }
0xa2: {  	s1 =	sld [smem:$0x7FB]  }
0xa3: {  	[sflag:s9] =	ssyncset.done $0x0  }
0xa4: {  	[sflag:s9] =	ssyncadd.s32 $0xFFFFC000  }
0xa5: {  	[spmem:s3] =	stream.indirect.scatter.add.bf16 [tilespmem:s10], [sflag:$0x6], $0x20, s1, s7, $0xb8;
	[tilespmem:$0x1A000] =	vst v63  }
0xa6: {  	_ =	swait.ge [sflag:s15], $0x4000  }
0xa7: {  	s1 =	sld [smem:$0x7FC]  }
0xa8: {  	[sflag:s15] =	ssyncset.done $0x0  }
0xa9: {  	[sflag:s15] =	ssyncadd.s32 $0xFFFFC000  }
0xaa: {  	[tilespmem:s12], [sflag:$0x4] =	stream.indirect.gather [hbm4b:s2+s7], $0x20, s1, s7, $0xb8;
	[tilespmem:$0x1A000] =	vst v63  }
0xab: {  	_ =	swait.ge [sflag:s19], $0x4000  }
0xac: {  	s1 =	sld [smem:$0x7FD]  }
0xad: {  	[sflag:s19] =	ssyncset.done $0x0  }
0xae: {  	[sflag:s19] =	ssyncadd.s32 $0xFFFFC000  }
0xaf: {  	[spmem:s3] =	stream.indirect.scatter.add.bf16 [tilespmem:s13], [sflag:$0x7], $0x20, s1, s7, $0xb8;
	[tilespmem:$0x1A000] =	vst v63  }
0xb0: {  	_ =	swait.ge [sflag:s18], $0x4000  }
0xb1: {  	[sflag:s18] =	ssyncset.done $0x0  }
0xb2: {  	[sflag:s18] =	ssyncadd.s32 $0xFFFFC000  }
0xb3: {  	[tilespmem:s11], [sflag:$0x1] =	stream.indirect.gather [hbm4b:s2+s7], $0x20, s26, s7, $0xb8;
	[tilespmem:$0x1A000] =	vst v63  }
0xb4: {  	_ =	swait.ge [sflag:s17], $0x4000  }
0xb5: {  	[sflag:s17] =	ssyncset.done $0x0  }
0xb6: {  	[sflag:s17] =	ssyncadd.s32 $0xFFFFC000  }
0xb7: {  	[spmem:s3] =	stream.indirect.scatter.add.bf16 [tilespmem:s12], [sflag:$0x8], $0x20, s29, s7, $0xb8;
	[tilespmem:$0x1A000] =	vst v63  }
0xb8: {  	_ =	swait.ge [sflag:s16], $0x4000  }
0xb9: {  	[sflag:s16] =	ssyncset.done $0x0  }
0xba: {  	s1 =	simm.s32 $0x2200;
	[sflag:s16] =	ssyncadd.s32 $0xFFFFC000  }
0xbb: {  	[tilespmem:s10], [sflag:$0x2] =	stream.indirect.gather [hbm4b:s2+s7], $0x20, s1, s7, $0xb8;
	[tilespmem:$0x1A000] =	vst v63  }
0xbc: {  	_ =	swait.ge [sflag:s8], $0x4000  }
0xbd: {  	[sflag:s8] =	ssyncset.done $0x0  }
0xbe: {  	[sflag:s8] =	ssyncadd.s32 $0xFFFFC000  }
0xbf: {  	[spmem:s3] =	stream.indirect.scatter.add.bf16 [tilespmem:s11], [sflag:$0x5], $0x20, s28, s7, $0xb8;
	[tilespmem:$0x1A000] =	vst v63  }
0xc0: {  	_ =	swait.ge [sflag:s14], $0x4000  }
0xc1: {  	[sflag:s14] =	ssyncset.done $0x0  }
0xc2: {  	[sflag:s14] =	ssyncadd.s32 $0xFFFFC000  }
0xc3: {  	[tilespmem:s13], [sflag:$0x3] =	stream.indirect.gather [hbm4b:s2+s7], $0x20, s25, s7, $0xb8;
	[tilespmem:$0x1A000] =	vst v63  }
0xc4: {  	_ =	swait.ge [sflag:s9], $0x4000  }
0xc5: {  	[sflag:s9] =	ssyncset.done $0x0  }
0xc6: {  	[sflag:s9] =	ssyncadd.s32 $0xFFFFC000  }
0xc7: {  	[spmem:s3] =	stream.indirect.scatter.add.bf16 [tilespmem:s10], [sflag:$0x6], $0x20, s24, s7, $0xb8;
	[tilespmem:$0x1A000] =	vst v63  }
0xc8: {  	_ =	swait.ge [sflag:s15], $0x4000  }
0xc9: {  	[sflag:s15] =	ssyncset.done $0x0  }
0xca: {  	[sflag:s15] =	ssyncadd.s32 $0xFFFFC000  }
0xcb: {  	[tilespmem:s12], [sflag:$0x4] =	stream.indirect.gather [hbm4b:s2+s7], $0x20, s20, s7, $0xb8;
	[tilespmem:$0x1A000] =	vst v63  }
0xcc: {  	_ =	swait.ge [sflag:s19], $0x4000  }
0xcd: {  	[sflag:s19] =	ssyncset.done $0x0  }
0xce: {  	[sflag:s19] =	ssyncadd.s32 $0xFFFFC000  }
0xcf: {  	[spmem:s3] =	stream.indirect.scatter.add.bf16 [tilespmem:s13], [sflag:$0x7], $0x20, s23, s7, $0xb8;
	[tilespmem:$0x1A000] =	vst v63  }
0xd0: {  	_ =	swait.ge [sflag:s18], $0x4000  }
0xd1: {  	[sflag:s18] =	ssyncset.done $0x0  }
0xd2: {  	[sflag:s18] =	ssyncadd.s32 $0xFFFFC000  }
0xd3: {  	[tilespmem:s11], [sflag:$0x1] =	stream.indirect.gather [hbm4b:s2+s7], $0x20, s20, s7, $0xb8;
	[tilespmem:$0x1A000] =	vst v63  }
0xd4: {  	_ =	swait.ge [sflag:s17], $0x4000  }
0xd5: {  	[sflag:s17] =	ssyncset.done $0x0  }
0xd6: {  	[sflag:s17] =	ssyncadd.s32 $0xFFFFC000  }
0xd7: {  	[spmem:s3] =	stream.indirect.scatter.add.bf16 [tilespmem:s12], [sflag:$0x8], $0x20, s22, s7, $0xb8;
	[tilespmem:$0x1A000] =	vst v63  }
0xd8: {  	_ =	swait.ge [sflag:s16], $0x4000  }
0xd9: {  	[sflag:s16] =	ssyncset.done $0x0  }
0xda: {  	[sflag:s16] =	ssyncadd.s32 $0xFFFFC000  }
0xdb: {  	[tilespmem:s10], [sflag:$0x2] =	stream.indirect.gather [hbm4b:s2+s7], $0x20, s20, s7, $0xb8;
	[tilespmem:$0x1A000] =	vst v63  }
0xdc: {  	_ =	swait.ge [sflag:s14], $0x4000  }
0xdd: {  	[sflag:s14] =	ssyncset.done $0x0  }
0xde: {  	[sflag:s14] =	ssyncadd.s32 $0xFFFFC000  }
0xdf: {  	_ =	swait.ge [sflag:s15], $0x4000  }
0xe0: {  	[sflag:s15] =	ssyncset.done $0x0  }
0xe1: {  	[sflag:s15] =	ssyncadd.s32 $0xFFFFC000  }
0xe2: {  	_ =	swait.ge [sflag:s8], $0x4000  }
0xe3: {  	[sflag:s8] =	ssyncset.done $0x0  }
0xe4: {  	[sflag:s8] =	ssyncadd.s32 $0xFFFFC000  }
0xe5: {  	_ =	swait.ge [sflag:s9], $0x4000  }
0xe6: {  	[sflag:s9] =	ssyncset.done $0x0  }
0xe7: {  	p1 =	sne.s32 s21, $0x1;
	[sflag:s9] =	ssyncadd.s32 $0xFFFFC000  }
.Ltmp1:
0xe8: {  	[bflag:$0x0] =	sbarrier.arrive $0xFFFF;
	(pc) =	sbr.rel @!p1 .LBB2_3-.Ltmp1, $4  }
0xe9: {  	s1 =	rddreg [dreg:$0x7]  }
0xea: {  	[hbm:s1], [sflag:s4] =	dma.local [spmem:s5], $0xA00  }
0xeb: {  	p0 =	por $0x1, $0x1;
	_ =	swait.ge [sflag:s6], $0xA00  }
0xec: {  	s1 =	sadd.s32 $0xFFFFFFFF, s21;
	s0 =	rddreg [dreg:$0x4];
	[sflag:s6] =	ssyncset.done $0x0  }
.LBB2_4:
0xed: {  	[sflag:s6] =	ssyncadd.s32 $0xFFFFF600  }
0xee: {  	[spmem:s5], [sflag:s4] =	dma.local [hbm:s0], $0xA00  }
0xef: {  	_ =	swait.ge [sflag:s6], $0xA00  }
0xf0: {  	[sflag:s6] =	ssyncset.done $0x0  }
0xf1: {  	[sflag:s6] =	ssyncadd.s32 $0xFFFFF600  }
0xf2: {  	[bflag:$0x0] =	sbarrier.arrive $0xFFFF  }
0xf3: {  	s21 =	rddreg [dreg:$0x5]  }
0xf4: {  	[tilespmem:s30], [sflag:$0x9] =	stream.linear.gather [hbm4b:s21+s30], $0x2800, $0x38;
	[tilespmem:$0x1A000] =	vst v63  }
0xf5: {  	_ =	swait.ge [sflag:s6], $0x2800  }
0xf6: {  	[sflag:s6] =	ssyncset.done $0x0  }
0xf7: {  	s21 =	rddreg [dreg:$0x6];
	[sflag:s6] =	ssyncadd.s32 $0xFFFFD800  }
0xf8: {  	[tilespmem:s31], [sflag:$0x9] =	stream.linear.gather [hbm4b:s21+s30], $0x2800, $0x38;
	[tilespmem:$0x1A000] =	vst v63  }
0xf9: {  	_ =	swait.ge [sflag:s6], $0x2800  }
0xfa: {  	[sflag:s6] =	ssyncset.done $0x0  }
0xfb: {  	[sflag:s6] =	ssyncadd.s32 $0xFFFFD800  }
0xfc: {  	[tilespmem:s11], [sflag:$0x1] =	stream.indirect.gather [hbm4b:s2+s7], $0x20, s30, s7, $0xb8;
	[tilespmem:$0x1A000] =	vst v63  }
0xfd: {  	_ = 	snop  }
0xfe: {  	[tilespmem:s10], [sflag:$0x2] =	stream.indirect.gather [hbm4b:s2+s7], $0x20, s7, s7, $0xb8;
	[tilespmem:$0x1A000] =	vst v63  }
0xff: {  	_ =	swait.ge [sflag:s8], $0x4000  }
0x100: {  	[sflag:s8] =	ssyncset.done $0x0  }
0x101: {  	[sflag:s8] =	ssyncadd.s32 $0xFFFFC000  }
0x102: {  	[spmem:s3] =	stream.indirect.scatter.add.bf16 [tilespmem:s11], [sflag:$0x5], $0x20, s31, s7, $0xb8;
	[tilespmem:$0x1A000] =	vst v63  }
0x103: {  	s21 =	rddreg [dreg:$0x8]  }
0x104: {  	[tilespmem:s13], [sflag:$0x3] =	stream.indirect.gather [hbm4b:s2+s7], $0x20, s21, s7, $0xb8;
	[tilespmem:$0x1A000] =	vst v63  }
0x105: {  	_ =	swait.ge [sflag:s9], $0x4000  }
0x106: {  	[sflag:s9] =	ssyncset.done $0x0  }
0x107: {  	s0 =	rddreg [dreg:$0x9];
	[sflag:s9] =	ssyncadd.s32 $0xFFFFC000  }
0x108: {  	[spmem:s3] =	stream.indirect.scatter.add.bf16 [tilespmem:s10], [sflag:$0x6], $0x20, s0, s7, $0xb8;
	[tilespmem:$0x1A000] =	vst v63  }
0x109: {  	s21 =	rddreg [dreg:$0xa]  }
0x10a: {  	[tilespmem:s12], [sflag:$0x4] =	stream.indirect.gather [hbm4b:s2+s7], $0x20, s21, s7, $0xb8;
	[tilespmem:$0x1A000] =	vst v63  }
0x10b: {  	_ =	swait.ge [sflag:s19], $0x4000  }
0x10c: {  	[sflag:s19] =	ssyncset.done $0x0  }
0x10d: {  	s21 =	rddreg [dreg:$0xb];
	[sflag:s19] =	ssyncadd.s32 $0xFFFFC000  }
0x10e: {  	[spmem:s3] =	stream.indirect.scatter.add.bf16 [tilespmem:s13], [sflag:$0x7], $0x20, s21, s7, $0xb8;
	[tilespmem:$0x1A000] =	vst v63  }
0x10f: {  	_ =	swait.ge [sflag:s18], $0x4000  }
0x110: {  	[sflag:s18] =	ssyncset.done $0x0  }
0x111: {  	s21 =	rddreg [dreg:$0xc];
	[sflag:s18] =	ssyncadd.s32 $0xFFFFC000  }
0x112: {  	[tilespmem:s11], [sflag:$0x1] =	stream.indirect.gather [hbm4b:s2+s7], $0x20, s21, s7, $0xb8;
	[tilespmem:$0x1A000] =	vst v63  }
0x113: {  	_ =	swait.ge [sflag:s17], $0x4000  }
0x114: {  	[sflag:s17] =	ssyncset.done $0x0  }
0x115: {  	s21 =	rddreg [dreg:$0xd];
	[sflag:s17] =	ssyncadd.s32 $0xFFFFC000  }
0x116: {  	[spmem:s3] =	stream.indirect.scatter.add.bf16 [tilespmem:s12], [sflag:$0x8], $0x20, s21, s7, $0xb8;
	[tilespmem:$0x1A000] =	vst v63  }
0x117: {  	_ =	swait.ge [sflag:s16], $0x4000  }
0x118: {  	[sflag:s16] =	ssyncset.done $0x0  }
0x119: {  	s21 =	rddreg [dreg:$0xe];
	[sflag:s16] =	ssyncadd.s32 $0xFFFFC000  }
0x11a: {  	[tilespmem:s10], [sflag:$0x2] =	stream.indirect.gather [hbm4b:s2+s7], $0x20, s21, s7, $0xb8;
	[tilespmem:$0x1A000] =	vst v63  }
0x11b: {  	_ =	swait.ge [sflag:s8], $0x4000  }
0x11c: {  	[sflag:s8] =	ssyncset.done $0x0  }
0x11d: {  	s21 =	rddreg [dreg:$0xf];
	[sflag:s8] =	ssyncadd.s32 $0xFFFFC000  }
0x11e: {  	[spmem:s3] =	stream.indirect.scatter.add.bf16 [tilespmem:s11], [sflag:$0x5], $0x20, s21, s7, $0xb8;
	[tilespmem:$0x1A000] =	vst v63  }
0x11f: {  	_ =	swait.ge [sflag:s14], $0x4000  }
0x120: {  	[sflag:s14] =	ssyncset.done $0x0  }
0x121: {  	s21 =	rddreg [dreg:$0x10];
	[sflag:s14] =	ssyncadd.s32 $0xFFFFC000  }
0x122: {  	[tilespmem:s13], [sflag:$0x3] =	stream.indirect.gather [hbm4b:s2+s7], $0x20, s21, s7, $0xb8;
	[tilespmem:$0x1A000] =	vst v63  }
0x123: {  	_ =	swait.ge [sflag:s9], $0x4000  }
0x124: {  	[sflag:s9] =	ssyncset.done $0x0  }
0x125: {  	s21 =	rddreg [dreg:$0x11];
	[sflag:s9] =	ssyncadd.s32 $0xFFFFC000  }
0x126: {  	[spmem:s3] =	stream.indirect.scatter.add.bf16 [tilespmem:s10], [sflag:$0x6], $0x20, s21, s7, $0xb8;
	[tilespmem:$0x1A000] =	vst v63  }
0x127: {  	_ =	swait.ge [sflag:s15], $0x4000  }
0x128: {  	[sflag:s15] =	ssyncset.done $0x0  }
0x129: {  	s21 =	rddreg [dreg:$0x12];
	[sflag:s15] =	ssyncadd.s32 $0xFFFFC000  }
0x12a: {  	[tilespmem:s12], [sflag:$0x4] =	stream.indirect.gather [hbm4b:s2+s7], $0x20, s21, s7, $0xb8;
	[tilespmem:$0x1A000] =	vst v63  }
0x12b: {  	_ =	swait.ge [sflag:s19], $0x4000  }
0x12c: {  	[sflag:s19] =	ssyncset.done $0x0  }
0x12d: {  	s21 =	rddreg [dreg:$0x13];
	[sflag:s19] =	ssyncadd.s32 $0xFFFFC000  }
0x12e: {  	[spmem:s3] =	stream.indirect.scatter.add.bf16 [tilespmem:s13], [sflag:$0x7], $0x20, s21, s7, $0xb8;
	[tilespmem:$0x1A000] =	vst v63  }
0x12f: {  	_ =	swait.ge [sflag:s18], $0x4000  }
0x130: {  	[sflag:s18] =	ssyncset.done $0x0  }
0x131: {  	s21 =	rddreg [dreg:$0x14];
	[sflag:s18] =	ssyncadd.s32 $0xFFFFC000  }
0x132: {  	[tilespmem:s11], [sflag:$0x1] =	stream.indirect.gather [hbm4b:s2+s7], $0x20, s21, s7, $0xb8;
	[tilespmem:$0x1A000] =	vst v63  }
0x133: {  	_ =	swait.ge [sflag:s17], $0x4000  }
0x134: {  	[sflag:s17] =	ssyncset.done $0x0  }
0x135: {  	s21 =	rddreg [dreg:$0x15];
	[sflag:s17] =	ssyncadd.s32 $0xFFFFC000  }
0x136: {  	[spmem:s3] =	stream.indirect.scatter.add.bf16 [tilespmem:s12], [sflag:$0x8], $0x20, s21, s7, $0xb8;
	[tilespmem:$0x1A000] =	vst v63  }
0x137: {  	_ =	swait.ge [sflag:s16], $0x4000  }
0x138: {  	[sflag:s16] =	ssyncset.done $0x0  }
0x139: {  	s21 =	rddreg [dreg:$0x16];
	[sflag:s16] =	ssyncadd.s32 $0xFFFFC000  }
0x13a: {  	[tilespmem:s10], [sflag:$0x2] =	stream.indirect.gather [hbm4b:s2+s7], $0x20, s21, s7, $0xb8;
	[tilespmem:$0x1A000] =	vst v63  }
0x13b: {  	_ =	swait.ge [sflag:s8], $0x4000  }
0x13c: {  	[sflag:s8] =	ssyncset.done $0x0  }
0x13d: {  	s21 =	rddreg [dreg:$0x17];
	[sflag:s8] =	ssyncadd.s32 $0xFFFFC000  }
0x13e: {  	[spmem:s3] =	stream.indirect.scatter.add.bf16 [tilespmem:s11], [sflag:$0x5], $0x20, s21, s7, $0xb8;
	[tilespmem:$0x1A000] =	vst v63  }
0x13f: {  	_ =	swait.ge [sflag:s14], $0x4000  }
0x140: {  	[sflag:s14] =	ssyncset.done $0x0  }
0x141: {  	s21 =	rddreg [dreg:$0x18];
	[sflag:s14] =	ssyncadd.s32 $0xFFFFC000  }
0x142: {  	[tilespmem:s13], [sflag:$0x3] =	stream.indirect.gather [hbm4b:s2+s7], $0x20, s21, s7, $0xb8;
	[tilespmem:$0x1A000] =	vst v63  }
0x143: {  	_ =	swait.ge [sflag:s9], $0x4000  }
0x144: {  	[sflag:s9] =	ssyncset.done $0x0  }
0x145: {  	s21 =	rddreg [dreg:$0x19];
	[sflag:s9] =	ssyncadd.s32 $0xFFFFC000  }
0x146: {  	[spmem:s3] =	stream.indirect.scatter.add.bf16 [tilespmem:s10], [sflag:$0x6], $0x20, s21, s7, $0xb8;
	[tilespmem:$0x1A000] =	vst v63  }
0x147: {  	_ =	swait.ge [sflag:s15], $0x4000  }
0x148: {  	[sflag:s15] =	ssyncset.done $0x0  }
0x149: {  	s21 =	rddreg [dreg:$0x1a];
	[sflag:s15] =	ssyncadd.s32 $0xFFFFC000  }
0x14a: {  	[tilespmem:s12], [sflag:$0x4] =	stream.indirect.gather [hbm4b:s2+s7], $0x20, s21, s7, $0xb8;
	[tilespmem:$0x1A000] =	vst v63  }
0x14b: {  	_ =	swait.ge [sflag:s19], $0x4000  }
0x14c: {  	[sflag:s19] =	ssyncset.done $0x0  }
0x14d: {  	s21 =	rddreg [dreg:$0x1b];
	[sflag:s19] =	ssyncadd.s32 $0xFFFFC000  }
0x14e: {  	[spmem:s3] =	stream.indirect.scatter.add.bf16 [tilespmem:s13], [sflag:$0x7], $0x20, s21, s7, $0xb8;
	[tilespmem:$0x1A000] =	vst v63  }
0x14f: {  	_ =	swait.ge [sflag:s18], $0x4000  }
0x150: {  	[sflag:s18] =	ssyncset.done $0x0  }
0x151: {  	s21 =	rddreg [dreg:$0x1c];
	[sflag:s18] =	ssyncadd.s32 $0xFFFFC000  }
0x152: {  	[tilespmem:s11], [sflag:$0x1] =	stream.indirect.gather [hbm4b:s2+s7], $0x20, s21, s7, $0xb8;
	[tilespmem:$0x1A000] =	vst v63  }
0x153: {  	_ =	swait.ge [sflag:s17], $0x4000  }
0x154: {  	[sflag:s17] =	ssyncset.done $0x0  }
0x155: {  	s21 =	rddreg [dreg:$0x1d];
	[sflag:s17] =	ssyncadd.s32 $0xFFFFC000  }
0x156: {  	[spmem:s3] =	stream.indirect.scatter.add.bf16 [tilespmem:s12], [sflag:$0x8], $0x20, s21, s7, $0xb8;
	[tilespmem:$0x1A000] =	vst v63  }
0x157: {  	_ =	swait.ge [sflag:s16], $0x4000  }
0x158: {  	[sflag:s16] =	ssyncset.done $0x0  }
0x159: {  	s21 =	rddreg [dreg:$0x1e];
	[sflag:s16] =	ssyncadd.s32 $0xFFFFC000  }
0x15a: {  	[tilespmem:s10], [sflag:$0x2] =	stream.indirect.gather [hbm4b:s2+s7], $0x20, s21, s7, $0xb8;
	[tilespmem:$0x1A000] =	vst v63  }
0x15b: {  	_ =	swait.ge [sflag:s8], $0x4000  }
0x15c: {  	[sflag:s8] =	ssyncset.done $0x0  }
0x15d: {  	s21 =	rddreg [dreg:$0x1f];
	[sflag:s8] =	ssyncadd.s32 $0xFFFFC000  }
0x15e: {  	[spmem:s3] =	stream.indirect.scatter.add.bf16 [tilespmem:s11], [sflag:$0x5], $0x20, s21, s7, $0xb8;
	[tilespmem:$0x1A000] =	vst v63  }
0x15f: {  	_ =	swait.ge [sflag:s14], $0x4000  }
0x160: {  	s21 =	sld [smem:$0x7FA]  }
0x161: {  	[sflag:s14] =	ssyncset.done $0x0  }
0x162: {  	[sflag:s14] =	ssyncadd.s32 $0xFFFFC000  }
0x163: {  	[tilespmem:s13], [sflag:$0x3] =	stream.indirect.gather [hbm4b:s2+s7], $0x20, s21, s7, $0xb8;
	[tilespmem:$0x1A000] =	vst v63  }
0x164: {  	_ =	swait.ge [sflag:s9], $0x4000  }
0x165: {  	s21 =	sld [smem:$0x7FB]  }
0x166: {  	[sflag:s9] =	ssyncset.done $0x0  }
0x167: {  	[sflag:s9] =	ssyncadd.s32 $0xFFFFC000  }
0x168: {  	[spmem:s3] =	stream.indirect.scatter.add.bf16 [tilespmem:s10], [sflag:$0x6], $0x20, s21, s7, $0xb8;
	[tilespmem:$0x1A000] =	vst v63  }
0x169: {  	_ =	swait.ge [sflag:s15], $0x4000  }
0x16a: {  	s21 =	sld [smem:$0x7FC]  }
0x16b: {  	[sflag:s15] =	ssyncset.done $0x0  }
0x16c: {  	[sflag:s15] =	ssyncadd.s32 $0xFFFFC000  }
0x16d: {  	[tilespmem:s12], [sflag:$0x4] =	stream.indirect.gather [hbm4b:s2+s7], $0x20, s21, s7, $0xb8;
	[tilespmem:$0x1A000] =	vst v63  }
0x16e: {  	_ =	swait.ge [sflag:s19], $0x4000  }
0x16f: {  	s21 =	sld [smem:$0x7FD]  }
0x170: {  	[sflag:s19] =	ssyncset.done $0x0  }
0x171: {  	[sflag:s19] =	ssyncadd.s32 $0xFFFFC000  }
0x172: {  	[spmem:s3] =	stream.indirect.scatter.add.bf16 [tilespmem:s13], [sflag:$0x7], $0x20, s21, s7, $0xb8;
	[tilespmem:$0x1A000] =	vst v63  }
0x173: {  	_ =	swait.ge [sflag:s18], $0x4000  }
0x174: {  	[sflag:s18] =	ssyncset.done $0x0  }
0x175: {  	[sflag:s18] =	ssyncadd.s32 $0xFFFFC000  }
0x176: {  	[tilespmem:s11], [sflag:$0x1] =	stream.indirect.gather [hbm4b:s2+s7], $0x20, s26, s7, $0xb8;
	[tilespmem:$0x1A000] =	vst v63  }
0x177: {  	_ =	swait.ge [sflag:s17], $0x4000  }
0x178: {  	[sflag:s17] =	ssyncset.done $0x0  }
0x179: {  	[sflag:s17] =	ssyncadd.s32 $0xFFFFC000  }
0x17a: {  	[spmem:s3] =	stream.indirect.scatter.add.bf16 [tilespmem:s12], [sflag:$0x8], $0x20, s29, s7, $0xb8;
	[tilespmem:$0x1A000] =	vst v63  }
0x17b: {  	_ =	swait.ge [sflag:s16], $0x4000  }
0x17c: {  	[sflag:s16] =	ssyncset.done $0x0  }
0x17d: {  	s21 =	simm.s32 $0x2200;
	[sflag:s16] =	ssyncadd.s32 $0xFFFFC000  }
0x17e: {  	[tilespmem:s10], [sflag:$0x2] =	stream.indirect.gather [hbm4b:s2+s7], $0x20, s21, s7, $0xb8;
	[tilespmem:$0x1A000] =	vst v63  }
0x17f: {  	_ =	swait.ge [sflag:s8], $0x4000  }
0x180: {  	[sflag:s8] =	ssyncset.done $0x0  }
0x181: {  	[sflag:s8] =	ssyncadd.s32 $0xFFFFC000  }
0x182: {  	[spmem:s3] =	stream.indirect.scatter.add.bf16 [tilespmem:s11], [sflag:$0x5], $0x20, s28, s7, $0xb8;
	[tilespmem:$0x1A000] =	vst v63  }
0x183: {  	_ =	swait.ge [sflag:s14], $0x4000  }
0x184: {  	[sflag:s14] =	ssyncset.done $0x0  }
0x185: {  	[sflag:s14] =	ssyncadd.s32 $0xFFFFC000  }
0x186: {  	[tilespmem:s13], [sflag:$0x3] =	stream.indirect.gather [hbm4b:s2+s7], $0x20, s25, s7, $0xb8;
	[tilespmem:$0x1A000] =	vst v63  }
0x187: {  	_ =	swait.ge [sflag:s9], $0x4000  }
0x188: {  	[sflag:s9] =	ssyncset.done $0x0  }
0x189: {  	[sflag:s9] =	ssyncadd.s32 $0xFFFFC000  }
0x18a: {  	[spmem:s3] =	stream.indirect.scatter.add.bf16 [tilespmem:s10], [sflag:$0x6], $0x20, s24, s7, $0xb8;
	[tilespmem:$0x1A000] =	vst v63  }
0x18b: {  	_ =	swait.ge [sflag:s15], $0x4000  }
0x18c: {  	[sflag:s15] =	ssyncset.done $0x0  }
0x18d: {  	[sflag:s15] =	ssyncadd.s32 $0xFFFFC000  }
0x18e: {  	[tilespmem:s12], [sflag:$0x4] =	stream.indirect.gather [hbm4b:s2+s7], $0x20, s20, s7, $0xb8;
	[tilespmem:$0x1A000] =	vst v63  }
0x18f: {  	_ =	swait.ge [sflag:s19], $0x4000  }
0x190: {  	[sflag:s19] =	ssyncset.done $0x0  }
0x191: {  	[sflag:s19] =	ssyncadd.s32 $0xFFFFC000  }
0x192: {  	[spmem:s3] =	stream.indirect.scatter.add.bf16 [tilespmem:s13], [sflag:$0x7], $0x20, s23, s7, $0xb8;
	[tilespmem:$0x1A000] =	vst v63  }
0x193: {  	_ =	swait.ge [sflag:s18], $0x4000  }
0x194: {  	[sflag:s18] =	ssyncset.done $0x0  }
0x195: {  	[sflag:s18] =	ssyncadd.s32 $0xFFFFC000  }
0x196: {  	[tilespmem:s11], [sflag:$0x1] =	stream.indirect.gather [hbm4b:s2+s7], $0x20, s20, s7, $0xb8;
	[tilespmem:$0x1A000] =	vst v63  }
0x197: {  	_ =	swait.ge [sflag:s17], $0x4000  }
0x198: {  	[sflag:s17] =	ssyncset.done $0x0  }
0x199: {  	[sflag:s17] =	ssyncadd.s32 $0xFFFFC000  }
0x19a: {  	[spmem:s3] =	stream.indirect.scatter.add.bf16 [tilespmem:s12], [sflag:$0x8], $0x20, s22, s7, $0xb8;
	[tilespmem:$0x1A000] =	vst v63  }
0x19b: {  	_ =	swait.ge [sflag:s16], $0x4000  }
0x19c: {  	[sflag:s16] =	ssyncset.done $0x0  }
0x19d: {  	[sflag:s16] =	ssyncadd.s32 $0xFFFFC000  }
0x19e: {  	[tilespmem:s10], [sflag:$0x2] =	stream.indirect.gather [hbm4b:s2+s7], $0x20, s20, s7, $0xb8;
	[tilespmem:$0x1A000] =	vst v63  }
0x19f: {  	_ =	swait.ge [sflag:s14], $0x4000  }
0x1a0: {  	[sflag:s14] =	ssyncset.done $0x0  }
0x1a1: {  	[sflag:s14] =	ssyncadd.s32 $0xFFFFC000  }
0x1a2: {  	_ =	swait.ge [sflag:s15], $0x4000  }
0x1a3: {  	[sflag:s15] =	ssyncset.done $0x0  }
0x1a4: {  	[sflag:s15] =	ssyncadd.s32 $0xFFFFC000  }
0x1a5: {  	_ =	swait.ge [sflag:s8], $0x4000  }
0x1a6: {  	[sflag:s8] =	ssyncset.done $0x0  }
0x1a7: {  	[sflag:s8] =	ssyncadd.s32 $0xFFFFC000  }
0x1a8: {  	_ =	swait.ge [sflag:s9], $0x4000  }
0x1a9: {  	[sflag:s9] =	ssyncset.done $0x0  }
0x1aa: {  	p1 =	sne.s32 s1, $0x1;
	[sflag:s9] =	ssyncadd.s32 $0xFFFFC000  }
.Ltmp2:
0x1ab: {  	[bflag:$0x0] =	sbarrier.arrive $0xFFFF;
	(pc) =	sbr.rel @p1 .LBB2_4-.Ltmp2, $4  }
0x1ac: {  	s21 =	rddreg [dreg:$0x7]  }
0x1ad: {  	[hbm:s21], [sflag:s4] =	dma.local [spmem:s5], $0xA00  }
0x1ae: {  	_ =	swait.ge [sflag:s6], $0xA00  }
0x1af: {  	s1 =	sadd.s32 $0xFFFFFFFF, s1;
	s0 =	rddreg [dreg:$0x4];
	[sflag:s6] =	ssyncset.done $0x0  }
0x1b0: {  	s22 =	simm.s32 $0x2000;
	s29 =	simm.s32 $0x4600  }
0x1b1: {  	s28 =	simm.s32 $0x4800;
	s26 =	simm.s32 $0x2200;
	s25 =	simm.s32 $0x2400  }
0x1b2: {  	s24 =	simm.s32 $0x4A00;
	s23 =	simm.s32 $0x4C00;
	s21 =	stileid.u32  }
.LBB2_6:
0x1b3: {  	[sflag:s6] =	ssyncadd.s32 @p0 $0xFFFFF600  }
0x1b4: {  	[spmem:s5], [sflag:s4] =	dma.local [hbm:s0], $0xA00  }
0x1b5: {  	_ =	swait.ge [sflag:s6], $0xA00  }
0x1b6: {  	[sflag:s6] =	ssyncset.done $0x0  }
0x1b7: {  	[sflag:s6] =	ssyncadd.s32 $0xFFFFF600  }
0x1b8: {  	[bflag:$0x0] =	sbarrier.arrive $0xFFFF  }
0x1b9: {  	s1 =	rddreg [dreg:$0x5]  }
0x1ba: {  	[tilespmem:s30], [sflag:$0x9] =	stream.linear.gather [hbm4b:s1+s30], $0x2800, $0x38;
	[tilespmem:$0x1A000] =	vst v63  }
0x1bb: {  	_ =	swait.ge [sflag:s6], $0x2800  }
0x1bc: {  	[sflag:s6] =	ssyncset.done $0x0  }
0x1bd: {  	s1 =	rddreg [dreg:$0x6];
	[sflag:s6] =	ssyncadd.s32 $0xFFFFD800  }
0x1be: {  	[tilespmem:s31], [sflag:$0x9] =	stream.linear.gather [hbm4b:s1+s30], $0x2800, $0x38;
	[tilespmem:$0x1A000] =	vst v63  }
0x1bf: {  	_ =	swait.ge [sflag:s6], $0x2800  }
0x1c0: {  	[sflag:s6] =	ssyncset.done $0x0  }
0x1c1: {  	[sflag:s6] =	ssyncadd.s32 $0xFFFFD800  }
0x1c2: {  	[tilespmem:s11], [sflag:$0x1] =	stream.indirect.gather [hbm4b:s2+s7], $0x20, s30, s7, $0xb8;
	[tilespmem:$0x1A000] =	vst v63  }
0x1c3: {  	_ = 	snop  }
0x1c4: {  	[tilespmem:s10], [sflag:$0x2] =	stream.indirect.gather [hbm4b:s2+s7], $0x20, s7, s7, $0xb8;
	[tilespmem:$0x1A000] =	vst v63  }
0x1c5: {  	_ =	swait.ge [sflag:s8], $0x4000  }
0x1c6: {  	[sflag:s8] =	ssyncset.done $0x0  }
0x1c7: {  	[sflag:s8] =	ssyncadd.s32 $0xFFFFC000  }
0x1c8: {  	[spmem:s3] =	stream.indirect.scatter.add.bf16 [tilespmem:s11], [sflag:$0x5], $0x20, s31, s7, $0xb8;
	[tilespmem:$0x1A000] =	vst v63  }
0x1c9: {  	s30 =	rddreg [dreg:$0x8]  }
0x1ca: {  	[tilespmem:s13], [sflag:$0x3] =	stream.indirect.gather [hbm4b:s2+s7], $0x20, s30, s7, $0xb8;
	[tilespmem:$0x1A000] =	vst v63  }
0x1cb: {  	_ =	swait.ge [sflag:s9], $0x4000  }
0x1cc: {  	[sflag:s9] =	ssyncset.done $0x0  }
0x1cd: {  	s31 =	rddreg [dreg:$0x9];
	[sflag:s9] =	ssyncadd.s32 $0xFFFFC000  }
0x1ce: {  	[spmem:s3] =	stream.indirect.scatter.add.bf16 [tilespmem:s10], [sflag:$0x6], $0x20, s31, s7, $0xb8;
	[tilespmem:$0x1A000] =	vst v63  }
0x1cf: {  	s1 =	rddreg [dreg:$0xa]  }
0x1d0: {  	[tilespmem:s12], [sflag:$0x4] =	stream.indirect.gather [hbm4b:s2+s7], $0x20, s1, s7, $0xb8;
	[tilespmem:$0x1A000] =	vst v63  }
0x1d1: {  	_ =	swait.ge [sflag:s19], $0x4000  }
0x1d2: {  	[sflag:s19] =	ssyncset.done $0x0  }
0x1d3: {  	s1 =	rddreg [dreg:$0xb];
	[sflag:s19] =	ssyncadd.s32 $0xFFFFC000  }
0x1d4: {  	[spmem:s3] =	stream.indirect.scatter.add.bf16 [tilespmem:s13], [sflag:$0x7], $0x20, s1, s7, $0xb8;
	[tilespmem:$0x1A000] =	vst v63  }
0x1d5: {  	_ =	swait.ge [sflag:s18], $0x4000  }
0x1d6: {  	[sflag:s18] =	ssyncset.done $0x0  }
0x1d7: {  	s30 =	rddreg [dreg:$0xc];
	[sflag:s18] =	ssyncadd.s32 $0xFFFFC000  }
0x1d8: {  	[tilespmem:s11], [sflag:$0x1] =	stream.indirect.gather [hbm4b:s2+s7], $0x20, s30, s7, $0xb8;
	[tilespmem:$0x1A000] =	vst v63  }
0x1d9: {  	_ =	swait.ge [sflag:s17], $0x4000  }
0x1da: {  	[sflag:s17] =	ssyncset.done $0x0  }
0x1db: {  	s31 =	rddreg [dreg:$0xd];
	[sflag:s17] =	ssyncadd.s32 $0xFFFFC000  }
0x1dc: {  	[spmem:s3] =	stream.indirect.scatter.add.bf16 [tilespmem:s12], [sflag:$0x8], $0x20, s31, s7, $0xb8;
	[tilespmem:$0x1A000] =	vst v63  }
0x1dd: {  	_ =	swait.ge [sflag:s16], $0x4000  }
0x1de: {  	[sflag:s16] =	ssyncset.done $0x0  }
0x1df: {  	s1 =	rddreg [dreg:$0xe];
	[sflag:s16] =	ssyncadd.s32 $0xFFFFC000  }
0x1e0: {  	[tilespmem:s10], [sflag:$0x2] =	stream.indirect.gather [hbm4b:s2+s7], $0x20, s1, s7, $0xb8;
	[tilespmem:$0x1A000] =	vst v63  }
0x1e1: {  	_ =	swait.ge [sflag:s8], $0x4000  }
0x1e2: {  	[sflag:s8] =	ssyncset.done $0x0  }
0x1e3: {  	s30 =	rddreg [dreg:$0xf];
	[sflag:s8] =	ssyncadd.s32 $0xFFFFC000  }
0x1e4: {  	[spmem:s3] =	stream.indirect.scatter.add.bf16 [tilespmem:s11], [sflag:$0x5], $0x20, s30, s7, $0xb8;
	[tilespmem:$0x1A000] =	vst v63  }
0x1e5: {  	_ =	swait.ge [sflag:s14], $0x4000  }
0x1e6: {  	[sflag:s14] =	ssyncset.done $0x0  }
0x1e7: {  	s31 =	rddreg [dreg:$0x10];
	[sflag:s14] =	ssyncadd.s32 $0xFFFFC000  }
0x1e8: {  	[tilespmem:s13], [sflag:$0x3] =	stream.indirect.gather [hbm4b:s2+s7], $0x20, s31, s7, $0xb8;
	[tilespmem:$0x1A000] =	vst v63  }
0x1e9: {  	_ =	swait.ge [sflag:s9], $0x4000  }
0x1ea: {  	[sflag:s9] =	ssyncset.done $0x0  }
0x1eb: {  	s1 =	rddreg [dreg:$0x11];
	[sflag:s9] =	ssyncadd.s32 $0xFFFFC000  }
0x1ec: {  	[spmem:s3] =	stream.indirect.scatter.add.bf16 [tilespmem:s10], [sflag:$0x6], $0x20, s1, s7, $0xb8;
	[tilespmem:$0x1A000] =	vst v63  }
0x1ed: {  	_ =	swait.ge [sflag:s15], $0x4000  }
0x1ee: {  	[sflag:s15] =	ssyncset.done $0x0  }
0x1ef: {  	s30 =	rddreg [dreg:$0x12];
	[sflag:s15] =	ssyncadd.s32 $0xFFFFC000  }
0x1f0: {  	[tilespmem:s12], [sflag:$0x4] =	stream.indirect.gather [hbm4b:s2+s7], $0x20, s30, s7, $0xb8;
	[tilespmem:$0x1A000] =	vst v63  }
0x1f1: {  	_ =	swait.ge [sflag:s19], $0x4000  }
0x1f2: {  	[sflag:s19] =	ssyncset.done $0x0  }
0x1f3: {  	s31 =	rddreg [dreg:$0x13];
	[sflag:s19] =	ssyncadd.s32 $0xFFFFC000  }
0x1f4: {  	[spmem:s3] =	stream.indirect.scatter.add.bf16 [tilespmem:s13], [sflag:$0x7], $0x20, s31, s7, $0xb8;
	[tilespmem:$0x1A000] =	vst v63  }
0x1f5: {  	_ =	swait.ge [sflag:s18], $0x4000  }
0x1f6: {  	[sflag:s18] =	ssyncset.done $0x0  }
0x1f7: {  	s1 =	rddreg [dreg:$0x14];
	[sflag:s18] =	ssyncadd.s32 $0xFFFFC000  }
0x1f8: {  	[tilespmem:s11], [sflag:$0x1] =	stream.indirect.gather [hbm4b:s2+s7], $0x20, s1, s7, $0xb8;
	[tilespmem:$0x1A000] =	vst v63  }
0x1f9: {  	_ =	swait.ge [sflag:s17], $0x4000  }
0x1fa: {  	[sflag:s17] =	ssyncset.done $0x0  }
0x1fb: {  	s30 =	rddreg [dreg:$0x15];
	[sflag:s17] =	ssyncadd.s32 $0xFFFFC000  }
0x1fc: {  	[spmem:s3] =	stream.indirect.scatter.add.bf16 [tilespmem:s12], [sflag:$0x8], $0x20, s30, s7, $0xb8;
	[tilespmem:$0x1A000] =	vst v63  }
0x1fd: {  	_ =	swait.ge [sflag:s16], $0x4000  }
0x1fe: {  	[sflag:s16] =	ssyncset.done $0x0  }
0x1ff: {  	s31 =	rddreg [dreg:$0x16];
	[sflag:s16] =	ssyncadd.s32 $0xFFFFC000  }
0x200: {  	[tilespmem:s10], [sflag:$0x2] =	stream.indirect.gather [hbm4b:s2+s7], $0x20, s31, s7, $0xb8;
	[tilespmem:$0x1A000] =	vst v63  }
0x201: {  	_ =	swait.ge [sflag:s8], $0x4000  }
0x202: {  	[sflag:s8] =	ssyncset.done $0x0  }
0x203: {  	s1 =	rddreg [dreg:$0x17];
	[sflag:s8] =	ssyncadd.s32 $0xFFFFC000  }
0x204: {  	[spmem:s3] =	stream.indirect.scatter.add.bf16 [tilespmem:s11], [sflag:$0x5], $0x20, s1, s7, $0xb8;
	[tilespmem:$0x1A000] =	vst v63  }
0x205: {  	_ =	swait.ge [sflag:s14], $0x4000  }
0x206: {  	[sflag:s14] =	ssyncset.done $0x0  }
0x207: {  	s30 =	rddreg [dreg:$0x18];
	[sflag:s14] =	ssyncadd.s32 $0xFFFFC000  }
0x208: {  	[tilespmem:s13], [sflag:$0x3] =	stream.indirect.gather [hbm4b:s2+s7], $0x20, s30, s7, $0xb8;
	[tilespmem:$0x1A000] =	vst v63  }
0x209: {  	_ =	swait.ge [sflag:s9], $0x4000  }
0x20a: {  	[sflag:s9] =	ssyncset.done $0x0  }
0x20b: {  	s31 =	rddreg [dreg:$0x19];
	[sflag:s9] =	ssyncadd.s32 $0xFFFFC000  }
0x20c: {  	[spmem:s3] =	stream.indirect.scatter.add.bf16 [tilespmem:s10], [sflag:$0x6], $0x20, s31, s7, $0xb8;
	[tilespmem:$0x1A000] =	vst v63  }
0x20d: {  	_ =	swait.ge [sflag:s15], $0x4000  }
0x20e: {  	[sflag:s15] =	ssyncset.done $0x0  }
0x20f: {  	s1 =	rddreg [dreg:$0x1a];
	[sflag:s15] =	ssyncadd.s32 $0xFFFFC000  }
0x210: {  	[tilespmem:s12], [sflag:$0x4] =	stream.indirect.gather [hbm4b:s2+s7], $0x20, s1, s7, $0xb8;
	[tilespmem:$0x1A000] =	vst v63  }
0x211: {  	_ =	swait.ge [sflag:s19], $0x4000  }
0x212: {  	[sflag:s19] =	ssyncset.done $0x0  }
0x213: {  	s30 =	rddreg [dreg:$0x1b];
	[sflag:s19] =	ssyncadd.s32 $0xFFFFC000  }
0x214: {  	[spmem:s3] =	stream.indirect.scatter.add.bf16 [tilespmem:s13], [sflag:$0x7], $0x20, s30, s7, $0xb8;
	[tilespmem:$0x1A000] =	vst v63  }
0x215: {  	_ =	swait.ge [sflag:s18], $0x4000  }
0x216: {  	[sflag:s18] =	ssyncset.done $0x0  }
0x217: {  	s31 =	rddreg [dreg:$0x1c];
	[sflag:s18] =	ssyncadd.s32 $0xFFFFC000  }
0x218: {  	[tilespmem:s11], [sflag:$0x1] =	stream.indirect.gather [hbm4b:s2+s7], $0x20, s31, s7, $0xb8;
	[tilespmem:$0x1A000] =	vst v63  }
0x219: {  	_ =	swait.ge [sflag:s17], $0x4000  }
0x21a: {  	[sflag:s17] =	ssyncset.done $0x0  }
0x21b: {  	s1 =	rddreg [dreg:$0x1d];
	[sflag:s17] =	ssyncadd.s32 $0xFFFFC000  }
0x21c: {  	[spmem:s3] =	stream.indirect.scatter.add.bf16 [tilespmem:s12], [sflag:$0x8], $0x20, s1, s7, $0xb8;
	[tilespmem:$0x1A000] =	vst v63  }
0x21d: {  	_ =	swait.ge [sflag:s16], $0x4000  }
0x21e: {  	[sflag:s16] =	ssyncset.done $0x0  }
0x21f: {  	s30 =	rddreg [dreg:$0x1e];
	[sflag:s16] =	ssyncadd.s32 $0xFFFFC000  }
0x220: {  	[tilespmem:s10], [sflag:$0x2] =	stream.indirect.gather [hbm4b:s2+s7], $0x20, s30, s7, $0xb8;
	[tilespmem:$0x1A000] =	vst v63  }
0x221: {  	_ =	swait.ge [sflag:s8], $0x4000  }
0x222: {  	[sflag:s8] =	ssyncset.done $0x0  }
0x223: {  	s31 =	rddreg [dreg:$0x1f];
	[sflag:s8] =	ssyncadd.s32 $0xFFFFC000  }
0x224: {  	[spmem:s3] =	stream.indirect.scatter.add.bf16 [tilespmem:s11], [sflag:$0x5], $0x20, s31, s7, $0xb8;
	[tilespmem:$0x1A000] =	vst v63  }
0x225: {  	_ =	swait.ge [sflag:s14], $0x4000  }
0x226: {  	s1 =	sld [smem:$0x7FA]  }
0x227: {  	[sflag:s14] =	ssyncset.done $0x0  }
0x228: {  	[sflag:s14] =	ssyncadd.s32 $0xFFFFC000  }
0x229: {  	[tilespmem:s13], [sflag:$0x3] =	stream.indirect.gather [hbm4b:s2+s7], $0x20, s1, s7, $0xb8;
	[tilespmem:$0x1A000] =	vst v63  }
0x22a: {  	_ =	swait.ge [sflag:s9], $0x4000  }
0x22b: {  	s30 =	sld [smem:$0x7FB]  }
0x22c: {  	[sflag:s9] =	ssyncset.done $0x0  }
0x22d: {  	[sflag:s9] =	ssyncadd.s32 $0xFFFFC000  }
0x22e: {  	[spmem:s3] =	stream.indirect.scatter.add.bf16 [tilespmem:s10], [sflag:$0x6], $0x20, s30, s7, $0xb8;
	[tilespmem:$0x1A000] =	vst v63  }
0x22f: {  	_ =	swait.ge [sflag:s15], $0x4000  }
0x230: {  	s31 =	sld [smem:$0x7FC]  }
0x231: {  	[sflag:s15] =	ssyncset.done $0x0  }
0x232: {  	[sflag:s15] =	ssyncadd.s32 $0xFFFFC000  }
0x233: {  	[tilespmem:s12], [sflag:$0x4] =	stream.indirect.gather [hbm4b:s2+s7], $0x20, s31, s7, $0xb8;
	[tilespmem:$0x1A000] =	vst v63  }
0x234: {  	_ =	swait.ge [sflag:s19], $0x4000  }
0x235: {  	s1 =	sld [smem:$0x7FD]  }
0x236: {  	[sflag:s19] =	ssyncset.done $0x0  }
0x237: {  	[sflag:s19] =	ssyncadd.s32 $0xFFFFC000  }
0x238: {  	[spmem:s3] =	stream.indirect.scatter.add.bf16 [tilespmem:s13], [sflag:$0x7], $0x20, s1, s7, $0xb8;
	[tilespmem:$0x1A000] =	vst v63  }
0x239: {  	_ =	swait.ge [sflag:s18], $0x4000  }
0x23a: {  	[sflag:s18] =	ssyncset.done $0x0  }
0x23b: {  	[sflag:s18] =	ssyncadd.s32 $0xFFFFC000  }
0x23c: {  	[tilespmem:s11], [sflag:$0x1] =	stream.indirect.gather [hbm4b:s2+s7], $0x20, s22, s7, $0xb8;
	[tilespmem:$0x1A000] =	vst v63  }
0x23d: {  	_ =	swait.ge [sflag:s17], $0x4000  }
0x23e: {  	[sflag:s17] =	ssyncset.done $0x0  }
0x23f: {  	[sflag:s17] =	ssyncadd.s32 $0xFFFFC000  }
0x240: {  	[spmem:s3] =	stream.indirect.scatter.add.bf16 [tilespmem:s12], [sflag:$0x8], $0x20, s29, s7, $0xb8;
	[tilespmem:$0x1A000] =	vst v63  }
0x241: {  	_ =	swait.ge [sflag:s16], $0x4000  }
0x242: {  	[sflag:s16] =	ssyncset.done $0x0  }
0x243: {  	[sflag:s16] =	ssyncadd.s32 $0xFFFFC000  }
0x244: {  	[tilespmem:s10], [sflag:$0x2] =	stream.indirect.gather [hbm4b:s2+s7], $0x20, s26, s7, $0xb8;
	[tilespmem:$0x1A000] =	vst v63  }
0x245: {  	_ =	swait.ge [sflag:s8], $0x4000  }
0x246: {  	[sflag:s8] =	ssyncset.done $0x0  }
0x247: {  	[sflag:s8] =	ssyncadd.s32 $0xFFFFC000  }
0x248: {  	[spmem:s3] =	stream.indirect.scatter.add.bf16 [tilespmem:s11], [sflag:$0x5], $0x20, s28, s7, $0xb8;
	[tilespmem:$0x1A000] =	vst v63  }
0x249: {  	_ =	swait.ge [sflag:s14], $0x4000  }
0x24a: {  	[sflag:s14] =	ssyncset.done $0x0  }
0x24b: {  	[sflag:s14] =	ssyncadd.s32 $0xFFFFC000  }
0x24c: {  	[tilespmem:s13], [sflag:$0x3] =	stream.indirect.gather [hbm4b:s2+s7], $0x20, s25, s7, $0xb8;
	[tilespmem:$0x1A000] =	vst v63  }
0x24d: {  	_ =	swait.ge [sflag:s9], $0x4000  }
0x24e: {  	[sflag:s9] =	ssyncset.done $0x0  }
0x24f: {  	[sflag:s9] =	ssyncadd.s32 $0xFFFFC000  }
0x250: {  	[spmem:s3] =	stream.indirect.scatter.add.bf16 [tilespmem:s10], [sflag:$0x6], $0x20, s24, s7, $0xb8;
	[tilespmem:$0x1A000] =	vst v63  }
0x251: {  	_ =	swait.ge [sflag:s15], $0x4000  }
0x252: {  	[sflag:s15] =	ssyncset.done $0x0  }
0x253: {  	[sflag:s15] =	ssyncadd.s32 $0xFFFFC000  }
0x254: {  	[tilespmem:s12], [sflag:$0x4] =	stream.indirect.gather [hbm4b:s2+s7], $0x20, s20, s7, $0xb8;
	[tilespmem:$0x1A000] =	vst v63  }
0x255: {  	_ =	swait.ge [sflag:s19], $0x4000  }
0x256: {  	[sflag:s19] =	ssyncset.done $0x0  }
0x257: {  	[sflag:s19] =	ssyncadd.s32 $0xFFFFC000  }
0x258: {  	[spmem:s3] =	stream.indirect.scatter.add.bf16 [tilespmem:s13], [sflag:$0x7], $0x20, s23, s7, $0xb8;
	[tilespmem:$0x1A000] =	vst v63  }
0x259: {  	_ =	swait.ge [sflag:s18], $0x4000  }
0x25a: {  	[sflag:s18] =	ssyncset.done $0x0  }
0x25b: {  	[sflag:s18] =	ssyncadd.s32 $0xFFFFC000  }
0x25c: {  	[tilespmem:s11], [sflag:$0x1] =	stream.indirect.gather [hbm4b:s2+s7], $0x20, s20, s7, $0xb8;
	[tilespmem:$0x1A000] =	vst v63  }
0x25d: {  	_ =	swait.ge [sflag:s17], $0x4000  }
0x25e: {  	[sflag:s17] =	ssyncset.done $0x0  }
0x25f: {  	s30 =	simm.s32 $0x4E00;
	[sflag:s17] =	ssyncadd.s32 $0xFFFFC000  }
0x260: {  	[spmem:s3] =	stream.indirect.scatter.add.bf16 [tilespmem:s12], [sflag:$0x8], $0x20, s30, s7, $0xb8;
	[tilespmem:$0x1A000] =	vst v63  }
0x261: {  	_ =	swait.ge [sflag:s16], $0x4000  }
0x262: {  	[sflag:s16] =	ssyncset.done $0x0  }
0x263: {  	[sflag:s16] =	ssyncadd.s32 $0xFFFFC000  }
0x264: {  	[tilespmem:s10], [sflag:$0x2] =	stream.indirect.gather [hbm4b:s2+s7], $0x20, s20, s7, $0xb8;
	[tilespmem:$0x1A000] =	vst v63  }
0x265: {  	_ =	swait.ge [sflag:s14], $0x4000  }
0x266: {  	[sflag:s14] =	ssyncset.done $0x0  }
0x267: {  	[sflag:s14] =	ssyncadd.s32 $0xFFFFC000  }
0x268: {  	_ =	swait.ge [sflag:s15], $0x4000  }
0x269: {  	[sflag:s15] =	ssyncset.done $0x0  }
0x26a: {  	[sflag:s15] =	ssyncadd.s32 $0xFFFFC000  }
0x26b: {  	_ =	swait.ge [sflag:s8], $0x4000  }
0x26c: {  	[sflag:s8] =	ssyncset.done $0x0  }
0x26d: {  	[sflag:s8] =	ssyncadd.s32 $0xFFFFC000  }
0x26e: {  	_ =	swait.ge [sflag:s9], $0x4000  }
0x26f: {  	[sflag:s9] =	ssyncset.done $0x0  }
0x270: {  	[sflag:s9] =	ssyncadd.s32 $0xFFFFC000  }
0x271: {  	[bflag:$0x0] =	sbarrier.arrive $0xFFFF  }
0x272: {  	s31 =	rddreg [dreg:$0x7]  }
0x273: {  	[hbm:s31], [sflag:s4] =	dma.local [spmem:s5], $0xA00  }
0x274: {  	_ =	swait.ge [sflag:s6], $0xA00  }
0x275: {  	[sflag:s6] =	ssyncset.done $0x0  }
0x276: {  	[sflag:s6] =	ssyncadd.s32 $0xFFFFF600  }
0x277: {  	_ =	sfence.sel $0x180000  }
0x278: {  	[bflag:$0x0] =	sbarrier.arrive $0xFFFF  }
0x279: {  	_ =	strace $0x9000004D  }
0x27a: {  	[bflag:$0x2] =	sbarrier.arrive $0xFFFF  }
0x27b: {  	p0 =	sne.s32 s21, $0x0;
	s0 =	rddreg [dreg:$0x3]  }
0x27c: {  	s0 =	sadd.s32 @!p0 $0x100000, s0  }
0x27d: {  	[sflag:s0] =	ssyncadd.tile.s32 @!p0 $0x1;
	_ =	shalt  }
.LBB2_1:
.Ltmp3:
0x27e: {  	(pc) =	sbr.rel .LBB2_6-.Ltmp3, $4  }
0x27f: {  	_ = 	snop  }
0x280: {  	s22 =	simm.s32 $0x2000  }
0x281: {  	s29 =	simm.s32 $0x4600;
	s28 =	simm.s32 $0x4800;
	s26 =	simm.s32 $0x2200  }
0x282: {  	s25 =	simm.s32 $0x2400;
	s24 =	simm.s32 $0x4A00;
	s23 =	simm.s32 $0x4C00  }
.LBB2_3:
.Ltmp4:
0x283: {  	(pc) =	sbr.rel .LBB2_6-.Ltmp4, $4  }
0x284: {  	_ = 	snop  }
0x285: {  	s22 =	simm.s32 $0x2000;
	s29 =	simm.s32 $0x4600  }
0x286: {  	s28 =	simm.s32 $0x4800;
	s26 =	simm.s32 $0x2200;
	s25 =	simm.s32 $0x2400  }
0x287: {  	s24 =	simm.s32 $0x4A00;
	s23 =	simm.s32 $0x4C00;
	s21 =	stileid.u32  }
.Lfunc_end2:
_tile_overlayer_lowered:
.L_overlay_start_2:
0x288: {  	(tag) =	ssettag $0x2  }
0x289: {  	s0 =	rddreg [dreg:$0x0];
	s2 =	stileid.u32  }
0x28a: {  	s1 =	rddreg [dreg:$0x1];
	p0 =	sne.s32 s2, $0x0  }
0x28b: {  	s3 =	rddreg [dreg:$0x2];
	[bflag:$0x3] =	sbarrier.arrive $0xFFFF;
	s2 =	simm.s32 @!p0 $0x1C09  }
0x28c: {  	[timem:s3], [sflag:s2] =	dma.local @!p0 [hbm:s0], s1  }
0x28d: {  	s0 =	simm.s32 @!p0 $0x9  }
0x28e: {  	_ =	swait.ge @!p0 [sflag:s0], s1  }
0x28f: {  	s1 =	ssub.s32 @!p0 $0x0, s1;
	[sflag:s0] =	ssyncset.done @!p0 $0x0  }
0x290: {  	[sflag:s0] =	ssyncadd.s32 @!p0 s1  }
0x291: {  	[bflag:$0x3] =	sbarrier.arrive $0xFFFF  }
0x292: {  	_ =	shalt  }

// kernel: _run.8.cloned.1.call-start
scs
__scs_entry_jumppad:
0x0: {  	(pc) =	sbr.rel $0x88, $3  }
0x1: {  	(tag) =	ssettag $0x0;
	lr =	simm.s32 $0x1  }
0x2: {  	[smem:$0x3F9B] =	sst lr;
	_ =	strace $0xD0000000  }
0x3: {  	_ = 	snop  }
0x4: {  	_ = 	snop  }
0x5: {  	_ = 	snop  }
0x6: {  	_ = 	snop  }
0x7: {  	_ = 	snop  }
__scs_overlays_trampoline_lowered:
0x8: {  	[smem:$0x3FAA] =	sst s0  }
0x9: {  	[smem:$0x3FAB] =	sst s1  }
0xa: {  	[smem:$0x3FAC] =	sst s2  }
0xb: {  	[smem:$0x3FAD] =	sst s3  }
0xc: {  	[smem:$0x3FAE] =	sst s4  }
0xd: {  	[smem:$0x3FAF] =	sst s5  }
0xe: {  	[smem:$0x3FB0] =	sst s6  }
0xf: {  	[smem:$0x3FB1] =	sst s7  }
0x10: {  	[smem:$0x3FB2] =	sst s8  }
0x11: {  	[smem:$0x3FB3] =	sst s9;
	s0 =	simm.s32 @!p0 $0x0  }
0x12: {  	s1 =	sld [smem:$0x3F99];
	s0 =	simm.s32 @p0 $0x1  }
0x13: {  	[smem:$0x3FB4] =	sst s0;
	s0 =	simm.s32 @!p1 $0x0  }
0x14: {  	s2 =	sld [smem:$0x3F98];
	s0 =	simm.s32 @p1 $0x1  }
0x15: {  	[smem:$0x3FB5] =	sst s0;
	s0 =	simm.s32 @!p2 $0x0  }
0x16: {  	s3 =	sld [smem:$0x3FDB];
	s0 =	simm.s32 @p2 $0x1  }
0x17: {  	s4 =	simm.s32 $0x1BF5;
	[smem:$0x3FB7] =	sst s0  }
0x18: {  	s0 =	sld [smem:$0x3F9A];
	_ =	swait.ge [sflag:s4], $0x0  }
0x19: {  	s7 =	sld [smem:$0x3F9B]  }
0x1a: {  	s8 =	sadd.s32 $0xFFFFE003, lr  }
0x1b: {  	s9 =	sadd.s32 $0xFFFFFEF7, lr;
	s5 =	simm.s32 $0xFFFFFFFF;
	p2 =	slt.u32 s8, $0xFFFFF086  }
0x1c: {  	p1 =	slt.u32 s9, $0xF7A;
	s5 =	simm.s32 @!p2 $0x0  }
0x1d: {  	s5 =	simm.s32 @p1 $0x1;
	p0 =	seq.s32 s7, s2  }
0x1e: {  	s7 =	smul.u32 @!p0 $0xF7A, s2;
	p2 =	seq.s32 @!p0 s5, $0x0  }
0x1f: {  	s9 =	smul.u32 $0xF7A, s1;
	s8 =	simm.s32 @!p0 $0x1BF5;
	p2 =	por !p2, p0  }
0x20: {  	[sflag:s8] =	ssyncset.s32 @!p0 $0xFFFFF086;
	s6 =	sadd.s32 @!p0 s3, s7;
	s7 =	simm.s32 @!p0 $0x108  }
0x21: {  	s3 =	sadd.s32 s3, s9;
	s6 =	sadd.s32 @!p0 $0x88, s6;
	s7 =	simm.s32 @p2 $0x1082  }
0x22: {  	[simem:s7], [sflag:s8] =	dma.local @!p0 [hbm:s6], $0xF7A  }
0x23: {  	s9 =	sor.u32 $0xD0000000, s2;
	s6 =	simm.s32 $0x108;
	_ =	swait.ge @!p0 [sflag:s8], $0x0  }
0x24: {  	s3 =	sadd.s32 $0x88, s3;
	s6 =	simm.s32 @!p1 $0x1082;
	[sflag:s4] =	ssyncset.s32 $0xFFFFF086  }
0x25: {  	[simem:s6], [sflag:s4] =	dma.local [hbm:s3], $0xF7A  }
0x26: {  	[smem:$0x3F9B] =	sst s1;
	(tag) =	ssettag s2;
	_ =	strace s9  }
0x27: {  	s1 =	sld [smem:$0x3FAB]  }
0x28: {  	s2 =	sld [smem:$0x3FAC]  }
0x29: {  	s4 =	sld [smem:$0x3FAE]  }
0x2a: {  	p0 =	seq.s32 s5, $0x0;
	s5 =	sld [smem:$0x3FAF]  }
0x2b: {  	s6 =	sld [smem:$0x3FB0]  }
0x2c: {  	s7 =	sld [smem:$0x3FB1]  }
0x2d: {  	s3 =	simm.s32 $0x108;
	s8 =	sld [smem:$0x3FB2]  }
0x2e: {  	s3 =	simm.s32 @!p0 $0x1082;
	s9 =	sld [smem:$0x3FB3]  }
0x2f: {  	lr =	sadd.s32 s0, s3;
	s0 =	sld [smem:$0x3FAA]  }
0x30: {  	s3 =	sld [smem:$0x3FAD]  }
0x31: {  	[smem:$0x3FB6] =	sst s10  }
0x32: {  	s10 =	sld [smem:$0x3FB4];
	_ =	sdelay $0x3  }
0x33: {  	p0 =	seq.s32 s10, $0x1;
	s10 =	sld [smem:$0x3FB6];
	_ =	sdelay $0x3  }
0x34: {  	[smem:$0x3FB6] =	sst s10  }
0x35: {  	s10 =	sld [smem:$0x3FB5];
	_ =	sdelay $0x3  }
0x36: {  	p1 =	seq.s32 s10, $0x1;
	s10 =	sld [smem:$0x3FB6];
	_ =	sdelay $0x3  }
0x37: {  	[smem:$0x3FB6] =	sst s10  }
0x38: {  	s10 =	sld [smem:$0x3FB7]  }
0x39: {  	_ = 	snop;
	(pc) =	sbr.ind lr, $3  }
0x3a: {  	_ = 	snop  }
0x3b: {  	_ = 	snop  }
0x3c: {  	p2 =	seq.s32 s10, $0x1;
	s10 =	sld [smem:$0x3FB6]  }
0x3d: {  	_ =	shalt  }
0x3e: {  	_ =	shalt  }
0x3f: {  	_ =	shalt  }
0x40: {  	_ =	shalt  }
0x41: {  	_ =	shalt  }
0x42: {  	_ =	shalt  }
0x43: {  	_ =	shalt  }
0x44: {  	_ =	shalt  }
0x45: {  	_ =	shalt  }
0x46: {  	_ =	shalt  }
0x47: {  	_ =	shalt  }
0x48: {  	_ =	shalt  }
0x49: {  	_ =	shalt  }
0x4a: {  	_ =	shalt  }
0x4b: {  	_ =	shalt  }
0x4c: {  	_ =	shalt  }
0x4d: {  	_ =	shalt  }
0x4e: {  	_ =	shalt  }
0x4f: {  	_ =	shalt  }
0x50: {  	_ =	shalt  }
0x51: {  	_ =	shalt  }
0x52: {  	_ =	shalt  }
0x53: {  	_ =	shalt  }
0x54: {  	_ =	shalt  }
0x55: {  	_ =	shalt  }
0x56: {  	_ =	shalt  }
0x57: {  	_ =	shalt  }
0x58: {  	_ =	shalt  }
0x59: {  	_ =	shalt  }
0x5a: {  	_ =	shalt  }
0x5b: {  	_ =	shalt  }
0x5c: {  	_ =	shalt  }
0x5d: {  	_ =	shalt  }
0x5e: {  	_ =	shalt  }
0x5f: {  	_ =	shalt  }
0x60: {  	_ =	shalt  }
0x61: {  	_ =	shalt  }
0x62: {  	_ =	shalt  }
0x63: {  	_ =	shalt  }
0x64: {  	_ =	shalt  }
0x65: {  	_ =	shalt  }
0x66: {  	_ =	shalt  }
0x67: {  	_ =	shalt  }
0x68: {  	_ =	shalt  }
0x69: {  	_ =	shalt  }
0x6a: {  	_ =	shalt  }
0x6b: {  	_ =	shalt  }
0x6c: {  	_ =	shalt  }
0x6d: {  	_ =	shalt  }
0x6e: {  	_ =	shalt  }
0x6f: {  	_ =	shalt  }
0x70: {  	_ =	shalt  }
0x71: {  	_ =	shalt  }
0x72: {  	_ =	shalt  }
0x73: {  	_ =	shalt  }
0x74: {  	_ =	shalt  }
0x75: {  	_ =	shalt  }
0x76: {  	_ =	shalt  }
0x77: {  	_ =	shalt  }
0x78: {  	_ =	shalt  }
0x79: {  	_ =	shalt  }
0x7a: {  	_ =	shalt  }
0x7b: {  	_ =	shalt  }
0x7c: {  	_ =	shalt  }
0x7d: {  	_ =	shalt  }
0x7e: {  	_ =	shalt  }
0x7f: {  	_ =	shalt  }
0x80: {  	_ =	shalt  }
0x81: {  	_ =	shalt  }
0x82: {  	_ =	shalt  }
0x83: {  	_ =	shalt  }
0x84: {  	_ =	shalt  }
0x85: {  	_ =	shalt  }
0x86: {  	_ =	shalt  }
0x87: {  	_ =	shalt  }
.Lfunc_end0:
.L_simem_size_0:
called_computation_lowered:
.L_overlay_start_0:
0x88: {  	s2 =	sld [smem:$0x3FD9]  }
0x89: {  	s3 =	sld [smem:$0x3FFE];
	_ =	sdelay $0x1  }
0x8a: {  	s1 =	srdreg.scid  }
0x8b: {  	s0 =	sand.u32 $0x1, s1  }
0x8c: {  	s17 =	sshll.u32 s0, $0xA;
	s2 =	sadd.s32 s3, s2  }
0x8d: {  	s2 =	sadd.s32 s2, s17  }
0x8e: {  	[smem:$0x3FC2] =	sst s2  }
0x8f: {  	_ = 	snop  }
0x90: {  	s2 =	sld [smem:$0x3FD0];
	(tm) =	ssettm $0x1  }
0x91: {  	s18 =	sld [smem:$0x3FFB];
	_ =	sdelay $0x3  }
0x92: {  	_ =	strace s18  }
0x93: {  	s3 =	sld [smem:$0x3FFC];
	_ =	sdelay $0x3  }
0x94: {  	_ =	strace s3  }
0x95: {  	s3 =	sld [smem:$0x3FFD];
	_ =	sdelay $0x3  }
0x96: {  	_ =	strace s3  }
0x97: {  	_ =	strace $0x8FFFFFFF  }
0x98: {  	s19 =	sld [smem:$0x3FDB];
	_ =	sdelay $0x1  }
0x99: {  	s4 =	simm.s32 $_scs_section_size  }
0x9a: {  	s5 =	simm.s32 $_size__tile_overlayer_lowered;
	s6 =	simm.s32 $_tile_overlayer_lowered  }
0x9b: {  	s22 =	simm.s32 $0x1BFF;
	s21 =	sshll.u32 s6, $0x1;
	s3 =	sadd.s32 s4, s19  }
0x9c: {  	s7 =	simm.s32 $0x0;
	s20 =	sshll.u32 s5, $0x1;
	s5 =	sadd.s32 s21, s3  }
0x9d: {  	[timem:s7], [sflag:s22] =	dma.local [hbm:s5], s20  }
0x9e: {  	_ =	swait.ge [sflag:s22], s20  }
0x9f: {  	s4 =	ssub.s32 $0x0, s20;
	[sflag:s22] =	ssyncset.done $0x0  }
0xa0: {  	[sflag:s22] =	ssyncadd.s32 s4;
	_ =	sdelay $0x1  }
0xa1: {  	s23 =	simm.s32 $0x1B8B  }
0xa2: {  	_ =	swait.ge [sflag:s23], $0x1  }
0xa3: {  	[sflag:s23] =	ssyncset.done $0x0  }
0xa4: {  	s25 =	simm.s32 $0x1B8E;
	s24 =	sld [smem:$0x3FFE];
	[sflag:s23] =	ssyncadd.s32 $0xFFFFFFFF  }
0xa5: {  	s26 =	simm.s32 $execute0_lowered;
	[smem:$0x3FD2] =	sst s25  }
0xa6: {  	s5 =	sshll.u32 s26, $0x1;
	_ =	strace $0x80000046;
	[dreg:$0x1] =	wrdreg $0xFFFFFFFF  }
0xa7: {  	s28 =	simm.s32 $_size_execute0_lowered;
	s3 =	sadd.s32 s3, s5;
	[dreg:$0x0] =	wrdreg $0x0  }
0xa8: {  	s5 =	sshll.u32 s28, $0x1;
	[dreg:$0x2] =	wrdreg s3  }
0xa9: {  	[dreg:$0x3] =	wrdreg s5  }
0xaa: {  	[dreg:$0x4] =	wrdreg $0xC0  }
0xab: {  	_ =	task [dreg:s7], $0x5FFFF  }
0xac: {  	[dreg:$0x1] =	wrdreg $0xFFFFFFFF  }
0xad: {  	[dreg:$0x0] =	wrdreg $0x60  }
0xae: {  	[dreg:$0x2] =	wrdreg s2  }
0xaf: {  	[dreg:$0x3] =	wrdreg s24  }
0xb0: {  	[dreg:$0x4] =	wrdreg $0x60000  }
0xb1: {  	[dreg:$0x5] =	wrdreg $0x9  }
0xb2: {  	_ =	task.clear_ibuf [dreg:s7], $0x6FFFF;
	_ =	strace $0x90000046  }
0xb3: {  	s29 =	simm.s32 $0x9;
	_ =	strace $0x80000048  }
0xb4: {  	_ =	swait.ge [sflag:s29], $0x1  }
0xb5: {  	[sflag:s29] =	ssyncadd.s32 $0xFFFFFFFF  }
0xb6: {  	_ =	strace $0x90000048  }
0xb7: {  	_ =	sfence  }
0xb8: {  	s30 =	sld [smem:$0x0];
	_ =	sdelay $0x2  }
0xb9: {  	s31 =	sshll.u32 s1, $0xD;
	s1 =	sshrl.u32 s1, $0x2  }
0xba: {  	s3 =	sand.u32 $0x4000, s31;
	s1 =	sadd.s32 s1, s30  }
0xbb: {  	s0 =	sor.u32 s3, s0;
	s1 =	sshll.u32 s1, $0x11  }
0xbc: {  	s0 =	sor.u32 s1, s0  }
0xbd: {  	s0 =	sadd.s32 $0x8F2B, s0  }
0xbe: {  	[sflag:s0] =	ssyncadd.remote.s32 $0x1  }
0xbf: {  	_ =	sfence.sel $0xFFFF  }
0xc0: {  	[dreg:$0x0] =	wrdreg $0xFFFFFFFF;
	(pc) =	sbr.abs _section_cstart, $3  }
0xc1: {  	[dreg:$0x1] =	wrdreg $0xFFFFFFFF  }
0xc2: {  	_ =	task.clear_ibuf [dreg:s7], $0x2FFFF;
	_ =	strace $0x9FFFFFFF  }
0xc3: {  	(tm) =	ssettm $0x7FFFFFFF  }
tec
execute0_lowered:
.L_overlay_start_1:
0x0: {  	(tag) =	ssettag $0x1  }
0x1: {  	s0 =	rddreg [dreg:$0x0]  }
0x2: {  	s1 =	rddreg [dreg:$0x1]  }
0x3: {  	s2 =	rddreg [dreg:$0x2]  }
0x4: {  	s24 =	rddreg [dreg:$0x3];
	s10 =	simm.s32 $0x0  }
0x5: {  	s3 =	srdreg.scid;
	s25 =	stileid.u32;
	s28 =	simm.s32 $0x3E00  }
0x6: {  	s15 =	simm.s32 $0x4000;
	s16 =	simm.s32 $0x4200;
	s17 =	simm.s32 $0x4400  }
0x7: {  	p1 =	por $0x0, $0x0;
	[smem:$0x7FF] =	sst s10;
	s3 =	sand.u32 $0x1, s3  }
0x8: {  	s4 =	smul.u32 $0x1400, s25;
	s5 =	sshll.u32 s25, $0x1;
	s6 =	sadd.s32 $0x2400, s1  }
0x9: {  	s18 =	sadd.s32 $0x2C00, s1;
	_ =	strace $0x80000047;
	[dreg:$0x4] =	wrdreg s6  }
0xa: {  	s19 =	sadd.s32 $0x2E00, s1;
	s23 =	sadd.s32 $0x9B00, s0;
	[dreg:$0x5] =	wrdreg s18  }
0xb: {  	s30 =	sadd.s32 $0x27C0, s1;
	s11 =	sshll.u32 s25, $0x6;
	[dreg:$0x6] =	wrdreg s19  }
0xc: {  	s7 =	smul.u32 $0x14000, s3;
	s5 =	sor.u32 s3, s5;
	[dreg:$0x8] =	wrdreg s23  }
0xd: {  	s3 =	ssub.s32 $0x2, s3;
	[dreg:$0xa] =	wrdreg s30;
	s23 =	simm.s32 $0x2E00  }
0xe: {  	s30 =	simm.s32 $0x3400;
	s19 =	simm.s32 $0x3800;
	s8 =	smul.u32 $0x2800, s5  }
0xf: {  	s18 =	simm.s32 $0x4600;
	s9 =	smul.u32 $0x500, s5;
	s26 =	sshrl.u32 s3, $0x1  }
0x10: {  	s31 =	sadd.s32 s4, s2;
	p0 =	seq.s32 s5, $0x1F;
	[dreg:$0x10] =	wrdreg s23  }
0x11: {  	s5 =	simm.s32 $0x2;
	s23 =	simm.s32 $0x2800;
	[dreg:$0x13] =	wrdreg s30  }
0x12: {  	s7 =	sadd.s32 s4, s7;
	s29 =	ssub.s32 s3, s26;
	s3 =	sor.u32 $0x1C02, s11  }
0x13: {  	s4 =	sshrl.u32 s31, $0x3;
	s26 =	simm.s32 $0x3000;
	s31 =	simm.s32 $0x3600  }
0x14: {  	s8 =	sshrl.u32 s8, $0x3;
	s20 =	sshrl.u32 s7, $0x3;
	s21 =	sadd.s32 s9, s1  }
0x15: {  	s14 =	smax.u32 s29, $0x1;
	[dreg:$0x11] =	wrdreg s26;
	s29 =	simm.s32 $0x3200  }
0x16: {  	s7 =	simm.s32 $0x5000;
	[dreg:$0x14] =	wrdreg s31;
	s22 =	sadd.s32 s0, s8  }
0x17: {  	s6 =	sadd.s32 s20, s1;
	s0 =	sadd.s32 $0x13740, s0;
	[dreg:$0x12] =	wrdreg s29  }
0x18: {  	s9 =	sadd.s32 $0x8200, s21;
	s12 =	sadd.s32 $0x12200, s21;
	[dreg:$0x9] =	wrdreg s0  }
0x19: {  	s20 =	simm.s32 $0x2A00;
	s11 =	sadd.s32 $0xFFFFFFFF, s14;
	[dreg:$0xb] =	wrdreg s9  }
0x1a: {  	s21 =	simm.s32 $0x2C00;
	[dreg:$0xc] =	wrdreg s12;
	p2 =	sne.s32 s11, $0x0  }
.Ltmp0:
0x1b: {  	s14 =	simm.s32 $0x4E00;
	[dreg:$0xe] =	wrdreg s20;
	(pc) =	sbr.rel @!p2 .LBB2_1-.Ltmp0, $4  }
0x1c: {  	s8 =	sadd.s32 $0x9C40, s22;
	s13 =	sadd.s32 $0x3200, s6;
	[dreg:$0xf] =	wrdreg s21  }
0x1d: {  	s6 =	simm.s32 $0x1;
	s20 =	simm.s32 $0x3A00;
	s9 =	rddreg [dreg:$0x6]  }
0x1e: {  	s21 =	simm.s32 $0x3C00;
	s12 =	simm.s32 $0x4A00;
	[dreg:$0x7] =	wrdreg s8  }
0x1f: {  	[dreg:$0xd] =	wrdreg s13;
	s8 =	simm.s32 $0x200;
	s13 =	simm.s32 $0x4C00  }
0x20: {  	[spmem:s4], [sflag:s3] =	dma.local [hbm:s9], $0x280  }
0x21: {  	_ =	swait.ge [sflag:s5], $0x280  }
0x22: {  	[sflag:s5] =	ssyncset.done $0x0  }
0x23: {  	[sflag:s5] =	ssyncadd.s32 $0xFFFFFD80  }
0x24: {  	[bflag:$0x0] =	sbarrier.arrive $0xFFFF  }
0x25: {  	s24 =	simm.s32 @p0 $0x0;
	s25 =	simm.s32 @p0 $0x2;
	s0 =	rddreg [dreg:$0x8]  }
0x26: {  	[tilespmem:s24], [sflag:$0x2] =	stream.linear.gather @p0 [hbm4b:s0+s24], $0xA00, $0x38;
	[tilespmem:$0x7400] =	vst v63  }
0x27: {  	_ =	swait.ge @p0 [sflag:s25], $0xA00  }
0x28: {  	[sflag:s25] =	ssyncset.done @p0 $0x0  }
0x29: {  	s1 =	simm.s32 @p0 $0x2800;
	s0 =	rddreg [dreg:$0x9];
	[sflag:s25] =	ssyncadd.s32 @p0 $0xFFFFF600  }
0x2a: {  	[tilespmem:s1], [sflag:$0x2] =	stream.linear.gather @p0 [hbm4b:s0+s24], $0xA00, $0x38;
	[tilespmem:$0x7400] =	vst v63  }
0x2b: {  	_ =	swait.ge @p0 [sflag:s25], $0xA00  }
0x2c: {  	[sflag:s25] =	ssyncset.done @p0 $0x0  }
0x2d: {  	s28 =	simm.s32 @p0 $0xA00;
	s0 =	rddreg [dreg:$0x4];
	[sflag:s25] =	ssyncadd.s32 @p0 $0xFFFFF600  }
0x2e: {  	[tilespmem:s28], [sflag:$0x2] =	stream.linear.gather @p0 [hbm4b:s0+s24], $0x1E00, $0x38;
	[tilespmem:$0x7400] =	vst v63  }
0x2f: {  	_ =	swait.ge @p0 [sflag:s25], $0x1E00  }
0x30: {  	[sflag:s25] =	ssyncset.done @p0 $0x0  }
0x31: {  	s29 =	simm.s32 @p0 $0x3200;
	s0 =	rddreg [dreg:$0xa];
	[sflag:s25] =	ssyncadd.s32 @p0 $0xFFFFE200  }
0x32: {  	[tilespmem:s29], [sflag:$0x2] =	stream.linear.gather @p0 [hbm4b:s0+s24], $0x1E00, $0x38;
	[tilespmem:$0x7400] =	vst v63  }
0x33: {  	_ =	swait.ge @p0 [sflag:s25], $0x1E00  }
0x34: {  	[sflag:s25] =	ssyncset.done @p0 $0x0  }
0x35: {  	s30 =	simm.s32 @!p0 $0x0;
	s31 =	simm.s32 @!p0 $0x2;
	[sflag:s25] =	ssyncadd.s32 @p0 $0xFFFFE200  }
0x36: {  	[tilespmem:s30], [sflag:$0x2] =	stream.linear.gather @!p0 [hbm4b:s22+s30], $0x2800, $0x38;
	[tilespmem:$0x7400] =	vst v63  }
0x37: {  	_ =	swait.ge @!p0 [sflag:s31], $0x2800  }
0x38: {  	[sflag:s31] =	ssyncset.done @!p0 $0x0  }
0x39: {  	s0 =	simm.s32 @!p0 $0x2800;
	s9 =	rddreg [dreg:$0x7];
	[sflag:s31] =	ssyncadd.s32 @!p0 $0xFFFFD800  }
0x3a: {  	[tilespmem:s0], [sflag:$0x2] =	stream.linear.gather @!p0 [hbm4b:s9+s30], $0x2800, $0x38;
	[tilespmem:$0x7400] =	vst v63  }
0x3b: {  	_ =	swait.ge @!p0 [sflag:s31], $0x2800  }
0x3c: {  	[sflag:s31] =	ssyncset.done @!p0 $0x0  }
0x3d: {  	s1 =	rddreg [dreg:$0xb];
	[sflag:s31] =	ssyncadd.s32 @!p0 $0xFFFFD800  }
0x3e: {  	[hbm4b:s1+s10] =	stream.linear.scatter [tilespmem:s10], [sflag:$0x2], $0x2800, $0x38;
	[tilespmem:$0x7400] =	vst v63  }
0x3f: {  	_ =	swait.ge [sflag:s5], $0x2800  }
0x40: {  	[sflag:s5] =	ssyncset.done $0x0  }
0x41: {  	s1 =	rddreg [dreg:$0xc];
	[sflag:s5] =	ssyncadd.s32 $0xFFFFD800  }
0x42: {  	[hbm4b:s1+s10] =	stream.linear.scatter [tilespmem:s23], [sflag:$0x2], $0x2800, $0x38;
	[tilespmem:$0x7400] =	vst v63  }
0x43: {  	_ =	swait.ge [sflag:s5], $0x2800  }
0x44: {  	[sflag:s5] =	ssyncset.done $0x0  }
0x45: {  	s1 =	rddreg [dreg:$0x5];
	[sflag:s5] =	ssyncadd.s32 $0xFFFFD800  }
0x46: {  	[tilespmem:s7], [sflag:$0x2] =	stream.linear.gather [hbm4b:s1+s10], $0x1000, $0x38;
	[tilespmem:$0x7400] =	vst v63  }
0x47: {  	_ =	swait.ge [sflag:s5], $0x1000  }
0x48: {  	[sflag:s5] =	ssyncset.done $0x0  }
0x49: {  	[sflag:s5] =	ssyncadd.s32 $0xFFFFF000  }
0x4a: {  	[spmem:s2] =	stream.indirect.scatter.add.f32 [tilespmem:s7], [sflag:$0x1], $0x8, s23, s8, $0xb8;
	[tilespmem:$0x7400] =	vst v63  }
0x4b: {  	s9 =	rddreg [dreg:$0xe]  }
0x4c: {  	[spmem:s2] =	stream.indirect.scatter.add.f32 [tilespmem:s7], [sflag:$0x1], $0x8, s9, s8, $0xb8;
	[tilespmem:$0x7400] =	vst v63  }
0x4d: {  	s1 =	rddreg [dreg:$0xf]  }
0x4e: {  	[spmem:s2] =	stream.indirect.scatter.add.f32 [tilespmem:s7], [sflag:$0x1], $0x8, s1, s8, $0xb8;
	[tilespmem:$0x7400] =	vst v63  }
0x4f: {  	s9 =	rddreg [dreg:$0x10]  }
0x50: {  	[spmem:s2] =	stream.indirect.scatter.add.f32 [tilespmem:s7], [sflag:$0x1], $0x8, s9, s8, $0xb8;
	[tilespmem:$0x7400] =	vst v63  }
0x51: {  	_ =	swait.ge [sflag:s6], $0x1000  }
0x52: {  	[sflag:s6] =	ssyncset.done $0x0  }
0x53: {  	[sflag:s6] =	ssyncadd.s32 $0xFFFFF000  }
0x54: {  	_ =	swait.ge [sflag:s6], $0x1000  }
0x55: {  	[sflag:s6] =	ssyncset.done $0x0  }
0x56: {  	[sflag:s6] =	ssyncadd.s32 $0xFFFFF000  }
0x57: {  	_ =	swait.ge [sflag:s6], $0x1000  }
0x58: {  	[sflag:s6] =	ssyncset.done $0x0  }
0x59: {  	[sflag:s6] =	ssyncadd.s32 $0xFFFFF000  }
0x5a: {  	_ =	swait.ge [sflag:s6], $0x1000  }
0x5b: {  	[sflag:s6] =	ssyncset.done $0x0  }
0x5c: {  	s1 =	rddreg [dreg:$0x11];
	[sflag:s6] =	ssyncadd.s32 $0xFFFFF000  }
0x5d: {  	[spmem:s2] =	stream.indirect.scatter.add.f32 [tilespmem:s7], [sflag:$0x1], $0x8, s1, s8, $0xb8;
	[tilespmem:$0x7400] =	vst v63  }
0x5e: {  	s9 =	rddreg [dreg:$0x12]  }
0x5f: {  	[spmem:s2] =	stream.indirect.scatter.add.f32 [tilespmem:s7], [sflag:$0x1], $0x8, s9, s8, $0xb8;
	[tilespmem:$0x7400] =	vst v63  }
0x60: {  	s1 =	rddreg [dreg:$0x13]  }
0x61: {  	[spmem:s2] =	stream.indirect.scatter.add.f32 [tilespmem:s7], [sflag:$0x1], $0x8, s1, s8, $0xb8;
	[tilespmem:$0x7400] =	vst v63  }
0x62: {  	s9 =	rddreg [dreg:$0x14]  }
0x63: {  	[spmem:s2] =	stream.indirect.scatter.add.f32 [tilespmem:s7], [sflag:$0x1], $0x8, s9, s8, $0xb8;
	[tilespmem:$0x7400] =	vst v63  }
0x64: {  	_ =	swait.ge [sflag:s6], $0x1000  }
0x65: {  	[sflag:s6] =	ssyncset.done $0x0  }
0x66: {  	[sflag:s6] =	ssyncadd.s32 $0xFFFFF000  }
0x67: {  	_ =	swait.ge [sflag:s6], $0x1000  }
0x68: {  	[sflag:s6] =	ssyncset.done $0x0  }
0x69: {  	[sflag:s6] =	ssyncadd.s32 $0xFFFFF000  }
0x6a: {  	_ =	swait.ge [sflag:s6], $0x1000  }
0x6b: {  	[sflag:s6] =	ssyncset.done $0x0  }
0x6c: {  	[sflag:s6] =	ssyncadd.s32 $0xFFFFF000  }
0x6d: {  	_ =	swait.ge [sflag:s6], $0x1000  }
0x6e: {  	[sflag:s6] =	ssyncset.done $0x0  }
0x6f: {  	s19 =	simm.s32 $0x3800;
	[sflag:s6] =	ssyncadd.s32 $0xFFFFF000  }
0x70: {  	[spmem:s2] =	stream.indirect.scatter.add.f32 [tilespmem:s7], [sflag:$0x1], $0x8, s19, s8, $0xb8;
	[tilespmem:$0x7400] =	vst v63  }
0x71: {  	s20 =	simm.s32 $0x3A00  }
0x72: {  	[spmem:s2] =	stream.indirect.scatter.add.f32 [tilespmem:s7], [sflag:$0x1], $0x8, s20, s8, $0xb8;
	[tilespmem:$0x7400] =	vst v63  }
0x73: {  	s21 =	simm.s32 $0x3C00  }
0x74: {  	[spmem:s2] =	stream.indirect.scatter.add.f32 [tilespmem:s7], [sflag:$0x1], $0x8, s21, s8, $0xb8;
	[tilespmem:$0x7400] =	vst v63  }
0x75: {  	s26 =	simm.s32 $0x3E00  }
0x76: {  	[spmem:s2] =	stream.indirect.scatter.add.f32 [tilespmem:s7], [sflag:$0x1], $0x8, s26, s8, $0xb8;
	[tilespmem:$0x7400] =	vst v63  }
0x77: {  	_ =	swait.ge [sflag:s6], $0x1000  }
0x78: {  	[sflag:s6] =	ssyncset.done $0x0  }
0x79: {  	[sflag:s6] =	ssyncadd.s32 $0xFFFFF000  }
0x7a: {  	_ =	swait.ge [sflag:s6], $0x1000  }
0x7b: {  	[sflag:s6] =	ssyncset.done $0x0  }
0x7c: {  	[sflag:s6] =	ssyncadd.s32 $0xFFFFF000  }
0x7d: {  	_ =	swait.ge [sflag:s6], $0x1000  }
0x7e: {  	[sflag:s6] =	ssyncset.done $0x0  }
0x7f: {  	[sflag:s6] =	ssyncadd.s32 $0xFFFFF000  }
0x80: {  	_ =	swait.ge [sflag:s6], $0x1000  }
0x81: {  	[sflag:s6] =	ssyncset.done $0x0  }
0x82: {  	s15 =	simm.s32 $0x4000;
	[sflag:s6] =	ssyncadd.s32 $0xFFFFF000  }
0x83: {  	[spmem:s2] =	stream.indirect.scatter.add.f32 [tilespmem:s7], [sflag:$0x1], $0x8, s15, s8, $0xb8;
	[tilespmem:$0x7400] =	vst v63  }
0x84: {  	s16 =	simm.s32 $0x4200  }
0x85: {  	[spmem:s2] =	stream.indirect.scatter.add.f32 [tilespmem:s7], [sflag:$0x1], $0x8, s16, s8, $0xb8;
	[tilespmem:$0x7400] =	vst v63  }
0x86: {  	s17 =	simm.s32 $0x4400  }
0x87: {  	[spmem:s2] =	stream.indirect.scatter.add.f32 [tilespmem:s7], [sflag:$0x1], $0x8, s17, s8, $0xb8;
	[tilespmem:$0x7400] =	vst v63  }
0x88: {  	s18 =	simm.s32 $0x4600  }
0x89: {  	[spmem:s2] =	stream.indirect.scatter.add.f32 [tilespmem:s7], [sflag:$0x1], $0x8, s18, s8, $0xb8;
	[tilespmem:$0x7400] =	vst v63  }
0x8a: {  	_ =	swait.ge [sflag:s6], $0x1000  }
0x8b: {  	[sflag:s6] =	ssyncset.done $0x0  }
0x8c: {  	[sflag:s6] =	ssyncadd.s32 $0xFFFFF000  }
0x8d: {  	_ =	swait.ge [sflag:s6], $0x1000  }
0x8e: {  	[sflag:s6] =	ssyncset.done $0x0  }
0x8f: {  	[sflag:s6] =	ssyncadd.s32 $0xFFFFF000  }
0x90: {  	_ =	swait.ge [sflag:s6], $0x1000  }
0x91: {  	[sflag:s6] =	ssyncset.done $0x0  }
0x92: {  	[sflag:s6] =	ssyncadd.s32 $0xFFFFF000  }
0x93: {  	_ =	swait.ge [sflag:s6], $0x1000  }
0x94: {  	[sflag:s6] =	ssyncset.done $0x0  }
0x95: {  	s9 =	simm.s32 $0x4800;
	[sflag:s6] =	ssyncadd.s32 $0xFFFFF000  }
0x96: {  	[spmem:s2] =	stream.indirect.scatter.add.f32 [tilespmem:s7], [sflag:$0x1], $0x8, s9, s8, $0xb8;
	[tilespmem:$0x7400] =	vst v63  }
0x97: {  	s12 =	simm.s32 $0x4A00  }
0x98: {  	[spmem:s2] =	stream.indirect.scatter.add.f32 [tilespmem:s7], [sflag:$0x1], $0x8, s12, s8, $0xb8;
	[tilespmem:$0x7400] =	vst v63  }
0x99: {  	s13 =	simm.s32 $0x4C00  }
0x9a: {  	[spmem:s2] =	stream.indirect.scatter.add.f32 [tilespmem:s7], [sflag:$0x1], $0x8, s13, s8, $0xb8;
	[tilespmem:$0x7400] =	vst v63  }
0x9b: {  	s14 =	simm.s32 $0x4E00  }
0x9c: {  	[spmem:s2] =	stream.indirect.scatter.add.f32 [tilespmem:s7], [sflag:$0x1], $0x8, s14, s8, $0xb8;
	[tilespmem:$0x7400] =	vst v63  }
0x9d: {  	_ =	swait.ge [sflag:s6], $0x1000  }
0x9e: {  	[sflag:s6] =	ssyncset.done $0x0  }
0x9f: {  	[sflag:s6] =	ssyncadd.s32 $0xFFFFF000  }
0xa0: {  	_ =	swait.ge [sflag:s6], $0x1000  }
0xa1: {  	[sflag:s6] =	ssyncset.done $0x0  }
0xa2: {  	[sflag:s6] =	ssyncadd.s32 $0xFFFFF000  }
0xa3: {  	_ =	swait.ge [sflag:s6], $0x1000  }
0xa4: {  	[sflag:s6] =	ssyncset.done $0x0  }
0xa5: {  	[sflag:s6] =	ssyncadd.s32 $0xFFFFF000  }
0xa6: {  	_ =	swait.ge [sflag:s6], $0x1000  }
0xa7: {  	s1 =	sadd.s32 $0xFFFFFFFF, s11;
	[sflag:s6] =	ssyncset.done $0x0  }
0xa8: {  	p2 =	sne.s32 s1, $0x0;
	[sflag:s6] =	ssyncadd.s32 $0xFFFFF000  }
.Ltmp1:
0xa9: {  	[bflag:$0x0] =	sbarrier.arrive $0xFFFF;
	(pc) =	sbr.rel @!p2 .LBB2_3-.Ltmp1, $4  }
0xaa: {  	s9 =	rddreg [dreg:$0xd]  }
0xab: {  	[hbm:s9], [sflag:s3] =	dma.local [spmem:s4], $0x280  }
0xac: {  	_ =	swait.ge [sflag:s5], $0x280  }
0xad: {  	p1 =	por $0x1, $0x1;
	s9 =	rddreg [dreg:$0x6];
	[sflag:s5] =	ssyncset.done $0x0  }
.LBB2_4:
0xae: {  	[sflag:s5] =	ssyncadd.s32 $0xFFFFFD80  }
0xaf: {  	[spmem:s4], [sflag:s3] =	dma.local [hbm:s9], $0x280  }
0xb0: {  	_ =	swait.ge [sflag:s5], $0x280  }
0xb1: {  	[sflag:s5] =	ssyncset.done $0x0  }
0xb2: {  	[sflag:s5] =	ssyncadd.s32 $0xFFFFFD80  }
0xb3: {  	[bflag:$0x0] =	sbarrier.arrive $0xFFFF  }
0xb4: {  	s9 =	rddreg [dreg:$0x8]  }
0xb5: {  	[tilespmem:s24], [sflag:$0x2] =	stream.linear.gather @p0 [hbm4b:s9+s24], $0xA00, $0x38;
	[tilespmem:$0x7400] =	vst v63  }
0xb6: {  	_ =	swait.ge @p0 [sflag:s25], $0xA00  }
0xb7: {  	[sflag:s25] =	ssyncset.done @p0 $0x0  }
0xb8: {  	s11 =	simm.s32 @p0 $0x2800;
	s9 =	rddreg [dreg:$0x9];
	[sflag:s25] =	ssyncadd.s32 @p0 $0xFFFFF600  }
0xb9: {  	[tilespmem:s11], [sflag:$0x2] =	stream.linear.gather @p0 [hbm4b:s9+s24], $0xA00, $0x38;
	[tilespmem:$0x7400] =	vst v63  }
0xba: {  	_ =	swait.ge @p0 [sflag:s25], $0xA00  }
0xbb: {  	[sflag:s25] =	ssyncset.done @p0 $0x0  }
0xbc: {  	s9 =	rddreg [dreg:$0x4];
	[sflag:s25] =	ssyncadd.s32 @p0 $0xFFFFF600  }
0xbd: {  	[tilespmem:s28], [sflag:$0x2] =	stream.linear.gather @p0 [hbm4b:s9+s24], $0x1E00, $0x38;
	[tilespmem:$0x7400] =	vst v63  }
0xbe: {  	_ =	swait.ge @p0 [sflag:s25], $0x1E00  }
0xbf: {  	[sflag:s25] =	ssyncset.done @p0 $0x0  }
0xc0: {  	s9 =	rddreg [dreg:$0xa];
	[sflag:s25] =	ssyncadd.s32 @p0 $0xFFFFE200  }
0xc1: {  	[tilespmem:s29], [sflag:$0x2] =	stream.linear.gather @p0 [hbm4b:s9+s24], $0x1E00, $0x38;
	[tilespmem:$0x7400] =	vst v63  }
0xc2: {  	_ =	swait.ge @p0 [sflag:s25], $0x1E00  }
0xc3: {  	[sflag:s25] =	ssyncset.done @p0 $0x0  }
0xc4: {  	[sflag:s25] =	ssyncadd.s32 @p0 $0xFFFFE200  }
0xc5: {  	[tilespmem:s30], [sflag:$0x2] =	stream.linear.gather @!p0 [hbm4b:s22+s30], $0x2800, $0x38;
	[tilespmem:$0x7400] =	vst v63  }
0xc6: {  	_ =	swait.ge @!p0 [sflag:s31], $0x2800  }
0xc7: {  	[sflag:s31] =	ssyncset.done @!p0 $0x0  }
0xc8: {  	s9 =	rddreg [dreg:$0x7];
	[sflag:s31] =	ssyncadd.s32 @!p0 $0xFFFFD800  }
0xc9: {  	[tilespmem:s0], [sflag:$0x2] =	stream.linear.gather @!p0 [hbm4b:s9+s30], $0x2800, $0x38;
	[tilespmem:$0x7400] =	vst v63  }
0xca: {  	_ =	swait.ge @!p0 [sflag:s31], $0x2800  }
0xcb: {  	[sflag:s31] =	ssyncset.done @!p0 $0x0  }
0xcc: {  	s11 =	rddreg [dreg:$0xb];
	[sflag:s31] =	ssyncadd.s32 @!p0 $0xFFFFD800  }
0xcd: {  	[hbm4b:s11+s10] =	stream.linear.scatter [tilespmem:s10], [sflag:$0x2], $0x2800, $0x38;
	[tilespmem:$0x7400] =	vst v63  }
0xce: {  	_ =	swait.ge [sflag:s5], $0x2800  }
0xcf: {  	[sflag:s5] =	ssyncset.done $0x0  }
0xd0: {  	s11 =	rddreg [dreg:$0xc];
	[sflag:s5] =	ssyncadd.s32 $0xFFFFD800  }
0xd1: {  	[hbm4b:s11+s10] =	stream.linear.scatter [tilespmem:s23], [sflag:$0x2], $0x2800, $0x38;
	[tilespmem:$0x7400] =	vst v63  }
0xd2: {  	_ =	swait.ge [sflag:s5], $0x2800  }
0xd3: {  	[sflag:s5] =	ssyncset.done $0x0  }
0xd4: {  	s11 =	rddreg [dreg:$0x5];
	[sflag:s5] =	ssyncadd.s32 $0xFFFFD800  }
0xd5: {  	[tilespmem:s7], [sflag:$0x2] =	stream.linear.gather [hbm4b:s11+s10], $0x1000, $0x38;
	[tilespmem:$0x7400] =	vst v63  }
0xd6: {  	_ =	swait.ge [sflag:s5], $0x1000  }
0xd7: {  	[sflag:s5] =	ssyncset.done $0x0  }
0xd8: {  	[sflag:s5] =	ssyncadd.s32 $0xFFFFF000  }
0xd9: {  	[spmem:s2] =	stream.indirect.scatter.add.f32 [tilespmem:s7], [sflag:$0x1], $0x8, s23, s8, $0xb8;
	[tilespmem:$0x7400] =	vst v63  }
0xda: {  	s9 =	rddreg [dreg:$0xe]  }
0xdb: {  	[spmem:s2] =	stream.indirect.scatter.add.f32 [tilespmem:s7], [sflag:$0x1], $0x8, s9, s8, $0xb8;
	[tilespmem:$0x7400] =	vst v63  }
0xdc: {  	s11 =	rddreg [dreg:$0xf]  }
0xdd: {  	[spmem:s2] =	stream.indirect.scatter.add.f32 [tilespmem:s7], [sflag:$0x1], $0x8, s11, s8, $0xb8;
	[tilespmem:$0x7400] =	vst v63  }
0xde: {  	s9 =	rddreg [dreg:$0x10]  }
0xdf: {  	[spmem:s2] =	stream.indirect.scatter.add.f32 [tilespmem:s7], [sflag:$0x1], $0x8, s9, s8, $0xb8;
	[tilespmem:$0x7400] =	vst v63  }
0xe0: {  	_ =	swait.ge [sflag:s6], $0x1000  }
0xe1: {  	[sflag:s6] =	ssyncset.done $0x0  }
0xe2: {  	[sflag:s6] =	ssyncadd.s32 $0xFFFFF000  }
0xe3: {  	_ =	swait.ge [sflag:s6], $0x1000  }
0xe4: {  	[sflag:s6] =	ssyncset.done $0x0  }
0xe5: {  	[sflag:s6] =	ssyncadd.s32 $0xFFFFF000  }
0xe6: {  	_ =	swait.ge [sflag:s6], $0x1000  }
0xe7: {  	[sflag:s6] =	ssyncset.done $0x0  }
0xe8: {  	[sflag:s6] =	ssyncadd.s32 $0xFFFFF000  }
0xe9: {  	_ =	swait.ge [sflag:s6], $0x1000  }
0xea: {  	[sflag:s6] =	ssyncset.done $0x0  }
0xeb: {  	s9 =	rddreg [dreg:$0x11];
	[sflag:s6] =	ssyncadd.s32 $0xFFFFF000  }
0xec: {  	[spmem:s2] =	stream.indirect.scatter.add.f32 [tilespmem:s7], [sflag:$0x1], $0x8, s9, s8, $0xb8;
	[tilespmem:$0x7400] =	vst v63  }
0xed: {  	s11 =	rddreg [dreg:$0x12]  }
0xee: {  	[spmem:s2] =	stream.indirect.scatter.add.f32 [tilespmem:s7], [sflag:$0x1], $0x8, s11, s8, $0xb8;
	[tilespmem:$0x7400] =	vst v63  }
0xef: {  	s9 =	rddreg [dreg:$0x13]  }
0xf0: {  	[spmem:s2] =	stream.indirect.scatter.add.f32 [tilespmem:s7], [sflag:$0x1], $0x8, s9, s8, $0xb8;
	[tilespmem:$0x7400] =	vst v63  }
0xf1: {  	s11 =	rddreg [dreg:$0x14]  }
0xf2: {  	[spmem:s2] =	stream.indirect.scatter.add.f32 [tilespmem:s7], [sflag:$0x1], $0x8, s11, s8, $0xb8;
	[tilespmem:$0x7400] =	vst v63  }
0xf3: {  	_ =	swait.ge [sflag:s6], $0x1000  }
0xf4: {  	[sflag:s6] =	ssyncset.done $0x0  }
0xf5: {  	[sflag:s6] =	ssyncadd.s32 $0xFFFFF000  }
0xf6: {  	_ =	swait.ge [sflag:s6], $0x1000  }
0xf7: {  	[sflag:s6] =	ssyncset.done $0x0  }
0xf8: {  	[sflag:s6] =	ssyncadd.s32 $0xFFFFF000  }
0xf9: {  	_ =	swait.ge [sflag:s6], $0x1000  }
0xfa: {  	[sflag:s6] =	ssyncset.done $0x0  }
0xfb: {  	[sflag:s6] =	ssyncadd.s32 $0xFFFFF000  }
0xfc: {  	_ =	swait.ge [sflag:s6], $0x1000  }
0xfd: {  	[sflag:s6] =	ssyncset.done $0x0  }
0xfe: {  	[sflag:s6] =	ssyncadd.s32 $0xFFFFF000  }
0xff: {  	[spmem:s2] =	stream.indirect.scatter.add.f32 [tilespmem:s7], [sflag:$0x1], $0x8, s19, s8, $0xb8;
	[tilespmem:$0x7400] =	vst v63  }
0x100: {  	_ = 	snop  }
0x101: {  	[spmem:s2] =	stream.indirect.scatter.add.f32 [tilespmem:s7], [sflag:$0x1], $0x8, s20, s8, $0xb8;
	[tilespmem:$0x7400] =	vst v63  }
0x102: {  	_ = 	snop  }
0x103: {  	[spmem:s2] =	stream.indirect.scatter.add.f32 [tilespmem:s7], [sflag:$0x1], $0x8, s21, s8, $0xb8;
	[tilespmem:$0x7400] =	vst v63  }
0x104: {  	_ = 	snop  }
0x105: {  	[spmem:s2] =	stream.indirect.scatter.add.f32 [tilespmem:s7], [sflag:$0x1], $0x8, s26, s8, $0xb8;
	[tilespmem:$0x7400] =	vst v63  }
0x106: {  	_ =	swait.ge [sflag:s6], $0x1000  }
0x107: {  	[sflag:s6] =	ssyncset.done $0x0  }
0x108: {  	[sflag:s6] =	ssyncadd.s32 $0xFFFFF000  }
0x109: {  	_ =	swait.ge [sflag:s6], $0x1000  }
0x10a: {  	[sflag:s6] =	ssyncset.done $0x0  }
0x10b: {  	[sflag:s6] =	ssyncadd.s32 $0xFFFFF000  }
0x10c: {  	_ =	swait.ge [sflag:s6], $0x1000  }
0x10d: {  	[sflag:s6] =	ssyncset.done $0x0  }
0x10e: {  	[sflag:s6] =	ssyncadd.s32 $0xFFFFF000  }
0x10f: {  	_ =	swait.ge [sflag:s6], $0x1000  }
0x110: {  	[sflag:s6] =	ssyncset.done $0x0  }
0x111: {  	[sflag:s6] =	ssyncadd.s32 $0xFFFFF000  }
0x112: {  	[spmem:s2] =	stream.indirect.scatter.add.f32 [tilespmem:s7], [sflag:$0x1], $0x8, s15, s8, $0xb8;
	[tilespmem:$0x7400] =	vst v63  }
0x113: {  	_ = 	snop  }
0x114: {  	[spmem:s2] =	stream.indirect.scatter.add.f32 [tilespmem:s7], [sflag:$0x1], $0x8, s16, s8, $0xb8;
	[tilespmem:$0x7400] =	vst v63  }
0x115: {  	_ = 	snop  }
0x116: {  	[spmem:s2] =	stream.indirect.scatter.add.f32 [tilespmem:s7], [sflag:$0x1], $0x8, s17, s8, $0xb8;
	[tilespmem:$0x7400] =	vst v63  }
0x117: {  	_ = 	snop  }
0x118: {  	[spmem:s2] =	stream.indirect.scatter.add.f32 [tilespmem:s7], [sflag:$0x1], $0x8, s18, s8, $0xb8;
	[tilespmem:$0x7400] =	vst v63  }
0x119: {  	_ =	swait.ge [sflag:s6], $0x1000  }
0x11a: {  	[sflag:s6] =	ssyncset.done $0x0  }
0x11b: {  	[sflag:s6] =	ssyncadd.s32 $0xFFFFF000  }
0x11c: {  	_ =	swait.ge [sflag:s6], $0x1000  }
0x11d: {  	[sflag:s6] =	ssyncset.done $0x0  }
0x11e: {  	[sflag:s6] =	ssyncadd.s32 $0xFFFFF000  }
0x11f: {  	_ =	swait.ge [sflag:s6], $0x1000  }
0x120: {  	[sflag:s6] =	ssyncset.done $0x0  }
0x121: {  	[sflag:s6] =	ssyncadd.s32 $0xFFFFF000  }
0x122: {  	_ =	swait.ge [sflag:s6], $0x1000  }
0x123: {  	[sflag:s6] =	ssyncset.done $0x0  }
0x124: {  	s11 =	simm.s32 $0x4800;
	[sflag:s6] =	ssyncadd.s32 $0xFFFFF000  }
0x125: {  	[spmem:s2] =	stream.indirect.scatter.add.f32 [tilespmem:s7], [sflag:$0x1], $0x8, s11, s8, $0xb8;
	[tilespmem:$0x7400] =	vst v63  }
0x126: {  	_ = 	snop  }
0x127: {  	[spmem:s2] =	stream.indirect.scatter.add.f32 [tilespmem:s7], [sflag:$0x1], $0x8, s12, s8, $0xb8;
	[tilespmem:$0x7400] =	vst v63  }
0x128: {  	_ = 	snop  }
0x129: {  	[spmem:s2] =	stream.indirect.scatter.add.f32 [tilespmem:s7], [sflag:$0x1], $0x8, s13, s8, $0xb8;
	[tilespmem:$0x7400] =	vst v63  }
0x12a: {  	_ = 	snop  }
0x12b: {  	[spmem:s2] =	stream.indirect.scatter.add.f32 [tilespmem:s7], [sflag:$0x1], $0x8, s14, s8, $0xb8;
	[tilespmem:$0x7400] =	vst v63  }
0x12c: {  	_ =	swait.ge [sflag:s6], $0x1000  }
0x12d: {  	[sflag:s6] =	ssyncset.done $0x0  }
0x12e: {  	[sflag:s6] =	ssyncadd.s32 $0xFFFFF000  }
0x12f: {  	_ =	swait.ge [sflag:s6], $0x1000  }
0x130: {  	[sflag:s6] =	ssyncset.done $0x0  }
0x131: {  	[sflag:s6] =	ssyncadd.s32 $0xFFFFF000  }
0x132: {  	_ =	swait.ge [sflag:s6], $0x1000  }
0x133: {  	[sflag:s6] =	ssyncset.done $0x0  }
0x134: {  	[sflag:s6] =	ssyncadd.s32 $0xFFFFF000  }
0x135: {  	_ =	swait.ge [sflag:s6], $0x1000  }
0x136: {  	s1 =	sadd.s32 $0xFFFFFFFF, s1;
	[sflag:s6] =	ssyncset.done $0x0  }
0x137: {  	p2 =	sne.s32 s1, $0x0;
	[sflag:s6] =	ssyncadd.s32 $0xFFFFF000  }
.Ltmp2:
0x138: {  	[bflag:$0x0] =	sbarrier.arrive $0xFFFF;
	(pc) =	sbr.rel @p2 .LBB2_4-.Ltmp2, $4  }
0x139: {  	s11 =	rddreg [dreg:$0xd]  }
0x13a: {  	[hbm:s11], [sflag:s3] =	dma.local [spmem:s4], $0x280  }
0x13b: {  	_ =	swait.ge [sflag:s5], $0x280  }
0x13c: {  	s9 =	rddreg [dreg:$0x6];
	[sflag:s5] =	ssyncset.done $0x0  }
0x13d: {  	s26 =	simm.s32 $0x4800;
	s24 =	rddreg [dreg:$0x3]  }
0x13e: {  	s25 =	stileid.u32;
	s12 =	simm.s32 $0x4A00;
	s13 =	simm.s32 $0x4C00  }
0x13f: {  	s14 =	simm.s32 $0x4E00;
	s15 =	simm.s32 $0x4000;
	s16 =	simm.s32 $0x4200  }
0x140: {  	s17 =	simm.s32 $0x4400;
	s18 =	simm.s32 $0x4600;
	s19 =	simm.s32 $0x3800  }
0x141: {  	s20 =	simm.s32 $0x3A00;
	s21 =	simm.s32 $0x3C00;
	s28 =	simm.s32 $0x3E00  }
.LBB2_6:
0x142: {  	[sflag:s5] =	ssyncadd.s32 @p1 $0xFFFFFD80  }
0x143: {  	[spmem:s4], [sflag:s3] =	dma.local [hbm:s9], $0x280  }
0x144: {  	_ =	swait.ge [sflag:s5], $0x280  }
0x145: {  	[sflag:s5] =	ssyncset.done $0x0  }
0x146: {  	[sflag:s5] =	ssyncadd.s32 $0xFFFFFD80  }
0x147: {  	[bflag:$0x0] =	sbarrier.arrive $0xFFFF  }
0x148: {  	s1 =	simm.s32 @p0 $0x0;
	s0 =	rddreg [dreg:$0x8]  }
0x149: {  	[tilespmem:s1], [sflag:$0x2] =	stream.linear.gather @p0 [hbm4b:s0+s1], $0xA00, $0x38;
	[tilespmem:$0x7400] =	vst v63  }
0x14a: {  	s0 =	simm.s32 @p0 $0x2  }
0x14b: {  	_ =	swait.ge @p0 [sflag:s0], $0xA00  }
0x14c: {  	[sflag:s0] =	ssyncset.done @p0 $0x0  }
0x14d: {  	s11 =	simm.s32 @p0 $0x2800;
	s9 =	rddreg [dreg:$0x9];
	[sflag:s0] =	ssyncadd.s32 @p0 $0xFFFFF600  }
0x14e: {  	[tilespmem:s11], [sflag:$0x2] =	stream.linear.gather @p0 [hbm4b:s9+s1], $0xA00, $0x38;
	[tilespmem:$0x7400] =	vst v63  }
0x14f: {  	_ =	swait.ge @p0 [sflag:s0], $0xA00  }
0x150: {  	[sflag:s0] =	ssyncset.done @p0 $0x0  }
0x151: {  	s11 =	simm.s32 @p0 $0xA00;
	s9 =	rddreg [dreg:$0x4];
	[sflag:s0] =	ssyncadd.s32 @p0 $0xFFFFF600  }
0x152: {  	[tilespmem:s11], [sflag:$0x2] =	stream.linear.gather @p0 [hbm4b:s9+s1], $0x1E00, $0x38;
	[tilespmem:$0x7400] =	vst v63  }
0x153: {  	_ =	swait.ge @p0 [sflag:s0], $0x1E00  }
0x154: {  	[sflag:s0] =	ssyncset.done @p0 $0x0  }
0x155: {  	s11 =	simm.s32 @p0 $0x3200;
	s9 =	rddreg [dreg:$0xa];
	[sflag:s0] =	ssyncadd.s32 @p0 $0xFFFFE200  }
0x156: {  	[tilespmem:s11], [sflag:$0x2] =	stream.linear.gather @p0 [hbm4b:s9+s1], $0x1E00, $0x38;
	[tilespmem:$0x7400] =	vst v63  }
0x157: {  	_ =	swait.ge @p0 [sflag:s0], $0x1E00  }
0x158: {  	[sflag:s0] =	ssyncset.done @p0 $0x0  }
0x159: {  	s1 =	simm.s32 @!p0 $0x2;
	[sflag:s0] =	ssyncadd.s32 @p0 $0xFFFFE200;
	s0 =	simm.s32 @!p0 $0x0  }
0x15a: {  	[tilespmem:s0], [sflag:$0x2] =	stream.linear.gather @!p0 [hbm4b:s22+s0], $0x2800, $0x38;
	[tilespmem:$0x7400] =	vst v63  }
0x15b: {  	_ =	swait.ge @!p0 [sflag:s1], $0x2800  }
0x15c: {  	[sflag:s1] =	ssyncset.done @!p0 $0x0  }
0x15d: {  	s11 =	simm.s32 @!p0 $0x2800;
	s9 =	rddreg [dreg:$0x7];
	[sflag:s1] =	ssyncadd.s32 @!p0 $0xFFFFD800  }
0x15e: {  	[tilespmem:s11], [sflag:$0x2] =	stream.linear.gather @!p0 [hbm4b:s9+s0], $0x2800, $0x38;
	[tilespmem:$0x7400] =	vst v63  }
0x15f: {  	_ =	swait.ge @!p0 [sflag:s1], $0x2800  }
0x160: {  	[sflag:s1] =	ssyncset.done @!p0 $0x0  }
0x161: {  	s30 =	rddreg [dreg:$0xb];
	[sflag:s1] =	ssyncadd.s32 @!p0 $0xFFFFD800  }
0x162: {  	[hbm4b:s30+s10] =	stream.linear.scatter [tilespmem:s10], [sflag:$0x2], $0x2800, $0x38;
	[tilespmem:$0x7400] =	vst v63  }
0x163: {  	_ =	swait.ge [sflag:s5], $0x2800  }
0x164: {  	[sflag:s5] =	ssyncset.done $0x0  }
0x165: {  	s31 =	rddreg [dreg:$0xc];
	[sflag:s5] =	ssyncadd.s32 $0xFFFFD800  }
0x166: {  	[hbm4b:s31+s10] =	stream.linear.scatter [tilespmem:s23], [sflag:$0x2], $0x2800, $0x38;
	[tilespmem:$0x7400] =	vst v63  }
0x167: {  	_ =	swait.ge [sflag:s5], $0x2800  }
0x168: {  	[sflag:s5] =	ssyncset.done $0x0  }
0x169: {  	s1 =	rddreg [dreg:$0x5];
	[sflag:s5] =	ssyncadd.s32 $0xFFFFD800  }
0x16a: {  	[tilespmem:s7], [sflag:$0x2] =	stream.linear.gather [hbm4b:s1+s10], $0x1000, $0x38;
	[tilespmem:$0x7400] =	vst v63  }
0x16b: {  	_ =	swait.ge [sflag:s5], $0x1000  }
0x16c: {  	[sflag:s5] =	ssyncset.done $0x0  }
0x16d: {  	[sflag:s5] =	ssyncadd.s32 $0xFFFFF000  }
0x16e: {  	[spmem:s2] =	stream.indirect.scatter.add.f32 [tilespmem:s7], [sflag:$0x1], $0x8, s23, s8, $0xb8;
	[tilespmem:$0x7400] =	vst v63  }
0x16f: {  	s9 =	rddreg [dreg:$0xe]  }
0x170: {  	[spmem:s2] =	stream.indirect.scatter.add.f32 [tilespmem:s7], [sflag:$0x1], $0x8, s9, s8, $0xb8;
	[tilespmem:$0x7400] =	vst v63  }
0x171: {  	s10 =	rddreg [dreg:$0xf]  }
0x172: {  	[spmem:s2] =	stream.indirect.scatter.add.f32 [tilespmem:s7], [sflag:$0x1], $0x8, s10, s8, $0xb8;
	[tilespmem:$0x7400] =	vst v63  }
0x173: {  	s11 =	rddreg [dreg:$0x10]  }
0x174: {  	[spmem:s2] =	stream.indirect.scatter.add.f32 [tilespmem:s7], [sflag:$0x1], $0x8, s11, s8, $0xb8;
	[tilespmem:$0x7400] =	vst v63  }
0x175: {  	_ =	swait.ge [sflag:s6], $0x1000  }
0x176: {  	[sflag:s6] =	ssyncset.done $0x0  }
0x177: {  	[sflag:s6] =	ssyncadd.s32 $0xFFFFF000  }
0x178: {  	_ =	swait.ge [sflag:s6], $0x1000  }
0x179: {  	[sflag:s6] =	ssyncset.done $0x0  }
0x17a: {  	[sflag:s6] =	ssyncadd.s32 $0xFFFFF000  }
0x17b: {  	_ =	swait.ge [sflag:s6], $0x1000  }
0x17c: {  	[sflag:s6] =	ssyncset.done $0x0  }
0x17d: {  	[sflag:s6] =	ssyncadd.s32 $0xFFFFF000  }
0x17e: {  	_ =	swait.ge [sflag:s6], $0x1000  }
0x17f: {  	[sflag:s6] =	ssyncset.done $0x0  }
0x180: {  	s22 =	rddreg [dreg:$0x11];
	[sflag:s6] =	ssyncadd.s32 $0xFFFFF000  }
0x181: {  	[spmem:s2] =	stream.indirect.scatter.add.f32 [tilespmem:s7], [sflag:$0x1], $0x8, s22, s8, $0xb8;
	[tilespmem:$0x7400] =	vst v63  }
0x182: {  	s23 =	rddreg [dreg:$0x12]  }
0x183: {  	[spmem:s2] =	stream.indirect.scatter.add.f32 [tilespmem:s7], [sflag:$0x1], $0x8, s23, s8, $0xb8;
	[tilespmem:$0x7400] =	vst v63  }
0x184: {  	s29 =	rddreg [dreg:$0x13]  }
0x185: {  	[spmem:s2] =	stream.indirect.scatter.add.f32 [tilespmem:s7], [sflag:$0x1], $0x8, s29, s8, $0xb8;
	[tilespmem:$0x7400] =	vst v63  }
0x186: {  	s30 =	rddreg [dreg:$0x14]  }
0x187: {  	[spmem:s2] =	stream.indirect.scatter.add.f32 [tilespmem:s7], [sflag:$0x1], $0x8, s30, s8, $0xb8;
	[tilespmem:$0x7400] =	vst v63  }
0x188: {  	_ =	swait.ge [sflag:s6], $0x1000  }
0x189: {  	[sflag:s6] =	ssyncset.done $0x0  }
0x18a: {  	[sflag:s6] =	ssyncadd.s32 $0xFFFFF000  }
0x18b: {  	_ =	swait.ge [sflag:s6], $0x1000  }
0x18c: {  	[sflag:s6] =	ssyncset.done $0x0  }
0x18d: {  	[sflag:s6] =	ssyncadd.s32 $0xFFFFF000  }
0x18e: {  	_ =	swait.ge [sflag:s6], $0x1000  }
0x18f: {  	[sflag:s6] =	ssyncset.done $0x0  }
0x190: {  	[sflag:s6] =	ssyncadd.s32 $0xFFFFF000  }
0x191: {  	_ =	swait.ge [sflag:s6], $0x1000  }
0x192: {  	[sflag:s6] =	ssyncset.done $0x0  }
0x193: {  	[sflag:s6] =	ssyncadd.s32 $0xFFFFF000  }
0x194: {  	[spmem:s2] =	stream.indirect.scatter.add.f32 [tilespmem:s7], [sflag:$0x1], $0x8, s19, s8, $0xb8;
	[tilespmem:$0x7400] =	vst v63  }
0x195: {  	_ = 	snop  }
0x196: {  	[spmem:s2] =	stream.indirect.scatter.add.f32 [tilespmem:s7], [sflag:$0x1], $0x8, s20, s8, $0xb8;
	[tilespmem:$0x7400] =	vst v63  }
0x197: {  	_ = 	snop  }
0x198: {  	[spmem:s2] =	stream.indirect.scatter.add.f32 [tilespmem:s7], [sflag:$0x1], $0x8, s21, s8, $0xb8;
	[tilespmem:$0x7400] =	vst v63  }
0x199: {  	_ = 	snop  }
0x19a: {  	[spmem:s2] =	stream.indirect.scatter.add.f32 [tilespmem:s7], [sflag:$0x1], $0x8, s28, s8, $0xb8;
	[tilespmem:$0x7400] =	vst v63  }
0x19b: {  	_ =	swait.ge [sflag:s6], $0x1000  }
0x19c: {  	[sflag:s6] =	ssyncset.done $0x0  }
0x19d: {  	[sflag:s6] =	ssyncadd.s32 $0xFFFFF000  }
0x19e: {  	_ =	swait.ge [sflag:s6], $0x1000  }
0x19f: {  	[sflag:s6] =	ssyncset.done $0x0  }
0x1a0: {  	[sflag:s6] =	ssyncadd.s32 $0xFFFFF000  }
0x1a1: {  	_ =	swait.ge [sflag:s6], $0x1000  }
0x1a2: {  	[sflag:s6] =	ssyncset.done $0x0  }
0x1a3: {  	[sflag:s6] =	ssyncadd.s32 $0xFFFFF000  }
0x1a4: {  	_ =	swait.ge [sflag:s6], $0x1000  }
0x1a5: {  	[sflag:s6] =	ssyncset.done $0x0  }
0x1a6: {  	[sflag:s6] =	ssyncadd.s32 $0xFFFFF000  }
0x1a7: {  	[spmem:s2] =	stream.indirect.scatter.add.f32 [tilespmem:s7], [sflag:$0x1], $0x8, s15, s8, $0xb8;
	[tilespmem:$0x7400] =	vst v63  }
0x1a8: {  	_ = 	snop  }
0x1a9: {  	[spmem:s2] =	stream.indirect.scatter.add.f32 [tilespmem:s7], [sflag:$0x1], $0x8, s16, s8, $0xb8;
	[tilespmem:$0x7400] =	vst v63  }
0x1aa: {  	_ = 	snop  }
0x1ab: {  	[spmem:s2] =	stream.indirect.scatter.add.f32 [tilespmem:s7], [sflag:$0x1], $0x8, s17, s8, $0xb8;
	[tilespmem:$0x7400] =	vst v63  }
0x1ac: {  	_ = 	snop  }
0x1ad: {  	[spmem:s2] =	stream.indirect.scatter.add.f32 [tilespmem:s7], [sflag:$0x1], $0x8, s18, s8, $0xb8;
	[tilespmem:$0x7400] =	vst v63  }
0x1ae: {  	_ =	swait.ge [sflag:s6], $0x1000  }
0x1af: {  	[sflag:s6] =	ssyncset.done $0x0  }
0x1b0: {  	[sflag:s6] =	ssyncadd.s32 $0xFFFFF000  }
0x1b1: {  	_ =	swait.ge [sflag:s6], $0x1000  }
0x1b2: {  	[sflag:s6] =	ssyncset.done $0x0  }
0x1b3: {  	[sflag:s6] =	ssyncadd.s32 $0xFFFFF000  }
0x1b4: {  	_ =	swait.ge [sflag:s6], $0x1000  }
0x1b5: {  	[sflag:s6] =	ssyncset.done $0x0  }
0x1b6: {  	[sflag:s6] =	ssyncadd.s32 $0xFFFFF000  }
0x1b7: {  	_ =	swait.ge [sflag:s6], $0x1000  }
0x1b8: {  	[sflag:s6] =	ssyncset.done $0x0  }
0x1b9: {  	[sflag:s6] =	ssyncadd.s32 $0xFFFFF000  }
0x1ba: {  	[spmem:s2] =	stream.indirect.scatter.add.f32 [tilespmem:s7], [sflag:$0x1], $0x8, s26, s8, $0xb8;
	[tilespmem:$0x7400] =	vst v63  }
0x1bb: {  	_ = 	snop  }
0x1bc: {  	[spmem:s2] =	stream.indirect.scatter.add.f32 [tilespmem:s7], [sflag:$0x1], $0x8, s12, s8, $0xb8;
	[tilespmem:$0x7400] =	vst v63  }
0x1bd: {  	_ = 	snop  }
0x1be: {  	[spmem:s2] =	stream.indirect.scatter.add.f32 [tilespmem:s7], [sflag:$0x1], $0x8, s13, s8, $0xb8;
	[tilespmem:$0x7400] =	vst v63  }
0x1bf: {  	_ = 	snop  }
0x1c0: {  	[spmem:s2] =	stream.indirect.scatter.add.f32 [tilespmem:s7], [sflag:$0x1], $0x8, s14, s8, $0xb8;
	[tilespmem:$0x7400] =	vst v63  }
0x1c1: {  	_ =	swait.ge [sflag:s6], $0x1000  }
0x1c2: {  	[sflag:s6] =	ssyncset.done $0x0  }
0x1c3: {  	[sflag:s6] =	ssyncadd.s32 $0xFFFFF000  }
0x1c4: {  	_ =	swait.ge [sflag:s6], $0x1000  }
0x1c5: {  	[sflag:s6] =	ssyncset.done $0x0  }
0x1c6: {  	[sflag:s6] =	ssyncadd.s32 $0xFFFFF000  }
0x1c7: {  	_ =	swait.ge [sflag:s6], $0x1000  }
0x1c8: {  	[sflag:s6] =	ssyncset.done $0x0  }
0x1c9: {  	[sflag:s6] =	ssyncadd.s32 $0xFFFFF000  }
0x1ca: {  	_ =	swait.ge [sflag:s6], $0x1000  }
0x1cb: {  	[sflag:s6] =	ssyncset.done $0x0  }
0x1cc: {  	[sflag:s6] =	ssyncadd.s32 $0xFFFFF000  }
0x1cd: {  	[bflag:$0x0] =	sbarrier.arrive $0xFFFF  }
0x1ce: {  	s31 =	rddreg [dreg:$0xd]  }
0x1cf: {  	[hbm:s31], [sflag:s3] =	dma.local [spmem:s4], $0x280  }
0x1d0: {  	_ =	swait.ge [sflag:s5], $0x280  }
0x1d1: {  	[sflag:s5] =	ssyncset.done $0x0  }
0x1d2: {  	[sflag:s5] =	ssyncadd.s32 $0xFFFFFD80  }
0x1d3: {  	_ =	sfence.sel $0x180000  }
0x1d4: {  	[bflag:$0x0] =	sbarrier.arrive $0xFFFF  }
0x1d5: {  	p0 =	sne.s32 s25, $0x0;
	_ =	strace $0x90000047  }
0x1d6: {  	s0 =	sadd.s32 @!p0 $0x100000, s24;
	[bflag:$0x2] =	sbarrier.arrive $0xFFFF  }
0x1d7: {  	[sflag:s0] =	ssyncadd.tile.s32 @!p0 $0x1;
	_ =	shalt  }
.LBB2_1:
.Ltmp3:
0x1d8: {  	(pc) =	sbr.rel .LBB2_6-.Ltmp3, $2  }
0x1d9: {  	_ =	sdelay $0x2  }
0x1da: {  	s26 =	simm.s32 $0x4800  }
.LBB2_3:
.Ltmp4:
0x1db: {  	s26 =	simm.s32 $0x4800;
	s24 =	rddreg [dreg:$0x3];
	(pc) =	sbr.rel .LBB2_6-.Ltmp4, $4  }
0x1dc: {  	s25 =	stileid.u32;
	s12 =	simm.s32 $0x4A00;
	s13 =	simm.s32 $0x4C00  }
0x1dd: {  	s14 =	simm.s32 $0x4E00;
	s15 =	simm.s32 $0x4000;
	s16 =	simm.s32 $0x4200  }
0x1de: {  	s17 =	simm.s32 $0x4400;
	s18 =	simm.s32 $0x4600;
	s19 =	simm.s32 $0x3800  }
0x1df: {  	s20 =	simm.s32 $0x3A00;
	s21 =	simm.s32 $0x3C00;
	s28 =	simm.s32 $0x3E00  }
.Lfunc_end2:
_tile_overlayer_lowered:
.L_overlay_start_2:
0x1e0: {  	(tag) =	ssettag $0x2  }
0x1e1: {  	s0 =	rddreg [dreg:$0x0];
	s2 =	stileid.u32  }
0x1e2: {  	s1 =	rddreg [dreg:$0x1];
	p0 =	sne.s32 s2, $0x0  }
0x1e3: {  	s3 =	rddreg [dreg:$0x2];
	[bflag:$0x3] =	sbarrier.arrive $0xFFFF;
	s2 =	simm.s32 @!p0 $0x1C02  }
0x1e4: {  	[timem:s3], [sflag:s2] =	dma.local @!p0 [hbm:s0], s1  }
0x1e5: {  	s0 =	simm.s32 @!p0 $0x2  }
0x1e6: {  	_ =	swait.ge @!p0 [sflag:s0], s1  }
0x1e7: {  	s1 =	ssub.s32 @!p0 $0x0, s1;
	[sflag:s0] =	ssyncset.done @!p0 $0x0  }
0x1e8: {  	[sflag:s0] =	ssyncadd.s32 @!p0 s1  }
0x1e9: {  	[bflag:$0x3] =	sbarrier.arrive $0xFFFF  }
0x1ea: {  	_ =	shalt  }

</sc_bundles>
